<compile_context>
chip_gen: v7x
topology: tpu7x:2x2x1
jax: 0.10.2.dev20260603
libtpu: 0.0.44.dev20260713+nightly
codegen_flags: <defaults>
</compile_context>

<pallas_src>
import functools

import jax
import jax.numpy as jnp
from jax import lax
from jax.experimental import pallas as pl
from jax.experimental.pallas import tpu as pltpu
from jax.experimental.pallas import tpu_sc as plsc

BATCH = 16384
SEQ = 200
EMBED = 32
HIDDEN = 128
CLS = 10

NC, NS = 2, 16
NW = NC * NS
ROWS_PER_W = BATCH // NW
HALF = 256
SEQ_A = 128
SEQ_B = SEQ - SEQ_A
NBUF = 4
INV_SEQ = 1.0 / SEQ


def _pool_sc(x, table):
    mesh = plsc.VectorSubcoreMesh(core_axis_name="c", subcore_axis_name="s")

    @functools.partial(
        pl.kernel,
        out_type=jax.ShapeDtypeStruct((BATCH, EMBED), jnp.float32),
        mesh=mesh,
        scratch_types=[
            pltpu.VMEM((HALF, SEQ), jnp.int32),
            pltpu.VMEM((NBUF, SEQ, EMBED), jnp.float32),
            pltpu.VMEM((HALF, EMBED), jnp.float32),
            [pltpu.SemaphoreType.DMA] * NBUF,
        ],
        compiler_params=pltpu.CompilerParams(use_tc_tiling_on_sc=False),
    )
    def k(x_hbm, tab_hbm, out_hbm, idx_v, g_v, o_v, sems):
        wid = lax.axis_index("s") * NC + lax.axis_index("c")
        base = wid * ROWS_PER_W

        def issue(row, b):
            pltpu.async_copy(
                tab_hbm.at[idx_v.at[row, pl.ds(0, SEQ_A)]],
                g_v.at[b, pl.ds(0, SEQ_A)], sems[b])
            pltpu.async_copy(
                tab_hbm.at[idx_v.at[row, pl.ds(SEQ_A, SEQ_B)]],
                g_v.at[b, pl.ds(SEQ_A, SEQ_B)], sems[b])

        def drain(b):
            pltpu.make_async_copy(
                tab_hbm.at[idx_v.at[0, pl.ds(0, SEQ_A)]],
                g_v.at[b, pl.ds(0, SEQ_A)], sems[b]).wait()
            pltpu.make_async_copy(
                tab_hbm.at[idx_v.at[0, pl.ds(SEQ_A, SEQ_B)]],
                g_v.at[b, pl.ds(SEQ_A, SEQ_B)], sems[b]).wait()

        for half in range(ROWS_PER_W // HALF):
            hbase = base + half * HALF
            pltpu.sync_copy(x_hbm.at[pl.ds(hbase, HALF)], idx_v)
            for b in range(NBUF):
                issue(b, b)

            @pl.loop(0, HALF, step=NBUF)
            def _rows(rc):
                for b in range(NBUF):
                    r = rc + b
                    drain(b)

                    def body(i, carry):
                        a0, a1 = carry
                        return (a0 + g_v[b, i, pl.ds(0, 16)],
                                a1 + g_v[b, i, pl.ds(16, 16)])

                    a0, a1 = lax.fori_loop(
                        0, SEQ, body,
                        (jnp.zeros((16,), jnp.float32),
                         jnp.zeros((16,), jnp.float32)),
                        unroll=8)
                    o_v[r, pl.ds(0, 16)] = a0 * INV_SEQ
                    o_v[r, pl.ds(16, 16)] = a1 * INV_SEQ

                    @pl.when(rc + NBUF < HALF)
                    def _prefetch():
                        issue(r + NBUF, b)

            pltpu.sync_copy(o_v, out_hbm.at[pl.ds(hbase, HALF)])

    return k(x, table)


def _mlp_tc(pooled, W1, b1, W2, b2):
    BB = 2048

    def body(p_ref, w1_ref, b1_ref, w2_ref, b2_ref, o_ref):
        h = jnp.dot(p_ref[...], w1_ref[...],
                    preferred_element_type=jnp.float32)
        h = jnp.maximum(h + b1_ref[...], 0.0)
        o_ref[...] = jnp.dot(h, w2_ref[...],
                             preferred_element_type=jnp.float32) + b2_ref[...]

    return pl.pallas_call(
        body,
        grid=(BATCH // BB,),
        in_specs=[
            pl.BlockSpec((BB, EMBED), lambda i: (i, 0)),
            pl.BlockSpec((EMBED, HIDDEN), lambda i: (0, 0)),
            pl.BlockSpec((1, HIDDEN), lambda i: (0, 0)),
            pl.BlockSpec((HIDDEN, CLS), lambda i: (0, 0)),
            pl.BlockSpec((1, CLS), lambda i: (0, 0)),
        ],
        out_specs=pl.BlockSpec((BB, CLS), lambda i: (i, 0)),
        out_shape=jax.ShapeDtypeStruct((BATCH, CLS), jnp.float32),
    )(pooled, W1, b1.reshape(1, HIDDEN), W2, b2.reshape(1, CLS))


def kernel(x, table, W1, b1, W2, b2):
    pooled = _pool_sc(x, table)
    return _mlp_tc(pooled, W1, b1, W2, b2)

# --- scband reference (transcript-rebuilt; emitter-appended) ---
"""Pipeline reference for scband-fast-text-57647051047249 (READ-ONLY COPY).

The authoritative reference and input builder live on the scoring server;
editing this copy changes nothing except your own understanding.
"""

import jax, jax.numpy as jnp
import numpy as np

VOCAB = 1000000
EMBED_DIM = 32
HIDDEN = 128
CLASS_NUM = 10
BATCH = 16384
SEQ = 200

def setup_inputs(seed: int = 0) -> dict:
    key = jax.random.key(seed)
    k_x, k_tab, k_w1, k_b1, k_w2, k_b2 = jax.random.split(key, 6)
    x = jax.random.randint(k_x, (BATCH, SEQ), 0, VOCAB, dtype=jnp.int64) if jax.config.jax_enable_x64 else jax.random.randint(k_x, (BATCH, SEQ), 0, VOCAB, dtype=jnp.int32)
    table = jax.random.normal(k_tab, (VOCAB, EMBED_DIM), dtype=jnp.float32) * 0.02
    W1 = jax.random.normal(k_w1, (EMBED_DIM, HIDDEN), dtype=jnp.float32) * (1.0 / np.sqrt(EMBED_DIM))
    b1 = jnp.zeros((HIDDEN,), dtype=jnp.float32)
    W2 = jax.random.normal(k_w2, (HIDDEN, CLASS_NUM), dtype=jnp.float32) * (1.0 / np.sqrt(HIDDEN))
    b2 = jnp.zeros((CLASS_NUM,), dtype=jnp.float32)
    return {"x": x, "table": table, "W1": W1, "b1": b1, "W2": W2, "b2": b2}

def reference(x, table, W1, b1, W2, b2):
    # Embedding lookup: gather rows of the table (SparseCore-friendly)
    emb = jnp.take(table, x, axis=0)            # [B, L, D]
    # FastText: mean-pool over sequence dimension
    pooled = jnp.mean(emb, axis=1)               # [B, D]
    # Hidden fc + relu
    h = jax.nn.relu(pooled @ W1 + b1)            # [B, H]
    # Output fc to class logits
    logits = h @ W2 + b2                         # [B, C]
    return logits

if __name__ == "__main__":
    import jax
    _d = setup_inputs()
    print(jax.jit(kernel)(*tuple(_d.values())))

</pallas_src>

<mosaic_0001>
#map = affine_map<(d0, d1) -> (0, 0)>
module attributes {stable_mosaic.version = 14 : i64} {
  func.func @k(%arg0: i32, %arg1: i32, %arg2: memref<16384x200xi32, #tpu.memory_space<hbm>>, %arg3: memref<1000000x32xf32, #tpu.memory_space<hbm>>, %arg4: memref<16384x32xf32, #tpu.memory_space<hbm>>, %arg5: memref<256x200xi32, #tpu.memory_space<vmem>>, %arg6: memref<4x200x32xf32, #tpu.memory_space<vmem>>, %arg7: memref<256x32xf32, #tpu.memory_space<vmem>>, %arg8: memref<!tpu.dma_semaphore, #tpu.memory_space<semaphore_mem>>, %arg9: memref<!tpu.dma_semaphore, #tpu.memory_space<semaphore_mem>>, %arg10: memref<!tpu.dma_semaphore, #tpu.memory_space<semaphore_mem>>, %arg11: memref<!tpu.dma_semaphore, #tpu.memory_space<semaphore_mem>>) attributes {dimension_semantics = [#tpu.dimension_semantics<core_parallel>, #tpu.dimension_semantics<subcore_parallel>], iteration_bounds = array<i64: 2, 16>, scalar_prefetch = 0 : i64, scratch_operands = 7 : i64, tpu.core_type = #tpu.core_type<sc_vector_subcore>, window_params = [{transform_indices = #map}, {transform_indices = #map}, {transform_indices = #map}]} {
    %mul3A = arith.constant 2 : i32
    %mul3A_0 = arith.muli %arg1, %mul3A : i32
    %add3A = arith.addi %mul3A_0, %arg0 : i32
    %mul3A_1 = arith.constant 512 : i32
    %mul3A_2 = arith.muli %add3A, %mul3A_1 : i32
    %add3A_3 = arith.constant 0 : i32
    %add3A_4 = arith.addi %mul3A_2, %add3A_3 : i32
    "tpu.region"() ({
      %run_scoped3A = tpu.sem_alloc : memref<!tpu.dma_semaphore, #tpu.memory_space<semaphore_mem>>
      %dma_start3A_207 = arith.constant 0 : i32
      %dma_start3A_208 = tpu.memref_slice %arg2[%add3A_4, %dma_start3A_207] : memref<16384x200xi32, #tpu.memory_space<hbm>> -> memref<256x200xi32, #tpu.memory_space<hbm>>
      %dma_start3A_209 = arith.constant 0 : i32
      %dma_start3A_210 = tpu.memref_slice %arg2[%add3A_4, %dma_start3A_209] : memref<16384x200xi32, #tpu.memory_space<hbm>> -> memref<256x200xi32, #tpu.memory_space<hbm>>
      tpu.enqueue_dma source(%dma_start3A_210 : memref<256x200xi32, #tpu.memory_space<hbm>>) target(%arg5 : memref<256x200xi32, #tpu.memory_space<vmem>>) target_semaphore(%run_scoped3A : memref<!tpu.dma_semaphore, #tpu.memory_space<semaphore_mem>>)
      %dma_wait3A = arith.constant 0 : i32
      %dma_wait3A_211 = tpu.memref_slice %arg2[%add3A_4, %dma_wait3A] : memref<16384x200xi32, #tpu.memory_space<hbm>> -> memref<256x200xi32, #tpu.memory_space<hbm>>
      %dma_wait3A_212 = arith.constant 0 : i32
      %dma_wait3A_213 = tpu.memref_slice %arg2[%add3A_4, %dma_wait3A_212] : memref<16384x200xi32, #tpu.memory_space<hbm>> -> memref<256x200xi32, #tpu.memory_space<hbm>>
      tpu.wait_dma2 semaphore(%run_scoped3A : memref<!tpu.dma_semaphore, #tpu.memory_space<semaphore_mem>>) src(%dma_wait3A_213 : memref<256x200xi32, #tpu.memory_space<hbm>>) dst(%arg5 : memref<256x200xi32, #tpu.memory_space<vmem>>)
      tpu.yield
    }) : () -> ()
    %dma_start3A = arith.constant 0 : i32
    %dma_start3A_5 = arith.constant 0 : i32
    %dma_start3A_6 = arith.constant 0 : i32
    %dma_start3A_7 = arith.constant 0 : i32
    %dma_start3A_8 = tpu.memref_slice %arg6[%dma_start3A_5, %dma_start3A_6, %dma_start3A_7] : memref<4x200x32xf32, #tpu.memory_space<vmem>> -> memref<1x128x32xf32, #tpu.memory_space<vmem>>
    %dma_start3A_9 = tpu.memref_squeeze %dma_start3A_8 : memref<1x128x32xf32, #tpu.memory_space<vmem>> -> memref<128x32xf32, #tpu.memory_space<vmem>>
    %dma_start3A_10 = arith.constant 0 : i32
    %dma_start3A_11 = tpu.memref_slice %arg5[%dma_start3A, %dma_start3A_10] : memref<256x200xi32, #tpu.memory_space<vmem>> -> memref<1x128xi32, #tpu.memory_space<vmem>>
    %dma_start3A_12 = tpu.memref_squeeze %dma_start3A_11 : memref<1x128xi32, #tpu.memory_space<vmem>> -> memref<128xi32, #tpu.memory_space<vmem>>
    %dma_start3A_13 = arith.constant 0 : i32
    %dma_start3A_14 = arith.constant 0 : i32
    %dma_start3A_15 = tpu.memref_slice %arg3[%dma_start3A_13, %dma_start3A_14] : memref<1000000x32xf32, #tpu.memory_space<hbm>> -> memref<1000000x32xf32, #tpu.memory_space<hbm>>
    tpu.enqueue_indirect_dma source(%dma_start3A_15 : memref<1000000x32xf32, #tpu.memory_space<hbm>>) target(%dma_start3A_9 : memref<128x32xf32, #tpu.memory_space<vmem>>) offsets(%dma_start3A_12 : memref<128xi32, #tpu.memory_space<vmem>>) semaphore(%arg8 : memref<!tpu.dma_semaphore, #tpu.memory_space<semaphore_mem>>)
    %dma_start3A_16 = arith.constant 0 : i32
    %dma_start3A_17 = arith.constant 0 : i32
    %dma_start3A_18 = arith.constant 128 : i32
    %dma_start3A_19 = arith.constant 0 : i32
    %dma_start3A_20 = tpu.memref_slice %arg6[%dma_start3A_17, %dma_start3A_18, %dma_start3A_19] : memref<4x200x32xf32, #tpu.memory_space<vmem>> -> memref<1x72x32xf32, #tpu.memory_space<vmem>>
    %dma_start3A_21 = tpu.memref_squeeze %dma_start3A_20 : memref<1x72x32xf32, #tpu.memory_space<vmem>> -> memref<72x32xf32, #tpu.memory_space<vmem>>
    %dma_start3A_22 = arith.constant 128 : i32
    %dma_start3A_23 = tpu.memref_slice %arg5[%dma_start3A_16, %dma_start3A_22] : memref<256x200xi32, #tpu.memory_space<vmem>> -> memref<1x72xi32, #tpu.memory_space<vmem>>
    %dma_start3A_24 = tpu.memref_squeeze %dma_start3A_23 : memref<1x72xi32, #tpu.memory_space<vmem>> -> memref<72xi32, #tpu.memory_space<vmem>>
    %dma_start3A_25 = arith.constant 0 : i32
    %dma_start3A_26 = arith.constant 0 : i32
    %dma_start3A_27 = tpu.memref_slice %arg3[%dma_start3A_25, %dma_start3A_26] : memref<1000000x32xf32, #tpu.memory_space<hbm>> -> memref<1000000x32xf32, #tpu.memory_space<hbm>>
    tpu.enqueue_indirect_dma source(%dma_start3A_27 : memref<1000000x32xf32, #tpu.memory_space<hbm>>) target(%dma_start3A_21 : memref<72x32xf32, #tpu.memory_space<vmem>>) offsets(%dma_start3A_24 : memref<72xi32, #tpu.memory_space<vmem>>) semaphore(%arg8 : memref<!tpu.dma_semaphore, #tpu.memory_space<semaphore_mem>>)
    %dma_start3A_28 = arith.constant 1 : i32
    %dma_start3A_29 = arith.constant 1 : i32
    %dma_start3A_30 = arith.constant 0 : i32
    %dma_start3A_31 = arith.constant 0 : i32
    %dma_start3A_32 = tpu.memref_slice %arg6[%dma_start3A_29, %dma_start3A_30, %dma_start3A_31] : memref<4x200x32xf32, #tpu.memory_space<vmem>> -> memref<1x128x32xf32, #tpu.memory_space<vmem>>
    %dma_start3A_33 = tpu.memref_squeeze %dma_start3A_32 : memref<1x128x32xf32, #tpu.memory_space<vmem>> -> memref<128x32xf32, #tpu.memory_space<vmem>>
    %dma_start3A_34 = arith.constant 0 : i32
    %dma_start3A_35 = tpu.memref_slice %arg5[%dma_start3A_28, %dma_start3A_34] : memref<256x200xi32, #tpu.memory_space<vmem>> -> memref<1x128xi32, #tpu.memory_space<vmem>>
    %dma_start3A_36 = tpu.memref_squeeze %dma_start3A_35 : memref<1x128xi32, #tpu.memory_space<vmem>> -> memref<128xi32, #tpu.memory_space<vmem>>
    %dma_start3A_37 = arith.constant 0 : i32
    %dma_start3A_38 = arith.constant 0 : i32
    %dma_start3A_39 = tpu.memref_slice %arg3[%dma_start3A_37, %dma_start3A_38] : memref<1000000x32xf32, #tpu.memory_space<hbm>> -> memref<1000000x32xf32, #tpu.memory_space<hbm>>
    tpu.enqueue_indirect_dma source(%dma_start3A_39 : memref<1000000x32xf32, #tpu.memory_space<hbm>>) target(%dma_start3A_33 : memref<128x32xf32, #tpu.memory_space<vmem>>) offsets(%dma_start3A_36 : memref<128xi32, #tpu.memory_space<vmem>>) semaphore(%arg9 : memref<!tpu.dma_semaphore, #tpu.memory_space<semaphore_mem>>)
    %dma_start3A_40 = arith.constant 1 : i32
    %dma_start3A_41 = arith.constant 1 : i32
    %dma_start3A_42 = arith.constant 128 : i32
    %dma_start3A_43 = arith.constant 0 : i32
    %dma_start3A_44 = tpu.memref_slice %arg6[%dma_start3A_41, %dma_start3A_42, %dma_start3A_43] : memref<4x200x32xf32, #tpu.memory_space<vmem>> -> memref<1x72x32xf32, #tpu.memory_space<vmem>>
    %dma_start3A_45 = tpu.memref_squeeze %dma_start3A_44 : memref<1x72x32xf32, #tpu.memory_space<vmem>> -> memref<72x32xf32, #tpu.memory_space<vmem>>
    %dma_start3A_46 = arith.constant 128 : i32
    %dma_start3A_47 = tpu.memref_slice %arg5[%dma_start3A_40, %dma_start3A_46] : memref<256x200xi32, #tpu.memory_space<vmem>> -> memref<1x72xi32, #tpu.memory_space<vmem>>
    %dma_start3A_48 = tpu.memref_squeeze %dma_start3A_47 : memref<1x72xi32, #tpu.memory_space<vmem>> -> memref<72xi32, #tpu.memory_space<vmem>>
    %dma_start3A_49 = arith.constant 0 : i32
    %dma_start3A_50 = arith.constant 0 : i32
    %dma_start3A_51 = tpu.memref_slice %arg3[%dma_start3A_49, %dma_start3A_50] : memref<1000000x32xf32, #tpu.memory_space<hbm>> -> memref<1000000x32xf32, #tpu.memory_space<hbm>>
    tpu.enqueue_indirect_dma source(%dma_start3A_51 : memref<1000000x32xf32, #tpu.memory_space<hbm>>) target(%dma_start3A_45 : memref<72x32xf32, #tpu.memory_space<vmem>>) offsets(%dma_start3A_48 : memref<72xi32, #tpu.memory_space<vmem>>) semaphore(%arg9 : memref<!tpu.dma_semaphore, #tpu.memory_space<semaphore_mem>>)
    %dma_start3A_52 = arith.constant 2 : i32
    %dma_start3A_53 = arith.constant 2 : i32
    %dma_start3A_54 = arith.constant 0 : i32
    %dma_start3A_55 = arith.constant 0 : i32
    %dma_start3A_56 = tpu.memref_slice %arg6[%dma_start3A_53, %dma_start3A_54, %dma_start3A_55] : memref<4x200x32xf32, #tpu.memory_space<vmem>> -> memref<1x128x32xf32, #tpu.memory_space<vmem>>
    %dma_start3A_57 = tpu.memref_squeeze %dma_start3A_56 : memref<1x128x32xf32, #tpu.memory_space<vmem>> -> memref<128x32xf32, #tpu.memory_space<vmem>>
    %dma_start3A_58 = arith.constant 0 : i32
    %dma_start3A_59 = tpu.memref_slice %arg5[%dma_start3A_52, %dma_start3A_58] : memref<256x200xi32, #tpu.memory_space<vmem>> -> memref<1x128xi32, #tpu.memory_space<vmem>>
    %dma_start3A_60 = tpu.memref_squeeze %dma_start3A_59 : memref<1x128xi32, #tpu.memory_space<vmem>> -> memref<128xi32, #tpu.memory_space<vmem>>
    %dma_start3A_61 = arith.constant 0 : i32
    %dma_start3A_62 = arith.constant 0 : i32
    %dma_start3A_63 = tpu.memref_slice %arg3[%dma_start3A_61, %dma_start3A_62] : memref<1000000x32xf32, #tpu.memory_space<hbm>> -> memref<1000000x32xf32, #tpu.memory_space<hbm>>
    tpu.enqueue_indirect_dma source(%dma_start3A_63 : memref<1000000x32xf32, #tpu.memory_space<hbm>>) target(%dma_start3A_57 : memref<128x32xf32, #tpu.memory_space<vmem>>) offsets(%dma_start3A_60 : memref<128xi32, #tpu.memory_space<vmem>>) semaphore(%arg10 : memref<!tpu.dma_semaphore, #tpu.memory_space<semaphore_mem>>)
    %dma_start3A_64 = arith.constant 2 : i32
    %dma_start3A_65 = arith.constant 2 : i32
    %dma_start3A_66 = arith.constant 128 : i32
    %dma_start3A_67 = arith.constant 0 : i32
    %dma_start3A_68 = tpu.memref_slice %arg6[%dma_start3A_65, %dma_start3A_66, %dma_start3A_67] : memref<4x200x32xf32, #tpu.memory_space<vmem>> -> memref<1x72x32xf32, #tpu.memory_space<vmem>>
    %dma_start3A_69 = tpu.memref_squeeze %dma_start3A_68 : memref<1x72x32xf32, #tpu.memory_space<vmem>> -> memref<72x32xf32, #tpu.memory_space<vmem>>
    %dma_start3A_70 = arith.constant 128 : i32
    %dma_start3A_71 = tpu.memref_slice %arg5[%dma_start3A_64, %dma_start3A_70] : memref<256x200xi32, #tpu.memory_space<vmem>> -> memref<1x72xi32, #tpu.memory_space<vmem>>
    %dma_start3A_72 = tpu.memref_squeeze %dma_start3A_71 : memref<1x72xi32, #tpu.memory_space<vmem>> -> memref<72xi32, #tpu.memory_space<vmem>>
    %dma_start3A_73 = arith.constant 0 : i32
    %dma_start3A_74 = arith.constant 0 : i32
    %dma_start3A_75 = tpu.memref_slice %arg3[%dma_start3A_73, %dma_start3A_74] : memref<1000000x32xf32, #tpu.memory_space<hbm>> -> memref<1000000x32xf32, #tpu.memory_space<hbm>>
    tpu.enqueue_indirect_dma source(%dma_start3A_75 : memref<1000000x32xf32, #tpu.memory_space<hbm>>) target(%dma_start3A_69 : memref<72x32xf32, #tpu.memory_space<vmem>>) offsets(%dma_start3A_72 : memref<72xi32, #tpu.memory_space<vmem>>) semaphore(%arg10 : memref<!tpu.dma_semaphore, #tpu.memory_space<semaphore_mem>>)
    %dma_start3A_76 = arith.constant 3 : i32
    %dma_start3A_77 = arith.constant 3 : i32
    %dma_start3A_78 = arith.constant 0 : i32
    %dma_start3A_79 = arith.constant 0 : i32
    %dma_start3A_80 = tpu.memref_slice %arg6[%dma_start3A_77, %dma_start3A_78, %dma_start3A_79] : memref<4x200x32xf32, #tpu.memory_space<vmem>> -> memref<1x128x32xf32, #tpu.memory_space<vmem>>
    %dma_start3A_81 = tpu.memref_squeeze %dma_start3A_80 : memref<1x128x32xf32, #tpu.memory_space<vmem>> -> memref<128x32xf32, #tpu.memory_space<vmem>>
    %dma_start3A_82 = arith.constant 0 : i32
    %dma_start3A_83 = tpu.memref_slice %arg5[%dma_start3A_76, %dma_start3A_82] : memref<256x200xi32, #tpu.memory_space<vmem>> -> memref<1x128xi32, #tpu.memory_space<vmem>>
    %dma_start3A_84 = tpu.memref_squeeze %dma_start3A_83 : memref<1x128xi32, #tpu.memory_space<vmem>> -> memref<128xi32, #tpu.memory_space<vmem>>
    %dma_start3A_85 = arith.constant 0 : i32
    %dma_start3A_86 = arith.constant 0 : i32
    %dma_start3A_87 = tpu.memref_slice %arg3[%dma_start3A_85, %dma_start3A_86] : memref<1000000x32xf32, #tpu.memory_space<hbm>> -> memref<1000000x32xf32, #tpu.memory_space<hbm>>
    tpu.enqueue_indirect_dma source(%dma_start3A_87 : memref<1000000x32xf32, #tpu.memory_space<hbm>>) target(%dma_start3A_81 : memref<128x32xf32, #tpu.memory_space<vmem>>) offsets(%dma_start3A_84 : memref<128xi32, #tpu.memory_space<vmem>>) semaphore(%arg11 : memref<!tpu.dma_semaphore, #tpu.memory_space<semaphore_mem>>)
    %dma_start3A_88 = arith.constant 3 : i32
    %dma_start3A_89 = arith.constant 3 : i32
    %dma_start3A_90 = arith.constant 128 : i32
    %dma_start3A_91 = arith.constant 0 : i32
    %dma_start3A_92 = tpu.memref_slice %arg6[%dma_start3A_89, %dma_start3A_90, %dma_start3A_91] : memref<4x200x32xf32, #tpu.memory_space<vmem>> -> memref<1x72x32xf32, #tpu.memory_space<vmem>>
    %dma_start3A_93 = tpu.memref_squeeze %dma_start3A_92 : memref<1x72x32xf32, #tpu.memory_space<vmem>> -> memref<72x32xf32, #tpu.memory_space<vmem>>
    %dma_start3A_94 = arith.constant 128 : i32
    %dma_start3A_95 = tpu.memref_slice %arg5[%dma_start3A_88, %dma_start3A_94] : memref<256x200xi32, #tpu.memory_space<vmem>> -> memref<1x72xi32, #tpu.memory_space<vmem>>
    %dma_start3A_96 = tpu.memref_squeeze %dma_start3A_95 : memref<1x72xi32, #tpu.memory_space<vmem>> -> memref<72xi32, #tpu.memory_space<vmem>>
    %dma_start3A_97 = arith.constant 0 : i32
    %dma_start3A_98 = arith.constant 0 : i32
    %dma_start3A_99 = tpu.memref_slice %arg3[%dma_start3A_97, %dma_start3A_98] : memref<1000000x32xf32, #tpu.memory_space<hbm>> -> memref<1000000x32xf32, #tpu.memory_space<hbm>>
    tpu.enqueue_indirect_dma source(%dma_start3A_99 : memref<1000000x32xf32, #tpu.memory_space<hbm>>) target(%dma_start3A_93 : memref<72x32xf32, #tpu.memory_space<vmem>>) offsets(%dma_start3A_96 : memref<72xi32, #tpu.memory_space<vmem>>) semaphore(%arg11 : memref<!tpu.dma_semaphore, #tpu.memory_space<semaphore_mem>>)
    %scan3A = arith.constant 0 : i32
    %scan3A_100 = arith.constant 64 : i32
    %scan3A_101 = arith.addi %scan3A, %scan3A_100 : i32
    %scan3A_102 = arith.constant 1 : i32
    scf.for %scan3A_207 = %scan3A to %scan3A_101 step %scan3A_102  : i32 {
      %mul3A_208 = arith.constant 4 : i32
      %mul3A_209 = arith.muli %scan3A_207, %mul3A_208 : i32
      %add3A_210 = arith.constant 0 : i32
      %add3A_211 = arith.addi %add3A_210, %mul3A_209 : i32
      %add3A_212 = arith.constant 0 : i32
      %add3A_213 = arith.addi %add3A_211, %add3A_212 : i32
      %dma_wait3A = arith.constant 0 : i32
      %dma_wait3A_214 = arith.constant 0 : i32
      %dma_wait3A_215 = arith.constant 0 : i32
      %dma_wait3A_216 = arith.constant 0 : i32
      %dma_wait3A_217 = tpu.memref_slice %arg6[%dma_wait3A_214, %dma_wait3A_215, %dma_wait3A_216] : memref<4x200x32xf32, #tpu.memory_space<vmem>> -> memref<1x128x32xf32, #tpu.memory_space<vmem>>
      %dma_wait3A_218 = tpu.memref_squeeze %dma_wait3A_217 : memref<1x128x32xf32, #tpu.memory_space<vmem>> -> memref<128x32xf32, #tpu.memory_space<vmem>>
      %dma_wait3A_219 = arith.constant 0 : i32
      %dma_wait3A_220 = tpu.memref_slice %arg5[%dma_wait3A, %dma_wait3A_219] : memref<256x200xi32, #tpu.memory_space<vmem>> -> memref<1x128xi32, #tpu.memory_space<vmem>>
      %dma_wait3A_221 = tpu.memref_squeeze %dma_wait3A_220 : memref<1x128xi32, #tpu.memory_space<vmem>> -> memref<128xi32, #tpu.memory_space<vmem>>
      %dma_wait3A_222 = arith.constant 0 : i32
      %dma_wait3A_223 = arith.constant 0 : i32
      %dma_wait3A_224 = tpu.memref_slice %arg3[%dma_wait3A_222, %dma_wait3A_223] : memref<1000000x32xf32, #tpu.memory_space<hbm>> -> memref<1000000x32xf32, #tpu.memory_space<hbm>>
      tpu.wait_indirect_dma semaphore(%arg8 : memref<!tpu.dma_semaphore, #tpu.memory_space<semaphore_mem>>) src(%dma_wait3A_224 : memref<1000000x32xf32, #tpu.memory_space<hbm>>) dst(%dma_wait3A_218 : memref<128x32xf32, #tpu.memory_space<vmem>>)
      %dma_wait3A_225 = arith.constant 0 : i32
      %dma_wait3A_226 = arith.constant 0 : i32
      %dma_wait3A_227 = arith.constant 128 : i32
      %dma_wait3A_228 = arith.constant 0 : i32
      %dma_wait3A_229 = tpu.memref_slice %arg6[%dma_wait3A_226, %dma_wait3A_227, %dma_wait3A_228] : memref<4x200x32xf32, #tpu.memory_space<vmem>> -> memref<1x72x32xf32, #tpu.memory_space<vmem>>
      %dma_wait3A_230 = tpu.memref_squeeze %dma_wait3A_229 : memref<1x72x32xf32, #tpu.memory_space<vmem>> -> memref<72x32xf32, #tpu.memory_space<vmem>>
      %dma_wait3A_231 = arith.constant 128 : i32
      %dma_wait3A_232 = tpu.memref_slice %arg5[%dma_wait3A_225, %dma_wait3A_231] : memref<256x200xi32, #tpu.memory_space<vmem>> -> memref<1x72xi32, #tpu.memory_space<vmem>>
      %dma_wait3A_233 = tpu.memref_squeeze %dma_wait3A_232 : memref<1x72xi32, #tpu.memory_space<vmem>> -> memref<72xi32, #tpu.memory_space<vmem>>
      %dma_wait3A_234 = arith.constant 0 : i32
      %dma_wait3A_235 = arith.constant 0 : i32
      %dma_wait3A_236 = tpu.memref_slice %arg3[%dma_wait3A_234, %dma_wait3A_235] : memref<1000000x32xf32, #tpu.memory_space<hbm>> -> memref<1000000x32xf32, #tpu.memory_space<hbm>>
      tpu.wait_indirect_dma semaphore(%arg8 : memref<!tpu.dma_semaphore, #tpu.memory_space<semaphore_mem>>) src(%dma_wait3A_236 : memref<1000000x32xf32, #tpu.memory_space<hbm>>) dst(%dma_wait3A_230 : memref<72x32xf32, #tpu.memory_space<vmem>>)
      %broadcast_in_dim3A = arith.constant 0.000000e+00 : f32
      %broadcast_in_dim3A_237 = vector.broadcast %broadcast_in_dim3A : f32 to vector<16xf32>
      %broadcast_in_dim3A_238 = arith.constant 0.000000e+00 : f32
      %broadcast_in_dim3A_239 = vector.broadcast %broadcast_in_dim3A_238 : f32 to vector<16xf32>
      %scan3A_240 = arith.constant 0 : i32
      %scan3A_241 = arith.constant 200 : i32
      %scan3A_242 = arith.addi %scan3A_240, %scan3A_241 : i32
      %scan3A_243 = arith.constant 8 : i32
      %scan3A_244:2 = scf.for %scan3A_442 = %scan3A_240 to %scan3A_242 step %scan3A_243 iter_args(%scan3A_443 = %broadcast_in_dim3A_237, %scan3A_444 = %broadcast_in_dim3A_239) -> (vector<16xf32>, vector<16xf32>)  : i32 {
        %get3A = arith.constant 0 : i32
        %get3A_445 = arith.index_cast %get3A : i32 to index
        %get3A_446 = arith.index_cast %scan3A_442 : i32 to index
        %get3A_447 = arith.constant 0 : index
        %get3A_448 = tpu.vector_load %arg6[%get3A_445, %get3A_446, %get3A_447] {strides = array<i32>} : memref<4x200x32xf32, #tpu.memory_space<vmem>>, vector<1x1x16xf32>,
        %get3A_449 = vector.shape_cast %get3A_448 : vector<1x1x16xf32> to vector<16xf32>
        %add3A_450 = arith.addf %scan3A_443, %get3A_449 : vector<16xf32>
        %get3A_451 = arith.constant 0 : i32
        %get3A_452 = arith.index_cast %get3A_451 : i32 to index
        %get3A_453 = arith.index_cast %scan3A_442 : i32 to index
        %get3A_454 = arith.constant 16 : index
        %get3A_455 = tpu.vector_load %arg6[%get3A_452, %get3A_453, %get3A_454] {strides = array<i32>} : memref<4x200x32xf32, #tpu.memory_space<vmem>>, vector<1x1x16xf32>,
        %get3A_456 = vector.shape_cast %get3A_455 : vector<1x1x16xf32> to vector<16xf32>
        %add3A_457 = arith.addf %scan3A_444, %get3A_456 : vector<16xf32>
        %scan3A_458 = arith.constant 1 : i32
        %scan3A_459 = arith.addi %scan3A_442, %scan3A_458 : i32
        %get3A_460 = arith.constant 0 : i32
        %get3A_461 = arith.index_cast %get3A_460 : i32 to index
        %get3A_462 = arith.index_cast %scan3A_459 : i32 to index
        %get3A_463 = arith.constant 0 : index
        %get3A_464 = tpu.vector_load %arg6[%get3A_461, %get3A_462, %get3A_463] {strides = array<i32>} : memref<4x200x32xf32, #tpu.memory_space<vmem>>, vector<1x1x16xf32>,
        %get3A_465 = vector.shape_cast %get3A_464 : vector<1x1x16xf32> to vector<16xf32>
        %add3A_466 = arith.addf %add3A_450, %get3A_465 : vector<16xf32>
        %get3A_467 = arith.constant 0 : i32
        %get3A_468 = arith.index_cast %get3A_467 : i32 to index
        %get3A_469 = arith.index_cast %scan3A_459 : i32 to index
        %get3A_470 = arith.constant 16 : index
        %get3A_471 = tpu.vector_load %arg6[%get3A_468, %get3A_469, %get3A_470] {strides = array<i32>} : memref<4x200x32xf32, #tpu.memory_space<vmem>>, vector<1x1x16xf32>,
        %get3A_472 = vector.shape_cast %get3A_471 : vector<1x1x16xf32> to vector<16xf32>
        %add3A_473 = arith.addf %add3A_457, %get3A_472 : vector<16xf32>
        %scan3A_474 = arith.constant 2 : i32
        %scan3A_475 = arith.addi %scan3A_442, %scan3A_474 : i32
        %get3A_476 = arith.constant 0 : i32
        %get3A_477 = arith.index_cast %get3A_476 : i32 to index
        %get3A_478 = arith.index_cast %scan3A_475 : i32 to index
        %get3A_479 = arith.constant 0 : index
        %get3A_480 = tpu.vector_load %arg6[%get3A_477, %get3A_478, %get3A_479] {strides = array<i32>} : memref<4x200x32xf32, #tpu.memory_space<vmem>>, vector<1x1x16xf32>,
        %get3A_481 = vector.shape_cast %get3A_480 : vector<1x1x16xf32> to vector<16xf32>
        %add3A_482 = arith.addf %add3A_466, %get3A_481 : vector<16xf32>
        %get3A_483 = arith.constant 0 : i32
        %get3A_484 = arith.index_cast %get3A_483 : i32 to index
        %get3A_485 = arith.index_cast %scan3A_475 : i32 to index
        %get3A_486 = arith.constant 16 : index
        %get3A_487 = tpu.vector_load %arg6[%get3A_484, %get3A_485, %get3A_486] {strides = array<i32>} : memref<4x200x32xf32, #tpu.memory_space<vmem>>, vector<1x1x16xf32>,
        %get3A_488 = vector.shape_cast %get3A_487 : vector<1x1x16xf32> to vector<16xf32>
        %add3A_489 = arith.addf %add3A_473, %get3A_488 : vector<16xf32>
        %scan3A_490 = arith.constant 3 : i32
        %scan3A_491 = arith.addi %scan3A_442, %scan3A_490 : i32
        %get3A_492 = arith.constant 0 : i32
        %get3A_493 = arith.index_cast %get3A_492 : i32 to index
        %get3A_494 = arith.index_cast %scan3A_491 : i32 to index
        %get3A_495 = arith.constant 0 : index
        %get3A_496 = tpu.vector_load %arg6[%get3A_493, %get3A_494, %get3A_495] {strides = array<i32>} : memref<4x200x32xf32, #tpu.memory_space<vmem>>, vector<1x1x16xf32>,
        %get3A_497 = vector.shape_cast %get3A_496 : vector<1x1x16xf32> to vector<16xf32>
        %add3A_498 = arith.addf %add3A_482, %get3A_497 : vector<16xf32>
        %get3A_499 = arith.constant 0 : i32
        %get3A_500 = arith.index_cast %get3A_499 : i32 to index
        %get3A_501 = arith.index_cast %scan3A_491 : i32 to index
        %get3A_502 = arith.constant 16 : index
        %get3A_503 = tpu.vector_load %arg6[%get3A_500, %get3A_501, %get3A_502] {strides = array<i32>} : memref<4x200x32xf32, #tpu.memory_space<vmem>>, vector<1x1x16xf32>,
        %get3A_504 = vector.shape_cast %get3A_503 : vector<1x1x16xf32> to vector<16xf32>
        %add3A_505 = arith.addf %add3A_489, %get3A_504 : vector<16xf32>
        %scan3A_506 = arith.constant 4 : i32
        %scan3A_507 = arith.addi %scan3A_442, %scan3A_506 : i32
        %get3A_508 = arith.constant 0 : i32
        %get3A_509 = arith.index_cast %get3A_508 : i32 to index
        %get3A_510 = arith.index_cast %scan3A_507 : i32 to index
        %get3A_511 = arith.constant 0 : index
        %get3A_512 = tpu.vector_load %arg6[%get3A_509, %get3A_510, %get3A_511] {strides = array<i32>} : memref<4x200x32xf32, #tpu.memory_space<vmem>>, vector<1x1x16xf32>,
        %get3A_513 = vector.shape_cast %get3A_512 : vector<1x1x16xf32> to vector<16xf32>
        %add3A_514 = arith.addf %add3A_498, %get3A_513 : vector<16xf32>
        %get3A_515 = arith.constant 0 : i32
        %get3A_516 = arith.index_cast %get3A_515 : i32 to index
        %get3A_517 = arith.index_cast %scan3A_507 : i32 to index
        %get3A_518 = arith.constant 16 : index
        %get3A_519 = tpu.vector_load %arg6[%get3A_516, %get3A_517, %get3A_518] {strides = array<i32>} : memref<4x200x32xf32, #tpu.memory_space<vmem>>, vector<1x1x16xf32>,
        %get3A_520 = vector.shape_cast %get3A_519 : vector<1x1x16xf32> to vector<16xf32>
        %add3A_521 = arith.addf %add3A_505, %get3A_520 : vector<16xf32>
        %scan3A_522 = arith.constant 5 : i32
        %scan3A_523 = arith.addi %scan3A_442, %scan3A_522 : i32
        %get3A_524 = arith.constant 0 : i32
        %get3A_525 = arith.index_cast %get3A_524 : i32 to index
        %get3A_526 = arith.index_cast %scan3A_523 : i32 to index
        %get3A_527 = arith.constant 0 : index
        %get3A_528 = tpu.vector_load %arg6[%get3A_525, %get3A_526, %get3A_527] {strides = array<i32>} : memref<4x200x32xf32, #tpu.memory_space<vmem>>, vector<1x1x16xf32>,
        %get3A_529 = vector.shape_cast %get3A_528 : vector<1x1x16xf32> to vector<16xf32>
        %add3A_530 = arith.addf %add3A_514, %get3A_529 : vector<16xf32>
        %get3A_531 = arith.constant 0 : i32
        %get3A_532 = arith.index_cast %get3A_531 : i32 to index
        %get3A_533 = arith.index_cast %scan3A_523 : i32 to index
        %get3A_534 = arith.constant 16 : index
        %get3A_535 = tpu.vector_load %arg6[%get3A_532, %get3A_533, %get3A_534] {strides = array<i32>} : memref<4x200x32xf32, #tpu.memory_space<vmem>>, vector<1x1x16xf32>,
        %get3A_536 = vector.shape_cast %get3A_535 : vector<1x1x16xf32> to vector<16xf32>
        %add3A_537 = arith.addf %add3A_521, %get3A_536 : vector<16xf32>
        %scan3A_538 = arith.constant 6 : i32
        %scan3A_539 = arith.addi %scan3A_442, %scan3A_538 : i32
        %get3A_540 = arith.constant 0 : i32
        %get3A_541 = arith.index_cast %get3A_540 : i32 to index
        %get3A_542 = arith.index_cast %scan3A_539 : i32 to index
        %get3A_543 = arith.constant 0 : index
        %get3A_544 = tpu.vector_load %arg6[%get3A_541, %get3A_542, %get3A_543] {strides = array<i32>} : memref<4x200x32xf32, #tpu.memory_space<vmem>>, vector<1x1x16xf32>,
        %get3A_545 = vector.shape_cast %get3A_544 : vector<1x1x16xf32> to vector<16xf32>
        %add3A_546 = arith.addf %add3A_530, %get3A_545 : vector<16xf32>
        %get3A_547 = arith.constant 0 : i32
        %get3A_548 = arith.index_cast %get3A_547 : i32 to index
        %get3A_549 = arith.index_cast %scan3A_539 : i32 to index
        %get3A_550 = arith.constant 16 : index
        %get3A_551 = tpu.vector_load %arg6[%get3A_548, %get3A_549, %get3A_550] {strides = array<i32>} : memref<4x200x32xf32, #tpu.memory_space<vmem>>, vector<1x1x16xf32>,
        %get3A_552 = vector.shape_cast %get3A_551 : vector<1x1x16xf32> to vector<16xf32>
        %add3A_553 = arith.addf %add3A_537, %get3A_552 : vector<16xf32>
        %scan3A_554 = arith.constant 7 : i32
        %scan3A_555 = arith.addi %scan3A_442, %scan3A_554 : i32
        %get3A_556 = arith.constant 0 : i32
        %get3A_557 = arith.index_cast %get3A_556 : i32 to index
        %get3A_558 = arith.index_cast %scan3A_555 : i32 to index
        %get3A_559 = arith.constant 0 : index
        %get3A_560 = tpu.vector_load %arg6[%get3A_557, %get3A_558, %get3A_559] {strides = array<i32>} : memref<4x200x32xf32, #tpu.memory_space<vmem>>, vector<1x1x16xf32>,
        %get3A_561 = vector.shape_cast %get3A_560 : vector<1x1x16xf32> to vector<16xf32>
        %add3A_562 = arith.addf %add3A_546, %get3A_561 : vector<16xf32>
        %get3A_563 = arith.constant 0 : i32
        %get3A_564 = arith.index_cast %get3A_563 : i32 to index
        %get3A_565 = arith.index_cast %scan3A_555 : i32 to index
        %get3A_566 = arith.constant 16 : index
        %get3A_567 = tpu.vector_load %arg6[%get3A_564, %get3A_565, %get3A_566] {strides = array<i32>} : memref<4x200x32xf32, #tpu.memory_space<vmem>>, vector<1x1x16xf32>,
        %get3A_568 = vector.shape_cast %get3A_567 : vector<1x1x16xf32> to vector<16xf32>
        %add3A_569 = arith.addf %add3A_553, %get3A_568 : vector<16xf32>
        scf.yield %add3A_562, %add3A_569 : vector<16xf32>, vector<16xf32>
      }
      %scan3A_245 = arith.constant 200 : i32
      %mul3A_246 = arith.constant 5.000000e-03 : f32
      %mul3A_247 = vector.broadcast %mul3A_246 : f32 to vector<16xf32>
      %mul3A_248 = arith.mulf %scan3A_244#0, %mul3A_247 : vector<16xf32>
      %swap3A = arith.index_cast %add3A_213 : i32 to index
      %swap3A_249 = arith.constant 0 : index
      %swap3A_250 = tpu.vector_load %arg7[%swap3A, %swap3A_249] {strides = array<i32>} : memref<256x32xf32, #tpu.memory_space<vmem>>, vector<1x16xf32>,
      %swap3A_251 = vector.shape_cast %swap3A_250 : vector<1x16xf32> to vector<16xf32>
      %swap3A_252 = vector.shape_cast %mul3A_248 : vector<16xf32> to vector<1x16xf32>
      tpu.vector_store %arg7[%swap3A, %swap3A_249], %swap3A_252 {strides = array<i32>} : memref<256x32xf32, #tpu.memory_space<vmem>>, vector<1x16xf32>,
      %mul3A_253 = arith.constant 5.000000e-03 : f32
      %mul3A_254 = vector.broadcast %mul3A_253 : f32 to vector<16xf32>
      %mul3A_255 = arith.mulf %scan3A_244#1, %mul3A_254 : vector<16xf32>
      %swap3A_256 = arith.index_cast %add3A_213 : i32 to index
      %swap3A_257 = arith.constant 16 : index
      %swap3A_258 = tpu.vector_load %arg7[%swap3A_256, %swap3A_257] {strides = array<i32>} : memref<256x32xf32, #tpu.memory_space<vmem>>, vector<1x16xf32>,
      %swap3A_259 = vector.shape_cast %swap3A_258 : vector<1x16xf32> to vector<16xf32>
      %swap3A_260 = vector.shape_cast %mul3A_255 : vector<16xf32> to vector<1x16xf32>
      tpu.vector_store %arg7[%swap3A_256, %swap3A_257], %swap3A_260 {strides = array<i32>} : memref<256x32xf32, #tpu.memory_space<vmem>>, vector<1x16xf32>,
      %add3A_261 = arith.constant 4 : i32
      %add3A_262 = arith.addi %add3A_211, %add3A_261 : i32
      %lt3A = arith.constant 256 : i32
      %lt3A_263 = arith.cmpi slt, %add3A_262, %lt3A : i32
      %convert_element_type3A = arith.extui %lt3A_263 : i1 to i32
      %cond3A = arith.constant 0 : i32
      %cond3A_264 = arith.cmpi ne, %convert_element_type3A, %cond3A : i32
      scf.if %cond3A_264 {
        %add3A_442 = arith.constant 4 : i32
        %add3A_443 = arith.addi %add3A_213, %add3A_442 : i32
        %dma_start3A_444 = arith.constant 0 : i32
        %dma_start3A_445 = arith.constant 0 : i32
        %dma_start3A_446 = arith.constant 0 : i32
        %dma_start3A_447 = tpu.memref_slice %arg6[%dma_start3A_444, %dma_start3A_445, %dma_start3A_446] : memref<4x200x32xf32, #tpu.memory_space<vmem>> -> memref<1x128x32xf32, #tpu.memory_space<vmem>>
        %dma_start3A_448 = tpu.memref_squeeze %dma_start3A_447 : memref<1x128x32xf32, #tpu.memory_space<vmem>> -> memref<128x32xf32, #tpu.memory_space<vmem>>
        %dma_start3A_449 = arith.constant 0 : i32
        %dma_start3A_450 = tpu.memref_slice %arg5[%add3A_443, %dma_start3A_449] : memref<256x200xi32, #tpu.memory_space<vmem>> -> memref<1x128xi32, #tpu.memory_space<vmem>>
        %dma_start3A_451 = tpu.memref_squeeze %dma_start3A_450 : memref<1x128xi32, #tpu.memory_space<vmem>> -> memref<128xi32, #tpu.memory_space<vmem>>
        %dma_start3A_452 = arith.constant 0 : i32
        %dma_start3A_453 = arith.constant 0 : i32
        %dma_start3A_454 = tpu.memref_slice %arg3[%dma_start3A_452, %dma_start3A_453] : memref<1000000x32xf32, #tpu.memory_space<hbm>> -> memref<1000000x32xf32, #tpu.memory_space<hbm>>
        tpu.enqueue_indirect_dma source(%dma_start3A_454 : memref<1000000x32xf32, #tpu.memory_space<hbm>>) target(%dma_start3A_448 : memref<128x32xf32, #tpu.memory_space<vmem>>) offsets(%dma_start3A_451 : memref<128xi32, #tpu.memory_space<vmem>>) semaphore(%arg8 : memref<!tpu.dma_semaphore, #tpu.memory_space<semaphore_mem>>)
        %dma_start3A_455 = arith.constant 0 : i32
        %dma_start3A_456 = arith.constant 128 : i32
        %dma_start3A_457 = arith.constant 0 : i32
        %dma_start3A_458 = tpu.memref_slice %arg6[%dma_start3A_455, %dma_start3A_456, %dma_start3A_457] : memref<4x200x32xf32, #tpu.memory_space<vmem>> -> memref<1x72x32xf32, #tpu.memory_space<vmem>>
        %dma_start3A_459 = tpu.memref_squeeze %dma_start3A_458 : memref<1x72x32xf32, #tpu.memory_space<vmem>> -> memref<72x32xf32, #tpu.memory_space<vmem>>
        %dma_start3A_460 = arith.constant 128 : i32
        %dma_start3A_461 = tpu.memref_slice %arg5[%add3A_443, %dma_start3A_460] : memref<256x200xi32, #tpu.memory_space<vmem>> -> memref<1x72xi32, #tpu.memory_space<vmem>>
        %dma_start3A_462 = tpu.memref_squeeze %dma_start3A_461 : memref<1x72xi32, #tpu.memory_space<vmem>> -> memref<72xi32, #tpu.memory_space<vmem>>
        %dma_start3A_463 = arith.constant 0 : i32
        %dma_start3A_464 = arith.constant 0 : i32
        %dma_start3A_465 = tpu.memref_slice %arg3[%dma_start3A_463, %dma_start3A_464] : memref<1000000x32xf32, #tpu.memory_space<hbm>> -> memref<1000000x32xf32, #tpu.memory_space<hbm>>
        tpu.enqueue_indirect_dma source(%dma_start3A_465 : memref<1000000x32xf32, #tpu.memory_space<hbm>>) target(%dma_start3A_459 : memref<72x32xf32, #tpu.memory_space<vmem>>) offsets(%dma_start3A_462 : memref<72xi32, #tpu.memory_space<vmem>>) semaphore(%arg8 : memref<!tpu.dma_semaphore, #tpu.memory_space<semaphore_mem>>)
      } else {
      }
      %add3A_265 = arith.constant 1 : i32
      %add3A_266 = arith.addi %add3A_211, %add3A_265 : i32
      %dma_wait3A_267 = arith.constant 0 : i32
      %dma_wait3A_268 = arith.constant 1 : i32
      %dma_wait3A_269 = arith.constant 0 : i32
      %dma_wait3A_270 = arith.constant 0 : i32
      %dma_wait3A_271 = tpu.memref_slice %arg6[%dma_wait3A_268, %dma_wait3A_269, %dma_wait3A_270] : memref<4x200x32xf32, #tpu.memory_space<vmem>> -> memref<1x128x32xf32, #tpu.memory_space<vmem>>
      %dma_wait3A_272 = tpu.memref_squeeze %dma_wait3A_271 : memref<1x128x32xf32, #tpu.memory_space<vmem>> -> memref<128x32xf32, #tpu.memory_space<vmem>>
      %dma_wait3A_273 = arith.constant 0 : i32
      %dma_wait3A_274 = tpu.memref_slice %arg5[%dma_wait3A_267, %dma_wait3A_273] : memref<256x200xi32, #tpu.memory_space<vmem>> -> memref<1x128xi32, #tpu.memory_space<vmem>>
      %dma_wait3A_275 = tpu.memref_squeeze %dma_wait3A_274 : memref<1x128xi32, #tpu.memory_space<vmem>> -> memref<128xi32, #tpu.memory_space<vmem>>
      %dma_wait3A_276 = arith.constant 0 : i32
      %dma_wait3A_277 = arith.constant 0 : i32
      %dma_wait3A_278 = tpu.memref_slice %arg3[%dma_wait3A_276, %dma_wait3A_277] : memref<1000000x32xf32, #tpu.memory_space<hbm>> -> memref<1000000x32xf32, #tpu.memory_space<hbm>>
      tpu.wait_indirect_dma semaphore(%arg9 : memref<!tpu.dma_semaphore, #tpu.memory_space<semaphore_mem>>) src(%dma_wait3A_278 : memref<1000000x32xf32, #tpu.memory_space<hbm>>) dst(%dma_wait3A_272 : memref<128x32xf32, #tpu.memory_space<vmem>>)
      %dma_wait3A_279 = arith.constant 0 : i32
      %dma_wait3A_280 = arith.constant 1 : i32
      %dma_wait3A_281 = arith.constant 128 : i32
      %dma_wait3A_282 = arith.constant 0 : i32
      %dma_wait3A_283 = tpu.memref_slice %arg6[%dma_wait3A_280, %dma_wait3A_281, %dma_wait3A_282] : memref<4x200x32xf32, #tpu.memory_space<vmem>> -> memref<1x72x32xf32, #tpu.memory_space<vmem>>
      %dma_wait3A_284 = tpu.memref_squeeze %dma_wait3A_283 : memref<1x72x32xf32, #tpu.memory_space<vmem>> -> memref<72x32xf32, #tpu.memory_space<vmem>>
      %dma_wait3A_285 = arith.constant 128 : i32
      %dma_wait3A_286 = tpu.memref_slice %arg5[%dma_wait3A_279, %dma_wait3A_285] : memref<256x200xi32, #tpu.memory_space<vmem>> -> memref<1x72xi32, #tpu.memory_space<vmem>>
      %dma_wait3A_287 = tpu.memref_squeeze %dma_wait3A_286 : memref<1x72xi32, #tpu.memory_space<vmem>> -> memref<72xi32, #tpu.memory_space<vmem>>
      %dma_wait3A_288 = arith.constant 0 : i32
      %dma_wait3A_289 = arith.constant 0 : i32
      %dma_wait3A_290 = tpu.memref_slice %arg3[%dma_wait3A_288, %dma_wait3A_289] : memref<1000000x32xf32, #tpu.memory_space<hbm>> -> memref<1000000x32xf32, #tpu.memory_space<hbm>>
      tpu.wait_indirect_dma semaphore(%arg9 : memref<!tpu.dma_semaphore, #tpu.memory_space<semaphore_mem>>) src(%dma_wait3A_290 : memref<1000000x32xf32, #tpu.memory_space<hbm>>) dst(%dma_wait3A_284 : memref<72x32xf32, #tpu.memory_space<vmem>>)
      %broadcast_in_dim3A_291 = arith.constant 0.000000e+00 : f32
      %broadcast_in_dim3A_292 = vector.broadcast %broadcast_in_dim3A_291 : f32 to vector<16xf32>
      %broadcast_in_dim3A_293 = arith.constant 0.000000e+00 : f32
      %broadcast_in_dim3A_294 = vector.broadcast %broadcast_in_dim3A_293 : f32 to vector<16xf32>
      %scan3A_295 = arith.constant 0 : i32
      %scan3A_296 = arith.constant 200 : i32
      %scan3A_297 = arith.addi %scan3A_295, %scan3A_296 : i32
      %scan3A_298 = arith.constant 8 : i32
      %scan3A_299:2 = scf.for %scan3A_442 = %scan3A_295 to %scan3A_297 step %scan3A_298 iter_args(%scan3A_443 = %broadcast_in_dim3A_292, %scan3A_444 = %broadcast_in_dim3A_294) -> (vector<16xf32>, vector<16xf32>)  : i32 {
        %get3A = arith.constant 1 : i32
        %get3A_445 = arith.index_cast %get3A : i32 to index
        %get3A_446 = arith.index_cast %scan3A_442 : i32 to index
        %get3A_447 = arith.constant 0 : index
        %get3A_448 = tpu.vector_load %arg6[%get3A_445, %get3A_446, %get3A_447] {strides = array<i32>} : memref<4x200x32xf32, #tpu.memory_space<vmem>>, vector<1x1x16xf32>,
        %get3A_449 = vector.shape_cast %get3A_448 : vector<1x1x16xf32> to vector<16xf32>
        %add3A_450 = arith.addf %scan3A_443, %get3A_449 : vector<16xf32>
        %get3A_451 = arith.constant 1 : i32
        %get3A_452 = arith.index_cast %get3A_451 : i32 to index
        %get3A_453 = arith.index_cast %scan3A_442 : i32 to index
        %get3A_454 = arith.constant 16 : index
        %get3A_455 = tpu.vector_load %arg6[%get3A_452, %get3A_453, %get3A_454] {strides = array<i32>} : memref<4x200x32xf32, #tpu.memory_space<vmem>>, vector<1x1x16xf32>,
        %get3A_456 = vector.shape_cast %get3A_455 : vector<1x1x16xf32> to vector<16xf32>
        %add3A_457 = arith.addf %scan3A_444, %get3A_456 : vector<16xf32>
        %scan3A_458 = arith.constant 1 : i32
        %scan3A_459 = arith.addi %scan3A_442, %scan3A_458 : i32
        %get3A_460 = arith.constant 1 : i32
        %get3A_461 = arith.index_cast %get3A_460 : i32 to index
        %get3A_462 = arith.index_cast %scan3A_459 : i32 to index
        %get3A_463 = arith.constant 0 : index
        %get3A_464 = tpu.vector_load %arg6[%get3A_461, %get3A_462, %get3A_463] {strides = array<i32>} : memref<4x200x32xf32, #tpu.memory_space<vmem>>, vector<1x1x16xf32>,
        %get3A_465 = vector.shape_cast %get3A_464 : vector<1x1x16xf32> to vector<16xf32>
        %add3A_466 = arith.addf %add3A_450, %get3A_465 : vector<16xf32>
        %get3A_467 = arith.constant 1 : i32
        %get3A_468 = arith.index_cast %get3A_467 : i32 to index
        %get3A_469 = arith.index_cast %scan3A_459 : i32 to index
        %get3A_470 = arith.constant 16 : index
        %get3A_471 = tpu.vector_load %arg6[%get3A_468, %get3A_469, %get3A_470] {strides = array<i32>} : memref<4x200x32xf32, #tpu.memory_space<vmem>>, vector<1x1x16xf32>,
        %get3A_472 = vector.shape_cast %get3A_471 : vector<1x1x16xf32> to vector<16xf32>
        %add3A_473 = arith.addf %add3A_457, %get3A_472 : vector<16xf32>
        %scan3A_474 = arith.constant 2 : i32
        %scan3A_475 = arith.addi %scan3A_442, %scan3A_474 : i32
        %get3A_476 = arith.constant 1 : i32
        %get3A_477 = arith.index_cast %get3A_476 : i32 to index
        %get3A_478 = arith.index_cast %scan3A_475 : i32 to index
        %get3A_479 = arith.constant 0 : index
        %get3A_480 = tpu.vector_load %arg6[%get3A_477, %get3A_478, %get3A_479] {strides = array<i32>} : memref<4x200x32xf32, #tpu.memory_space<vmem>>, vector<1x1x16xf32>,
        %get3A_481 = vector.shape_cast %get3A_480 : vector<1x1x16xf32> to vector<16xf32>
        %add3A_482 = arith.addf %add3A_466, %get3A_481 : vector<16xf32>
        %get3A_483 = arith.constant 1 : i32
        %get3A_484 = arith.index_cast %get3A_483 : i32 to index
        %get3A_485 = arith.index_cast %scan3A_475 : i32 to index
        %get3A_486 = arith.constant 16 : index
        %get3A_487 = tpu.vector_load %arg6[%get3A_484, %get3A_485, %get3A_486] {strides = array<i32>} : memref<4x200x32xf32, #tpu.memory_space<vmem>>, vector<1x1x16xf32>,
        %get3A_488 = vector.shape_cast %get3A_487 : vector<1x1x16xf32> to vector<16xf32>
        %add3A_489 = arith.addf %add3A_473, %get3A_488 : vector<16xf32>
        %scan3A_490 = arith.constant 3 : i32
        %scan3A_491 = arith.addi %scan3A_442, %scan3A_490 : i32
        %get3A_492 = arith.constant 1 : i32
        %get3A_493 = arith.index_cast %get3A_492 : i32 to index
        %get3A_494 = arith.index_cast %scan3A_491 : i32 to index
        %get3A_495 = arith.constant 0 : index
        %get3A_496 = tpu.vector_load %arg6[%get3A_493, %get3A_494, %get3A_495] {strides = array<i32>} : memref<4x200x32xf32, #tpu.memory_space<vmem>>, vector<1x1x16xf32>,
        %get3A_497 = vector.shape_cast %get3A_496 : vector<1x1x16xf32> to vector<16xf32>
        %add3A_498 = arith.addf %add3A_482, %get3A_497 : vector<16xf32>
        %get3A_499 = arith.constant 1 : i32
        %get3A_500 = arith.index_cast %get3A_499 : i32 to index
        %get3A_501 = arith.index_cast %scan3A_491 : i32 to index
        %get3A_502 = arith.constant 16 : index
        %get3A_503 = tpu.vector_load %arg6[%get3A_500, %get3A_501, %get3A_502] {strides = array<i32>} : memref<4x200x32xf32, #tpu.memory_space<vmem>>, vector<1x1x16xf32>,
        %get3A_504 = vector.shape_cast %get3A_503 : vector<1x1x16xf32> to vector<16xf32>
        %add3A_505 = arith.addf %add3A_489, %get3A_504 : vector<16xf32>
        %scan3A_506 = arith.constant 4 : i32
        %scan3A_507 = arith.addi %scan3A_442, %scan3A_506 : i32
        %get3A_508 = arith.constant 1 : i32
        %get3A_509 = arith.index_cast %get3A_508 : i32 to index
        %get3A_510 = arith.index_cast %scan3A_507 : i32 to index
        %get3A_511 = arith.constant 0 : index
        %get3A_512 = tpu.vector_load %arg6[%get3A_509, %get3A_510, %get3A_511] {strides = array<i32>} : memref<4x200x32xf32, #tpu.memory_space<vmem>>, vector<1x1x16xf32>,
        %get3A_513 = vector.shape_cast %get3A_512 : vector<1x1x16xf32> to vector<16xf32>
        %add3A_514 = arith.addf %add3A_498, %get3A_513 : vector<16xf32>
        %get3A_515 = arith.constant 1 : i32
        %get3A_516 = arith.index_cast %get3A_515 : i32 to index
        %get3A_517 = arith.index_cast %scan3A_507 : i32 to index
        %get3A_518 = arith.constant 16 : index
        %get3A_519 = tpu.vector_load %arg6[%get3A_516, %get3A_517, %get3A_518] {strides = array<i32>} : memref<4x200x32xf32, #tpu.memory_space<vmem>>, vector<1x1x16xf32>,
        %get3A_520 = vector.shape_cast %get3A_519 : vector<1x1x16xf32> to vector<16xf32>
        %add3A_521 = arith.addf %add3A_505, %get3A_520 : vector<16xf32>
        %scan3A_522 = arith.constant 5 : i32
        %scan3A_523 = arith.addi %scan3A_442, %scan3A_522 : i32
        %get3A_524 = arith.constant 1 : i32
        %get3A_525 = arith.index_cast %get3A_524 : i32 to index
        %get3A_526 = arith.index_cast %scan3A_523 : i32 to index
        %get3A_527 = arith.constant 0 : index
        %get3A_528 = tpu.vector_load %arg6[%get3A_525, %get3A_526, %get3A_527] {strides = array<i32>} : memref<4x200x32xf32, #tpu.memory_space<vmem>>, vector<1x1x16xf32>,
        %get3A_529 = vector.shape_cast %get3A_528 : vector<1x1x16xf32> to vector<16xf32>
        %add3A_530 = arith.addf %add3A_514, %get3A_529 : vector<16xf32>
        %get3A_531 = arith.constant 1 : i32
        %get3A_532 = arith.index_cast %get3A_531 : i32 to index
        %get3A_533 = arith.index_cast %scan3A_523 : i32 to index
        %get3A_534 = arith.constant 16 : index
        %get3A_535 = tpu.vector_load %arg6[%get3A_532, %get3A_533, %get3A_534] {strides = array<i32>} : memref<4x200x32xf32, #tpu.memory_space<vmem>>, vector<1x1x16xf32>,
        %get3A_536 = vector.shape_cast %get3A_535 : vector<1x1x16xf32> to vector<16xf32>
        %add3A_537 = arith.addf %add3A_521, %get3A_536 : vector<16xf32>
        %scan3A_538 = arith.constant 6 : i32
        %scan3A_539 = arith.addi %scan3A_442, %scan3A_538 : i32
        %get3A_540 = arith.constant 1 : i32
        %get3A_541 = arith.index_cast %get3A_540 : i32 to index
        %get3A_542 = arith.index_cast %scan3A_539 : i32 to index
        %get3A_543 = arith.constant 0 : index
        %get3A_544 = tpu.vector_load %arg6[%get3A_541, %get3A_542, %get3A_543] {strides = array<i32>} : memref<4x200x32xf32, #tpu.memory_space<vmem>>, vector<1x1x16xf32>,
        %get3A_545 = vector.shape_cast %get3A_544 : vector<1x1x16xf32> to vector<16xf32>
        %add3A_546 = arith.addf %add3A_530, %get3A_545 : vector<16xf32>
        %get3A_547 = arith.constant 1 : i32
        %get3A_548 = arith.index_cast %get3A_547 : i32 to index
        %get3A_549 = arith.index_cast %scan3A_539 : i32 to index
        %get3A_550 = arith.constant 16 : index
        %get3A_551 = tpu.vector_load %arg6[%get3A_548, %get3A_549, %get3A_550] {strides = array<i32>} : memref<4x200x32xf32, #tpu.memory_space<vmem>>, vector<1x1x16xf32>,
        %get3A_552 = vector.shape_cast %get3A_551 : vector<1x1x16xf32> to vector<16xf32>
        %add3A_553 = arith.addf %add3A_537, %get3A_552 : vector<16xf32>
        %scan3A_554 = arith.constant 7 : i32
        %scan3A_555 = arith.addi %scan3A_442, %scan3A_554 : i32
        %get3A_556 = arith.constant 1 : i32
        %get3A_557 = arith.index_cast %get3A_556 : i32 to index
        %get3A_558 = arith.index_cast %scan3A_555 : i32 to index
        %get3A_559 = arith.constant 0 : index
        %get3A_560 = tpu.vector_load %arg6[%get3A_557, %get3A_558, %get3A_559] {strides = array<i32>} : memref<4x200x32xf32, #tpu.memory_space<vmem>>, vector<1x1x16xf32>,
        %get3A_561 = vector.shape_cast %get3A_560 : vector<1x1x16xf32> to vector<16xf32>
        %add3A_562 = arith.addf %add3A_546, %get3A_561 : vector<16xf32>
        %get3A_563 = arith.constant 1 : i32
        %get3A_564 = arith.index_cast %get3A_563 : i32 to index
        %get3A_565 = arith.index_cast %scan3A_555 : i32 to index
        %get3A_566 = arith.constant 16 : index
        %get3A_567 = tpu.vector_load %arg6[%get3A_564, %get3A_565, %get3A_566] {strides = array<i32>} : memref<4x200x32xf32, #tpu.memory_space<vmem>>, vector<1x1x16xf32>,
        %get3A_568 = vector.shape_cast %get3A_567 : vector<1x1x16xf32> to vector<16xf32>
        %add3A_569 = arith.addf %add3A_553, %get3A_568 : vector<16xf32>
        scf.yield %add3A_562, %add3A_569 : vector<16xf32>, vector<16xf32>
      }
      %scan3A_300 = arith.constant 200 : i32
      %mul3A_301 = arith.constant 5.000000e-03 : f32
      %mul3A_302 = vector.broadcast %mul3A_301 : f32 to vector<16xf32>
      %mul3A_303 = arith.mulf %scan3A_299#0, %mul3A_302 : vector<16xf32>
      %swap3A_304 = arith.index_cast %add3A_266 : i32 to index
      %swap3A_305 = arith.constant 0 : index
      %swap3A_306 = tpu.vector_load %arg7[%swap3A_304, %swap3A_305] {strides = array<i32>} : memref<256x32xf32, #tpu.memory_space<vmem>>, vector<1x16xf32>,
      %swap3A_307 = vector.shape_cast %swap3A_306 : vector<1x16xf32> to vector<16xf32>
      %swap3A_308 = vector.shape_cast %mul3A_303 : vector<16xf32> to vector<1x16xf32>
      tpu.vector_store %arg7[%swap3A_304, %swap3A_305], %swap3A_308 {strides = array<i32>} : memref<256x32xf32, #tpu.memory_space<vmem>>, vector<1x16xf32>,
      %mul3A_309 = arith.constant 5.000000e-03 : f32
      %mul3A_310 = vector.broadcast %mul3A_309 : f32 to vector<16xf32>
      %mul3A_311 = arith.mulf %scan3A_299#1, %mul3A_310 : vector<16xf32>
      %swap3A_312 = arith.index_cast %add3A_266 : i32 to index
      %swap3A_313 = arith.constant 16 : index
      %swap3A_314 = tpu.vector_load %arg7[%swap3A_312, %swap3A_313] {strides = array<i32>} : memref<256x32xf32, #tpu.memory_space<vmem>>, vector<1x16xf32>,
      %swap3A_315 = vector.shape_cast %swap3A_314 : vector<1x16xf32> to vector<16xf32>
      %swap3A_316 = vector.shape_cast %mul3A_311 : vector<16xf32> to vector<1x16xf32>
      tpu.vector_store %arg7[%swap3A_312, %swap3A_313], %swap3A_316 {strides = array<i32>} : memref<256x32xf32, #tpu.memory_space<vmem>>, vector<1x16xf32>,
      %add3A_317 = arith.constant 4 : i32
      %add3A_318 = arith.addi %add3A_211, %add3A_317 : i32
      %lt3A_319 = arith.constant 256 : i32
      %lt3A_320 = arith.cmpi slt, %add3A_318, %lt3A_319 : i32
      %convert_element_type3A_321 = arith.extui %lt3A_320 : i1 to i32
      %cond3A_322 = arith.constant 0 : i32
      %cond3A_323 = arith.cmpi ne, %convert_element_type3A_321, %cond3A_322 : i32
      scf.if %cond3A_323 {
        %add3A_442 = arith.constant 4 : i32
        %add3A_443 = arith.addi %add3A_266, %add3A_442 : i32
        %dma_start3A_444 = arith.constant 1 : i32
        %dma_start3A_445 = arith.constant 0 : i32
        %dma_start3A_446 = arith.constant 0 : i32
        %dma_start3A_447 = tpu.memref_slice %arg6[%dma_start3A_444, %dma_start3A_445, %dma_start3A_446] : memref<4x200x32xf32, #tpu.memory_space<vmem>> -> memref<1x128x32xf32, #tpu.memory_space<vmem>>
        %dma_start3A_448 = tpu.memref_squeeze %dma_start3A_447 : memref<1x128x32xf32, #tpu.memory_space<vmem>> -> memref<128x32xf32, #tpu.memory_space<vmem>>
        %dma_start3A_449 = arith.constant 0 : i32
        %dma_start3A_450 = tpu.memref_slice %arg5[%add3A_443, %dma_start3A_449] : memref<256x200xi32, #tpu.memory_space<vmem>> -> memref<1x128xi32, #tpu.memory_space<vmem>>
        %dma_start3A_451 = tpu.memref_squeeze %dma_start3A_450 : memref<1x128xi32, #tpu.memory_space<vmem>> -> memref<128xi32, #tpu.memory_space<vmem>>
        %dma_start3A_452 = arith.constant 0 : i32
        %dma_start3A_453 = arith.constant 0 : i32
        %dma_start3A_454 = tpu.memref_slice %arg3[%dma_start3A_452, %dma_start3A_453] : memref<1000000x32xf32, #tpu.memory_space<hbm>> -> memref<1000000x32xf32, #tpu.memory_space<hbm>>
        tpu.enqueue_indirect_dma source(%dma_start3A_454 : memref<1000000x32xf32, #tpu.memory_space<hbm>>) target(%dma_start3A_448 : memref<128x32xf32, #tpu.memory_space<vmem>>) offsets(%dma_start3A_451 : memref<128xi32, #tpu.memory_space<vmem>>) semaphore(%arg9 : memref<!tpu.dma_semaphore, #tpu.memory_space<semaphore_mem>>)
        %dma_start3A_455 = arith.constant 1 : i32
        %dma_start3A_456 = arith.constant 128 : i32
        %dma_start3A_457 = arith.constant 0 : i32
        %dma_start3A_458 = tpu.memref_slice %arg6[%dma_start3A_455, %dma_start3A_456, %dma_start3A_457] : memref<4x200x32xf32, #tpu.memory_space<vmem>> -> memref<1x72x32xf32, #tpu.memory_space<vmem>>
        %dma_start3A_459 = tpu.memref_squeeze %dma_start3A_458 : memref<1x72x32xf32, #tpu.memory_space<vmem>> -> memref<72x32xf32, #tpu.memory_space<vmem>>
        %dma_start3A_460 = arith.constant 128 : i32
        %dma_start3A_461 = tpu.memref_slice %arg5[%add3A_443, %dma_start3A_460] : memref<256x200xi32, #tpu.memory_space<vmem>> -> memref<1x72xi32, #tpu.memory_space<vmem>>
        %dma_start3A_462 = tpu.memref_squeeze %dma_start3A_461 : memref<1x72xi32, #tpu.memory_space<vmem>> -> memref<72xi32, #tpu.memory_space<vmem>>
        %dma_start3A_463 = arith.constant 0 : i32
        %dma_start3A_464 = arith.constant 0 : i32
        %dma_start3A_465 = tpu.memref_slice %arg3[%dma_start3A_463, %dma_start3A_464] : memref<1000000x32xf32, #tpu.memory_space<hbm>> -> memref<1000000x32xf32, #tpu.memory_space<hbm>>
        tpu.enqueue_indirect_dma source(%dma_start3A_465 : memref<1000000x32xf32, #tpu.memory_space<hbm>>) target(%dma_start3A_459 : memref<72x32xf32, #tpu.memory_space<vmem>>) offsets(%dma_start3A_462 : memref<72xi32, #tpu.memory_space<vmem>>) semaphore(%arg9 : memref<!tpu.dma_semaphore, #tpu.memory_space<semaphore_mem>>)
      } else {
      }
      %add3A_324 = arith.constant 2 : i32
      %add3A_325 = arith.addi %add3A_211, %add3A_324 : i32
      %dma_wait3A_326 = arith.constant 0 : i32
      %dma_wait3A_327 = arith.constant 2 : i32
      %dma_wait3A_328 = arith.constant 0 : i32
      %dma_wait3A_329 = arith.constant 0 : i32
      %dma_wait3A_330 = tpu.memref_slice %arg6[%dma_wait3A_327, %dma_wait3A_328, %dma_wait3A_329] : memref<4x200x32xf32, #tpu.memory_space<vmem>> -> memref<1x128x32xf32, #tpu.memory_space<vmem>>
      %dma_wait3A_331 = tpu.memref_squeeze %dma_wait3A_330 : memref<1x128x32xf32, #tpu.memory_space<vmem>> -> memref<128x32xf32, #tpu.memory_space<vmem>>
      %dma_wait3A_332 = arith.constant 0 : i32
      %dma_wait3A_333 = tpu.memref_slice %arg5[%dma_wait3A_326, %dma_wait3A_332] : memref<256x200xi32, #tpu.memory_space<vmem>> -> memref<1x128xi32, #tpu.memory_space<vmem>>
      %dma_wait3A_334 = tpu.memref_squeeze %dma_wait3A_333 : memref<1x128xi32, #tpu.memory_space<vmem>> -> memref<128xi32, #tpu.memory_space<vmem>>
      %dma_wait3A_335 = arith.constant 0 : i32
      %dma_wait3A_336 = arith.constant 0 : i32
      %dma_wait3A_337 = tpu.memref_slice %arg3[%dma_wait3A_335, %dma_wait3A_336] : memref<1000000x32xf32, #tpu.memory_space<hbm>> -> memref<1000000x32xf32, #tpu.memory_space<hbm>>
      tpu.wait_indirect_dma semaphore(%arg10 : memref<!tpu.dma_semaphore, #tpu.memory_space<semaphore_mem>>) src(%dma_wait3A_337 : memref<1000000x32xf32, #tpu.memory_space<hbm>>) dst(%dma_wait3A_331 : memref<128x32xf32, #tpu.memory_space<vmem>>)
      %dma_wait3A_338 = arith.constant 0 : i32
      %dma_wait3A_339 = arith.constant 2 : i32
      %dma_wait3A_340 = arith.constant 128 : i32
      %dma_wait3A_341 = arith.constant 0 : i32
      %dma_wait3A_342 = tpu.memref_slice %arg6[%dma_wait3A_339, %dma_wait3A_340, %dma_wait3A_341] : memref<4x200x32xf32, #tpu.memory_space<vmem>> -> memref<1x72x32xf32, #tpu.memory_space<vmem>>
      %dma_wait3A_343 = tpu.memref_squeeze %dma_wait3A_342 : memref<1x72x32xf32, #tpu.memory_space<vmem>> -> memref<72x32xf32, #tpu.memory_space<vmem>>
      %dma_wait3A_344 = arith.constant 128 : i32
      %dma_wait3A_345 = tpu.memref_slice %arg5[%dma_wait3A_338, %dma_wait3A_344] : memref<256x200xi32, #tpu.memory_space<vmem>> -> memref<1x72xi32, #tpu.memory_space<vmem>>
      %dma_wait3A_346 = tpu.memref_squeeze %dma_wait3A_345 : memref<1x72xi32, #tpu.memory_space<vmem>> -> memref<72xi32, #tpu.memory_space<vmem>>
      %dma_wait3A_347 = arith.constant 0 : i32
      %dma_wait3A_348 = arith.constant 0 : i32
      %dma_wait3A_349 = tpu.memref_slice %arg3[%dma_wait3A_347, %dma_wait3A_348] : memref<1000000x32xf32, #tpu.memory_space<hbm>> -> memref<1000000x32xf32, #tpu.memory_space<hbm>>
      tpu.wait_indirect_dma semaphore(%arg10 : memref<!tpu.dma_semaphore, #tpu.memory_space<semaphore_mem>>) src(%dma_wait3A_349 : memref<1000000x32xf32, #tpu.memory_space<hbm>>) dst(%dma_wait3A_343 : memref<72x32xf32, #tpu.memory_space<vmem>>)
      %broadcast_in_dim3A_350 = arith.constant 0.000000e+00 : f32
      %broadcast_in_dim3A_351 = vector.broadcast %broadcast_in_dim3A_350 : f32 to vector<16xf32>
      %broadcast_in_dim3A_352 = arith.constant 0.000000e+00 : f32
      %broadcast_in_dim3A_353 = vector.broadcast %broadcast_in_dim3A_352 : f32 to vector<16xf32>
      %scan3A_354 = arith.constant 0 : i32
      %scan3A_355 = arith.constant 200 : i32
      %scan3A_356 = arith.addi %scan3A_354, %scan3A_355 : i32
      %scan3A_357 = arith.constant 8 : i32
      %scan3A_358:2 = scf.for %scan3A_442 = %scan3A_354 to %scan3A_356 step %scan3A_357 iter_args(%scan3A_443 = %broadcast_in_dim3A_351, %scan3A_444 = %broadcast_in_dim3A_353) -> (vector<16xf32>, vector<16xf32>)  : i32 {
        %get3A = arith.constant 2 : i32
        %get3A_445 = arith.index_cast %get3A : i32 to index
        %get3A_446 = arith.index_cast %scan3A_442 : i32 to index
        %get3A_447 = arith.constant 0 : index
        %get3A_448 = tpu.vector_load %arg6[%get3A_445, %get3A_446, %get3A_447] {strides = array<i32>} : memref<4x200x32xf32, #tpu.memory_space<vmem>>, vector<1x1x16xf32>,
        %get3A_449 = vector.shape_cast %get3A_448 : vector<1x1x16xf32> to vector<16xf32>
        %add3A_450 = arith.addf %scan3A_443, %get3A_449 : vector<16xf32>
        %get3A_451 = arith.constant 2 : i32
        %get3A_452 = arith.index_cast %get3A_451 : i32 to index
        %get3A_453 = arith.index_cast %scan3A_442 : i32 to index
        %get3A_454 = arith.constant 16 : index
        %get3A_455 = tpu.vector_load %arg6[%get3A_452, %get3A_453, %get3A_454] {strides = array<i32>} : memref<4x200x32xf32, #tpu.memory_space<vmem>>, vector<1x1x16xf32>,
        %get3A_456 = vector.shape_cast %get3A_455 : vector<1x1x16xf32> to vector<16xf32>
        %add3A_457 = arith.addf %scan3A_444, %get3A_456 : vector<16xf32>
        %scan3A_458 = arith.constant 1 : i32
        %scan3A_459 = arith.addi %scan3A_442, %scan3A_458 : i32
        %get3A_460 = arith.constant 2 : i32
        %get3A_461 = arith.index_cast %get3A_460 : i32 to index
        %get3A_462 = arith.index_cast %scan3A_459 : i32 to index
        %get3A_463 = arith.constant 0 : index
        %get3A_464 = tpu.vector_load %arg6[%get3A_461, %get3A_462, %get3A_463] {strides = array<i32>} : memref<4x200x32xf32, #tpu.memory_space<vmem>>, vector<1x1x16xf32>,
        %get3A_465 = vector.shape_cast %get3A_464 : vector<1x1x16xf32> to vector<16xf32>
        %add3A_466 = arith.addf %add3A_450, %get3A_465 : vector<16xf32>
        %get3A_467 = arith.constant 2 : i32
        %get3A_468 = arith.index_cast %get3A_467 : i32 to index
        %get3A_469 = arith.index_cast %scan3A_459 : i32 to index
        %get3A_470 = arith.constant 16 : index
        %get3A_471 = tpu.vector_load %arg6[%get3A_468, %get3A_469, %get3A_470] {strides = array<i32>} : memref<4x200x32xf32, #tpu.memory_space<vmem>>, vector<1x1x16xf32>,
        %get3A_472 = vector.shape_cast %get3A_471 : vector<1x1x16xf32> to vector<16xf32>
        %add3A_473 = arith.addf %add3A_457, %get3A_472 : vector<16xf32>
        %scan3A_474 = arith.constant 2 : i32
        %scan3A_475 = arith.addi %scan3A_442, %scan3A_474 : i32
        %get3A_476 = arith.constant 2 : i32
        %get3A_477 = arith.index_cast %get3A_476 : i32 to index
        %get3A_478 = arith.index_cast %scan3A_475 : i32 to index
        %get3A_479 = arith.constant 0 : index
        %get3A_480 = tpu.vector_load %arg6[%get3A_477, %get3A_478, %get3A_479] {strides = array<i32>} : memref<4x200x32xf32, #tpu.memory_space<vmem>>, vector<1x1x16xf32>,
        %get3A_481 = vector.shape_cast %get3A_480 : vector<1x1x16xf32> to vector<16xf32>
        %add3A_482 = arith.addf %add3A_466, %get3A_481 : vector<16xf32>
        %get3A_483 = arith.constant 2 : i32
        %get3A_484 = arith.index_cast %get3A_483 : i32 to index
        %get3A_485 = arith.index_cast %scan3A_475 : i32 to index
        %get3A_486 = arith.constant 16 : index
        %get3A_487 = tpu.vector_load %arg6[%get3A_484, %get3A_485, %get3A_486] {strides = array<i32>} : memref<4x200x32xf32, #tpu.memory_space<vmem>>, vector<1x1x16xf32>,
        %get3A_488 = vector.shape_cast %get3A_487 : vector<1x1x16xf32> to vector<16xf32>
        %add3A_489 = arith.addf %add3A_473, %get3A_488 : vector<16xf32>
        %scan3A_490 = arith.constant 3 : i32
        %scan3A_491 = arith.addi %scan3A_442, %scan3A_490 : i32
        %get3A_492 = arith.constant 2 : i32
        %get3A_493 = arith.index_cast %get3A_492 : i32 to index
        %get3A_494 = arith.index_cast %scan3A_491 : i32 to index
        %get3A_495 = arith.constant 0 : index
        %get3A_496 = tpu.vector_load %arg6[%get3A_493, %get3A_494, %get3A_495] {strides = array<i32>} : memref<4x200x32xf32, #tpu.memory_space<vmem>>, vector<1x1x16xf32>,
        %get3A_497 = vector.shape_cast %get3A_496 : vector<1x1x16xf32> to vector<16xf32>
        %add3A_498 = arith.addf %add3A_482, %get3A_497 : vector<16xf32>
        %get3A_499 = arith.constant 2 : i32
        %get3A_500 = arith.index_cast %get3A_499 : i32 to index
        %get3A_501 = arith.index_cast %scan3A_491 : i32 to index
        %get3A_502 = arith.constant 16 : index
        %get3A_503 = tpu.vector_load %arg6[%get3A_500, %get3A_501, %get3A_502] {strides = array<i32>} : memref<4x200x32xf32, #tpu.memory_space<vmem>>, vector<1x1x16xf32>,
        %get3A_504 = vector.shape_cast %get3A_503 : vector<1x1x16xf32> to vector<16xf32>
        %add3A_505 = arith.addf %add3A_489, %get3A_504 : vector<16xf32>
        %scan3A_506 = arith.constant 4 : i32
        %scan3A_507 = arith.addi %scan3A_442, %scan3A_506 : i32
        %get3A_508 = arith.constant 2 : i32
        %get3A_509 = arith.index_cast %get3A_508 : i32 to index
        %get3A_510 = arith.index_cast %scan3A_507 : i32 to index
        %get3A_511 = arith.constant 0 : index
        %get3A_512 = tpu.vector_load %arg6[%get3A_509, %get3A_510, %get3A_511] {strides = array<i32>} : memref<4x200x32xf32, #tpu.memory_space<vmem>>, vector<1x1x16xf32>,
        %get3A_513 = vector.shape_cast %get3A_512 : vector<1x1x16xf32> to vector<16xf32>
        %add3A_514 = arith.addf %add3A_498, %get3A_513 : vector<16xf32>
        %get3A_515 = arith.constant 2 : i32
        %get3A_516 = arith.index_cast %get3A_515 : i32 to index
        %get3A_517 = arith.index_cast %scan3A_507 : i32 to index
        %get3A_518 = arith.constant 16 : index
        %get3A_519 = tpu.vector_load %arg6[%get3A_516, %get3A_517, %get3A_518] {strides = array<i32>} : memref<4x200x32xf32, #tpu.memory_space<vmem>>, vector<1x1x16xf32>,
        %get3A_520 = vector.shape_cast %get3A_519 : vector<1x1x16xf32> to vector<16xf32>
        %add3A_521 = arith.addf %add3A_505, %get3A_520 : vector<16xf32>
        %scan3A_522 = arith.constant 5 : i32
        %scan3A_523 = arith.addi %scan3A_442, %scan3A_522 : i32
        %get3A_524 = arith.constant 2 : i32
        %get3A_525 = arith.index_cast %get3A_524 : i32 to index
        %get3A_526 = arith.index_cast %scan3A_523 : i32 to index
        %get3A_527 = arith.constant 0 : index
        %get3A_528 = tpu.vector_load %arg6[%get3A_525, %get3A_526, %get3A_527] {strides = array<i32>} : memref<4x200x32xf32, #tpu.memory_space<vmem>>, vector<1x1x16xf32>,
        %get3A_529 = vector.shape_cast %get3A_528 : vector<1x1x16xf32> to vector<16xf32>
        %add3A_530 = arith.addf %add3A_514, %get3A_529 : vector<16xf32>
        %get3A_531 = arith.constant 2 : i32
        %get3A_532 = arith.index_cast %get3A_531 : i32 to index
        %get3A_533 = arith.index_cast %scan3A_523 : i32 to index
        %get3A_534 = arith.constant 16 : index
        %get3A_535 = tpu.vector_load %arg6[%get3A_532, %get3A_533, %get3A_534] {strides = array<i32>} : memref<4x200x32xf32, #tpu.memory_space<vmem>>, vector<1x1x16xf32>,
        %get3A_536 = vector.shape_cast %get3A_535 : vector<1x1x16xf32> to vector<16xf32>
        %add3A_537 = arith.addf %add3A_521, %get3A_536 : vector<16xf32>
        %scan3A_538 = arith.constant 6 : i32
        %scan3A_539 = arith.addi %scan3A_442, %scan3A_538 : i32
        %get3A_540 = arith.constant 2 : i32
        %get3A_541 = arith.index_cast %get3A_540 : i32 to index
        %get3A_542 = arith.index_cast %scan3A_539 : i32 to index
        %get3A_543 = arith.constant 0 : index
        %get3A_544 = tpu.vector_load %arg6[%get3A_541, %get3A_542, %get3A_543] {strides = array<i32>} : memref<4x200x32xf32, #tpu.memory_space<vmem>>, vector<1x1x16xf32>,
        %get3A_545 = vector.shape_cast %get3A_544 : vector<1x1x16xf32> to vector<16xf32>
        %add3A_546 = arith.addf %add3A_530, %get3A_545 : vector<16xf32>
        %get3A_547 = arith.constant 2 : i32
        %get3A_548 = arith.index_cast %get3A_547 : i32 to index
        %get3A_549 = arith.index_cast %scan3A_539 : i32 to index
        %get3A_550 = arith.constant 16 : index
        %get3A_551 = tpu.vector_load %arg6[%get3A_548, %get3A_549, %get3A_550] {strides = array<i32>} : memref<4x200x32xf32, #tpu.memory_space<vmem>>, vector<1x1x16xf32>,
        %get3A_552 = vector.shape_cast %get3A_551 : vector<1x1x16xf32> to vector<16xf32>
        %add3A_553 = arith.addf %add3A_537, %get3A_552 : vector<16xf32>
        %scan3A_554 = arith.constant 7 : i32
        %scan3A_555 = arith.addi %scan3A_442, %scan3A_554 : i32
        %get3A_556 = arith.constant 2 : i32
        %get3A_557 = arith.index_cast %get3A_556 : i32 to index
        %get3A_558 = arith.index_cast %scan3A_555 : i32 to index
        %get3A_559 = arith.constant 0 : index
        %get3A_560 = tpu.vector_load %arg6[%get3A_557, %get3A_558, %get3A_559] {strides = array<i32>} : memref<4x200x32xf32, #tpu.memory_space<vmem>>, vector<1x1x16xf32>,
        %get3A_561 = vector.shape_cast %get3A_560 : vector<1x1x16xf32> to vector<16xf32>
        %add3A_562 = arith.addf %add3A_546, %get3A_561 : vector<16xf32>
        %get3A_563 = arith.constant 2 : i32
        %get3A_564 = arith.index_cast %get3A_563 : i32 to index
        %get3A_565 = arith.index_cast %scan3A_555 : i32 to index
        %get3A_566 = arith.constant 16 : index
        %get3A_567 = tpu.vector_load %arg6[%get3A_564, %get3A_565, %get3A_566] {strides = array<i32>} : memref<4x200x32xf32, #tpu.memory_space<vmem>>, vector<1x1x16xf32>,
        %get3A_568 = vector.shape_cast %get3A_567 : vector<1x1x16xf32> to vector<16xf32>
        %add3A_569 = arith.addf %add3A_553, %get3A_568 : vector<16xf32>
        scf.yield %add3A_562, %add3A_569 : vector<16xf32>, vector<16xf32>
      }
      %scan3A_359 = arith.constant 200 : i32
      %mul3A_360 = arith.constant 5.000000e-03 : f32
      %mul3A_361 = vector.broadcast %mul3A_360 : f32 to vector<16xf32>
      %mul3A_362 = arith.mulf %scan3A_358#0, %mul3A_361 : vector<16xf32>
      %swap3A_363 = arith.index_cast %add3A_325 : i32 to index
      %swap3A_364 = arith.constant 0 : index
      %swap3A_365 = tpu.vector_load %arg7[%swap3A_363, %swap3A_364] {strides = array<i32>} : memref<256x32xf32, #tpu.memory_space<vmem>>, vector<1x16xf32>,
      %swap3A_366 = vector.shape_cast %swap3A_365 : vector<1x16xf32> to vector<16xf32>
      %swap3A_367 = vector.shape_cast %mul3A_362 : vector<16xf32> to vector<1x16xf32>
      tpu.vector_store %arg7[%swap3A_363, %swap3A_364], %swap3A_367 {strides = array<i32>} : memref<256x32xf32, #tpu.memory_space<vmem>>, vector<1x16xf32>,
      %mul3A_368 = arith.constant 5.000000e-03 : f32
      %mul3A_369 = vector.broadcast %mul3A_368 : f32 to vector<16xf32>
      %mul3A_370 = arith.mulf %scan3A_358#1, %mul3A_369 : vector<16xf32>
      %swap3A_371 = arith.index_cast %add3A_325 : i32 to index
      %swap3A_372 = arith.constant 16 : index
      %swap3A_373 = tpu.vector_load %arg7[%swap3A_371, %swap3A_372] {strides = array<i32>} : memref<256x32xf32, #tpu.memory_space<vmem>>, vector<1x16xf32>,
      %swap3A_374 = vector.shape_cast %swap3A_373 : vector<1x16xf32> to vector<16xf32>
      %swap3A_375 = vector.shape_cast %mul3A_370 : vector<16xf32> to vector<1x16xf32>
      tpu.vector_store %arg7[%swap3A_371, %swap3A_372], %swap3A_375 {strides = array<i32>} : memref<256x32xf32, #tpu.memory_space<vmem>>, vector<1x16xf32>,
      %add3A_376 = arith.constant 4 : i32
      %add3A_377 = arith.addi %add3A_211, %add3A_376 : i32
      %lt3A_378 = arith.constant 256 : i32
      %lt3A_379 = arith.cmpi slt, %add3A_377, %lt3A_378 : i32
      %convert_element_type3A_380 = arith.extui %lt3A_379 : i1 to i32
      %cond3A_381 = arith.constant 0 : i32
      %cond3A_382 = arith.cmpi ne, %convert_element_type3A_380, %cond3A_381 : i32
      scf.if %cond3A_382 {
        %add3A_442 = arith.constant 4 : i32
        %add3A_443 = arith.addi %add3A_325, %add3A_442 : i32
        %dma_start3A_444 = arith.constant 2 : i32
        %dma_start3A_445 = arith.constant 0 : i32
        %dma_start3A_446 = arith.constant 0 : i32
        %dma_start3A_447 = tpu.memref_slice %arg6[%dma_start3A_444, %dma_start3A_445, %dma_start3A_446] : memref<4x200x32xf32, #tpu.memory_space<vmem>> -> memref<1x128x32xf32, #tpu.memory_space<vmem>>
        %dma_start3A_448 = tpu.memref_squeeze %dma_start3A_447 : memref<1x128x32xf32, #tpu.memory_space<vmem>> -> memref<128x32xf32, #tpu.memory_space<vmem>>
        %dma_start3A_449 = arith.constant 0 : i32
        %dma_start3A_450 = tpu.memref_slice %arg5[%add3A_443, %dma_start3A_449] : memref<256x200xi32, #tpu.memory_space<vmem>> -> memref<1x128xi32, #tpu.memory_space<vmem>>
        %dma_start3A_451 = tpu.memref_squeeze %dma_start3A_450 : memref<1x128xi32, #tpu.memory_space<vmem>> -> memref<128xi32, #tpu.memory_space<vmem>>
        %dma_start3A_452 = arith.constant 0 : i32
        %dma_start3A_453 = arith.constant 0 : i32
        %dma_start3A_454 = tpu.memref_slice %arg3[%dma_start3A_452, %dma_start3A_453] : memref<1000000x32xf32, #tpu.memory_space<hbm>> -> memref<1000000x32xf32, #tpu.memory_space<hbm>>
        tpu.enqueue_indirect_dma source(%dma_start3A_454 : memref<1000000x32xf32, #tpu.memory_space<hbm>>) target(%dma_start3A_448 : memref<128x32xf32, #tpu.memory_space<vmem>>) offsets(%dma_start3A_451 : memref<128xi32, #tpu.memory_space<vmem>>) semaphore(%arg10 : memref<!tpu.dma_semaphore, #tpu.memory_space<semaphore_mem>>)
        %dma_start3A_455 = arith.constant 2 : i32
        %dma_start3A_456 = arith.constant 128 : i32
        %dma_start3A_457 = arith.constant 0 : i32
        %dma_start3A_458 = tpu.memref_slice %arg6[%dma_start3A_455, %dma_start3A_456, %dma_start3A_457] : memref<4x200x32xf32, #tpu.memory_space<vmem>> -> memref<1x72x32xf32, #tpu.memory_space<vmem>>
        %dma_start3A_459 = tpu.memref_squeeze %dma_start3A_458 : memref<1x72x32xf32, #tpu.memory_space<vmem>> -> memref<72x32xf32, #tpu.memory_space<vmem>>
        %dma_start3A_460 = arith.constant 128 : i32
        %dma_start3A_461 = tpu.memref_slice %arg5[%add3A_443, %dma_start3A_460] : memref<256x200xi32, #tpu.memory_space<vmem>> -> memref<1x72xi32, #tpu.memory_space<vmem>>
        %dma_start3A_462 = tpu.memref_squeeze %dma_start3A_461 : memref<1x72xi32, #tpu.memory_space<vmem>> -> memref<72xi32, #tpu.memory_space<vmem>>
        %dma_start3A_463 = arith.constant 0 : i32
        %dma_start3A_464 = arith.constant 0 : i32
        %dma_start3A_465 = tpu.memref_slice %arg3[%dma_start3A_463, %dma_start3A_464] : memref<1000000x32xf32, #tpu.memory_space<hbm>> -> memref<1000000x32xf32, #tpu.memory_space<hbm>>
        tpu.enqueue_indirect_dma source(%dma_start3A_465 : memref<1000000x32xf32, #tpu.memory_space<hbm>>) target(%dma_start3A_459 : memref<72x32xf32, #tpu.memory_space<vmem>>) offsets(%dma_start3A_462 : memref<72xi32, #tpu.memory_space<vmem>>) semaphore(%arg10 : memref<!tpu.dma_semaphore, #tpu.memory_space<semaphore_mem>>)
      } else {
      }
      %add3A_383 = arith.constant 3 : i32
      %add3A_384 = arith.addi %add3A_211, %add3A_383 : i32
      %dma_wait3A_385 = arith.constant 0 : i32
      %dma_wait3A_386 = arith.constant 3 : i32
      %dma_wait3A_387 = arith.constant 0 : i32
      %dma_wait3A_388 = arith.constant 0 : i32
      %dma_wait3A_389 = tpu.memref_slice %arg6[%dma_wait3A_386, %dma_wait3A_387, %dma_wait3A_388] : memref<4x200x32xf32, #tpu.memory_space<vmem>> -> memref<1x128x32xf32, #tpu.memory_space<vmem>>
      %dma_wait3A_390 = tpu.memref_squeeze %dma_wait3A_389 : memref<1x128x32xf32, #tpu.memory_space<vmem>> -> memref<128x32xf32, #tpu.memory_space<vmem>>
      %dma_wait3A_391 = arith.constant 0 : i32
      %dma_wait3A_392 = tpu.memref_slice %arg5[%dma_wait3A_385, %dma_wait3A_391] : memref<256x200xi32, #tpu.memory_space<vmem>> -> memref<1x128xi32, #tpu.memory_space<vmem>>
      %dma_wait3A_393 = tpu.memref_squeeze %dma_wait3A_392 : memref<1x128xi32, #tpu.memory_space<vmem>> -> memref<128xi32, #tpu.memory_space<vmem>>
      %dma_wait3A_394 = arith.constant 0 : i32
      %dma_wait3A_395 = arith.constant 0 : i32
      %dma_wait3A_396 = tpu.memref_slice %arg3[%dma_wait3A_394, %dma_wait3A_395] : memref<1000000x32xf32, #tpu.memory_space<hbm>> -> memref<1000000x32xf32, #tpu.memory_space<hbm>>
      tpu.wait_indirect_dma semaphore(%arg11 : memref<!tpu.dma_semaphore, #tpu.memory_space<semaphore_mem>>) src(%dma_wait3A_396 : memref<1000000x32xf32, #tpu.memory_space<hbm>>) dst(%dma_wait3A_390 : memref<128x32xf32, #tpu.memory_space<vmem>>)
      %dma_wait3A_397 = arith.constant 0 : i32
      %dma_wait3A_398 = arith.constant 3 : i32
      %dma_wait3A_399 = arith.constant 128 : i32
      %dma_wait3A_400 = arith.constant 0 : i32
      %dma_wait3A_401 = tpu.memref_slice %arg6[%dma_wait3A_398, %dma_wait3A_399, %dma_wait3A_400] : memref<4x200x32xf32, #tpu.memory_space<vmem>> -> memref<1x72x32xf32, #tpu.memory_space<vmem>>
      %dma_wait3A_402 = tpu.memref_squeeze %dma_wait3A_401 : memref<1x72x32xf32, #tpu.memory_space<vmem>> -> memref<72x32xf32, #tpu.memory_space<vmem>>
      %dma_wait3A_403 = arith.constant 128 : i32
      %dma_wait3A_404 = tpu.memref_slice %arg5[%dma_wait3A_397, %dma_wait3A_403] : memref<256x200xi32, #tpu.memory_space<vmem>> -> memref<1x72xi32, #tpu.memory_space<vmem>>
      %dma_wait3A_405 = tpu.memref_squeeze %dma_wait3A_404 : memref<1x72xi32, #tpu.memory_space<vmem>> -> memref<72xi32, #tpu.memory_space<vmem>>
      %dma_wait3A_406 = arith.constant 0 : i32
      %dma_wait3A_407 = arith.constant 0 : i32
      %dma_wait3A_408 = tpu.memref_slice %arg3[%dma_wait3A_406, %dma_wait3A_407] : memref<1000000x32xf32, #tpu.memory_space<hbm>> -> memref<1000000x32xf32, #tpu.memory_space<hbm>>
      tpu.wait_indirect_dma semaphore(%arg11 : memref<!tpu.dma_semaphore, #tpu.memory_space<semaphore_mem>>) src(%dma_wait3A_408 : memref<1000000x32xf32, #tpu.memory_space<hbm>>) dst(%dma_wait3A_402 : memref<72x32xf32, #tpu.memory_space<vmem>>)
      %broadcast_in_dim3A_409 = arith.constant 0.000000e+00 : f32
      %broadcast_in_dim3A_410 = vector.broadcast %broadcast_in_dim3A_409 : f32 to vector<16xf32>
      %broadcast_in_dim3A_411 = arith.constant 0.000000e+00 : f32
      %broadcast_in_dim3A_412 = vector.broadcast %broadcast_in_dim3A_411 : f32 to vector<16xf32>
      %scan3A_413 = arith.constant 0 : i32
      %scan3A_414 = arith.constant 200 : i32
      %scan3A_415 = arith.addi %scan3A_413, %scan3A_414 : i32
      %scan3A_416 = arith.constant 8 : i32
      %scan3A_417:2 = scf.for %scan3A_442 = %scan3A_413 to %scan3A_415 step %scan3A_416 iter_args(%scan3A_443 = %broadcast_in_dim3A_410, %scan3A_444 = %broadcast_in_dim3A_412) -> (vector<16xf32>, vector<16xf32>)  : i32 {
        %get3A = arith.constant 3 : i32
        %get3A_445 = arith.index_cast %get3A : i32 to index
        %get3A_446 = arith.index_cast %scan3A_442 : i32 to index
        %get3A_447 = arith.constant 0 : index
        %get3A_448 = tpu.vector_load %arg6[%get3A_445, %get3A_446, %get3A_447] {strides = array<i32>} : memref<4x200x32xf32, #tpu.memory_space<vmem>>, vector<1x1x16xf32>,
        %get3A_449 = vector.shape_cast %get3A_448 : vector<1x1x16xf32> to vector<16xf32>
        %add3A_450 = arith.addf %scan3A_443, %get3A_449 : vector<16xf32>
        %get3A_451 = arith.constant 3 : i32
        %get3A_452 = arith.index_cast %get3A_451 : i32 to index
        %get3A_453 = arith.index_cast %scan3A_442 : i32 to index
        %get3A_454 = arith.constant 16 : index
        %get3A_455 = tpu.vector_load %arg6[%get3A_452, %get3A_453, %get3A_454] {strides = array<i32>} : memref<4x200x32xf32, #tpu.memory_space<vmem>>, vector<1x1x16xf32>,
        %get3A_456 = vector.shape_cast %get3A_455 : vector<1x1x16xf32> to vector<16xf32>
        %add3A_457 = arith.addf %scan3A_444, %get3A_456 : vector<16xf32>
        %scan3A_458 = arith.constant 1 : i32
        %scan3A_459 = arith.addi %scan3A_442, %scan3A_458 : i32
        %get3A_460 = arith.constant 3 : i32
        %get3A_461 = arith.index_cast %get3A_460 : i32 to index
        %get3A_462 = arith.index_cast %scan3A_459 : i32 to index
        %get3A_463 = arith.constant 0 : index
        %get3A_464 = tpu.vector_load %arg6[%get3A_461, %get3A_462, %get3A_463] {strides = array<i32>} : memref<4x200x32xf32, #tpu.memory_space<vmem>>, vector<1x1x16xf32>,
        %get3A_465 = vector.shape_cast %get3A_464 : vector<1x1x16xf32> to vector<16xf32>
        %add3A_466 = arith.addf %add3A_450, %get3A_465 : vector<16xf32>
        %get3A_467 = arith.constant 3 : i32
        %get3A_468 = arith.index_cast %get3A_467 : i32 to index
        %get3A_469 = arith.index_cast %scan3A_459 : i32 to index
        %get3A_470 = arith.constant 16 : index
        %get3A_471 = tpu.vector_load %arg6[%get3A_468, %get3A_469, %get3A_470] {strides = array<i32>} : memref<4x200x32xf32, #tpu.memory_space<vmem>>, vector<1x1x16xf32>,
        %get3A_472 = vector.shape_cast %get3A_471 : vector<1x1x16xf32> to vector<16xf32>
        %add3A_473 = arith.addf %add3A_457, %get3A_472 : vector<16xf32>
        %scan3A_474 = arith.constant 2 : i32
        %scan3A_475 = arith.addi %scan3A_442, %scan3A_474 : i32
        %get3A_476 = arith.constant 3 : i32
        %get3A_477 = arith.index_cast %get3A_476 : i32 to index
        %get3A_478 = arith.index_cast %scan3A_475 : i32 to index
        %get3A_479 = arith.constant 0 : index
        %get3A_480 = tpu.vector_load %arg6[%get3A_477, %get3A_478, %get3A_479] {strides = array<i32>} : memref<4x200x32xf32, #tpu.memory_space<vmem>>, vector<1x1x16xf32>,
        %get3A_481 = vector.shape_cast %get3A_480 : vector<1x1x16xf32> to vector<16xf32>
        %add3A_482 = arith.addf %add3A_466, %get3A_481 : vector<16xf32>
        %get3A_483 = arith.constant 3 : i32
        %get3A_484 = arith.index_cast %get3A_483 : i32 to index
        %get3A_485 = arith.index_cast %scan3A_475 : i32 to index
        %get3A_486 = arith.constant 16 : index
        %get3A_487 = tpu.vector_load %arg6[%get3A_484, %get3A_485, %get3A_486] {strides = array<i32>} : memref<4x200x32xf32, #tpu.memory_space<vmem>>, vector<1x1x16xf32>,
        %get3A_488 = vector.shape_cast %get3A_487 : vector<1x1x16xf32> to vector<16xf32>
        %add3A_489 = arith.addf %add3A_473, %get3A_488 : vector<16xf32>
        %scan3A_490 = arith.constant 3 : i32
        %scan3A_491 = arith.addi %scan3A_442, %scan3A_490 : i32
        %get3A_492 = arith.constant 3 : i32
        %get3A_493 = arith.index_cast %get3A_492 : i32 to index
        %get3A_494 = arith.index_cast %scan3A_491 : i32 to index
        %get3A_495 = arith.constant 0 : index
        %get3A_496 = tpu.vector_load %arg6[%get3A_493, %get3A_494, %get3A_495] {strides = array<i32>} : memref<4x200x32xf32, #tpu.memory_space<vmem>>, vector<1x1x16xf32>,
        %get3A_497 = vector.shape_cast %get3A_496 : vector<1x1x16xf32> to vector<16xf32>
        %add3A_498 = arith.addf %add3A_482, %get3A_497 : vector<16xf32>
        %get3A_499 = arith.constant 3 : i32
        %get3A_500 = arith.index_cast %get3A_499 : i32 to index
        %get3A_501 = arith.index_cast %scan3A_491 : i32 to index
        %get3A_502 = arith.constant 16 : index
        %get3A_503 = tpu.vector_load %arg6[%get3A_500, %get3A_501, %get3A_502] {strides = array<i32>} : memref<4x200x32xf32, #tpu.memory_space<vmem>>, vector<1x1x16xf32>,
        %get3A_504 = vector.shape_cast %get3A_503 : vector<1x1x16xf32> to vector<16xf32>
        %add3A_505 = arith.addf %add3A_489, %get3A_504 : vector<16xf32>
        %scan3A_506 = arith.constant 4 : i32
        %scan3A_507 = arith.addi %scan3A_442, %scan3A_506 : i32
        %get3A_508 = arith.constant 3 : i32
        %get3A_509 = arith.index_cast %get3A_508 : i32 to index
        %get3A_510 = arith.index_cast %scan3A_507 : i32 to index
        %get3A_511 = arith.constant 0 : index
        %get3A_512 = tpu.vector_load %arg6[%get3A_509, %get3A_510, %get3A_511] {strides = array<i32>} : memref<4x200x32xf32, #tpu.memory_space<vmem>>, vector<1x1x16xf32>,
        %get3A_513 = vector.shape_cast %get3A_512 : vector<1x1x16xf32> to vector<16xf32>
        %add3A_514 = arith.addf %add3A_498, %get3A_513 : vector<16xf32>
        %get3A_515 = arith.constant 3 : i32
        %get3A_516 = arith.index_cast %get3A_515 : i32 to index
        %get3A_517 = arith.index_cast %scan3A_507 : i32 to index
        %get3A_518 = arith.constant 16 : index
        %get3A_519 = tpu.vector_load %arg6[%get3A_516, %get3A_517, %get3A_518] {strides = array<i32>} : memref<4x200x32xf32, #tpu.memory_space<vmem>>, vector<1x1x16xf32>,
        %get3A_520 = vector.shape_cast %get3A_519 : vector<1x1x16xf32> to vector<16xf32>
        %add3A_521 = arith.addf %add3A_505, %get3A_520 : vector<16xf32>
        %scan3A_522 = arith.constant 5 : i32
        %scan3A_523 = arith.addi %scan3A_442, %scan3A_522 : i32
        %get3A_524 = arith.constant 3 : i32
        %get3A_525 = arith.index_cast %get3A_524 : i32 to index
        %get3A_526 = arith.index_cast %scan3A_523 : i32 to index
        %get3A_527 = arith.constant 0 : index
        %get3A_528 = tpu.vector_load %arg6[%get3A_525, %get3A_526, %get3A_527] {strides = array<i32>} : memref<4x200x32xf32, #tpu.memory_space<vmem>>, vector<1x1x16xf32>,
        %get3A_529 = vector.shape_cast %get3A_528 : vector<1x1x16xf32> to vector<16xf32>
        %add3A_530 = arith.addf %add3A_514, %get3A_529 : vector<16xf32>
        %get3A_531 = arith.constant 3 : i32
        %get3A_532 = arith.index_cast %get3A_531 : i32 to index
        %get3A_533 = arith.index_cast %scan3A_523 : i32 to index
        %get3A_534 = arith.constant 16 : index
        %get3A_535 = tpu.vector_load %arg6[%get3A_532, %get3A_533, %get3A_534] {strides = array<i32>} : memref<4x200x32xf32, #tpu.memory_space<vmem>>, vector<1x1x16xf32>,
        %get3A_536 = vector.shape_cast %get3A_535 : vector<1x1x16xf32> to vector<16xf32>
        %add3A_537 = arith.addf %add3A_521, %get3A_536 : vector<16xf32>
        %scan3A_538 = arith.constant 6 : i32
        %scan3A_539 = arith.addi %scan3A_442, %scan3A_538 : i32
        %get3A_540 = arith.constant 3 : i32
        %get3A_541 = arith.index_cast %get3A_540 : i32 to index
        %get3A_542 = arith.index_cast %scan3A_539 : i32 to index
        %get3A_543 = arith.constant 0 : index
        %get3A_544 = tpu.vector_load %arg6[%get3A_541, %get3A_542, %get3A_543] {strides = array<i32>} : memref<4x200x32xf32, #tpu.memory_space<vmem>>, vector<1x1x16xf32>,
        %get3A_545 = vector.shape_cast %get3A_544 : vector<1x1x16xf32> to vector<16xf32>
        %add3A_546 = arith.addf %add3A_530, %get3A_545 : vector<16xf32>
        %get3A_547 = arith.constant 3 : i32
        %get3A_548 = arith.index_cast %get3A_547 : i32 to index
        %get3A_549 = arith.index_cast %scan3A_539 : i32 to index
        %get3A_550 = arith.constant 16 : index
        %get3A_551 = tpu.vector_load %arg6[%get3A_548, %get3A_549, %get3A_550] {strides = array<i32>} : memref<4x200x32xf32, #tpu.memory_space<vmem>>, vector<1x1x16xf32>,
        %get3A_552 = vector.shape_cast %get3A_551 : vector<1x1x16xf32> to vector<16xf32>
        %add3A_553 = arith.addf %add3A_537, %get3A_552 : vector<16xf32>
        %scan3A_554 = arith.constant 7 : i32
        %scan3A_555 = arith.addi %scan3A_442, %scan3A_554 : i32
        %get3A_556 = arith.constant 3 : i32
        %get3A_557 = arith.index_cast %get3A_556 : i32 to index
        %get3A_558 = arith.index_cast %scan3A_555 : i32 to index
        %get3A_559 = arith.constant 0 : index
        %get3A_560 = tpu.vector_load %arg6[%get3A_557, %get3A_558, %get3A_559] {strides = array<i32>} : memref<4x200x32xf32, #tpu.memory_space<vmem>>, vector<1x1x16xf32>,
        %get3A_561 = vector.shape_cast %get3A_560 : vector<1x1x16xf32> to vector<16xf32>
        %add3A_562 = arith.addf %add3A_546, %get3A_561 : vector<16xf32>
        %get3A_563 = arith.constant 3 : i32
        %get3A_564 = arith.index_cast %get3A_563 : i32 to index
        %get3A_565 = arith.index_cast %scan3A_555 : i32 to index
        %get3A_566 = arith.constant 16 : index
        %get3A_567 = tpu.vector_load %arg6[%get3A_564, %get3A_565, %get3A_566] {strides = array<i32>} : memref<4x200x32xf32, #tpu.memory_space<vmem>>, vector<1x1x16xf32>,
        %get3A_568 = vector.shape_cast %get3A_567 : vector<1x1x16xf32> to vector<16xf32>
        %add3A_569 = arith.addf %add3A_553, %get3A_568 : vector<16xf32>
        scf.yield %add3A_562, %add3A_569 : vector<16xf32>, vector<16xf32>
      }
      %scan3A_418 = arith.constant 200 : i32
      %mul3A_419 = arith.constant 5.000000e-03 : f32
      %mul3A_420 = vector.broadcast %mul3A_419 : f32 to vector<16xf32>
      %mul3A_421 = arith.mulf %scan3A_417#0, %mul3A_420 : vector<16xf32>
      %swap3A_422 = arith.index_cast %add3A_384 : i32 to index
      %swap3A_423 = arith.constant 0 : index
      %swap3A_424 = tpu.vector_load %arg7[%swap3A_422, %swap3A_423] {strides = array<i32>} : memref<256x32xf32, #tpu.memory_space<vmem>>, vector<1x16xf32>,
      %swap3A_425 = vector.shape_cast %swap3A_424 : vector<1x16xf32> to vector<16xf32>
      %swap3A_426 = vector.shape_cast %mul3A_421 : vector<16xf32> to vector<1x16xf32>
      tpu.vector_store %arg7[%swap3A_422, %swap3A_423], %swap3A_426 {strides = array<i32>} : memref<256x32xf32, #tpu.memory_space<vmem>>, vector<1x16xf32>,
      %mul3A_427 = arith.constant 5.000000e-03 : f32
      %mul3A_428 = vector.broadcast %mul3A_427 : f32 to vector<16xf32>
      %mul3A_429 = arith.mulf %scan3A_417#1, %mul3A_428 : vector<16xf32>
      %swap3A_430 = arith.index_cast %add3A_384 : i32 to index
      %swap3A_431 = arith.constant 16 : index
      %swap3A_432 = tpu.vector_load %arg7[%swap3A_430, %swap3A_431] {strides = array<i32>} : memref<256x32xf32, #tpu.memory_space<vmem>>, vector<1x16xf32>,
      %swap3A_433 = vector.shape_cast %swap3A_432 : vector<1x16xf32> to vector<16xf32>
      %swap3A_434 = vector.shape_cast %mul3A_429 : vector<16xf32> to vector<1x16xf32>
      tpu.vector_store %arg7[%swap3A_430, %swap3A_431], %swap3A_434 {strides = array<i32>} : memref<256x32xf32, #tpu.memory_space<vmem>>, vector<1x16xf32>,
      %add3A_435 = arith.constant 4 : i32
      %add3A_436 = arith.addi %add3A_211, %add3A_435 : i32
      %lt3A_437 = arith.constant 256 : i32
      %lt3A_438 = arith.cmpi slt, %add3A_436, %lt3A_437 : i32
      %convert_element_type3A_439 = arith.extui %lt3A_438 : i1 to i32
      %cond3A_440 = arith.constant 0 : i32
      %cond3A_441 = arith.cmpi ne, %convert_element_type3A_439, %cond3A_440 : i32
      scf.if %cond3A_441 {
        %add3A_442 = arith.constant 4 : i32
        %add3A_443 = arith.addi %add3A_384, %add3A_442 : i32
        %dma_start3A_444 = arith.constant 3 : i32
        %dma_start3A_445 = arith.constant 0 : i32
        %dma_start3A_446 = arith.constant 0 : i32
        %dma_start3A_447 = tpu.memref_slice %arg6[%dma_start3A_444, %dma_start3A_445, %dma_start3A_446] : memref<4x200x32xf32, #tpu.memory_space<vmem>> -> memref<1x128x32xf32, #tpu.memory_space<vmem>>
        %dma_start3A_448 = tpu.memref_squeeze %dma_start3A_447 : memref<1x128x32xf32, #tpu.memory_space<vmem>> -> memref<128x32xf32, #tpu.memory_space<vmem>>
        %dma_start3A_449 = arith.constant 0 : i32
        %dma_start3A_450 = tpu.memref_slice %arg5[%add3A_443, %dma_start3A_449] : memref<256x200xi32, #tpu.memory_space<vmem>> -> memref<1x128xi32, #tpu.memory_space<vmem>>
        %dma_start3A_451 = tpu.memref_squeeze %dma_start3A_450 : memref<1x128xi32, #tpu.memory_space<vmem>> -> memref<128xi32, #tpu.memory_space<vmem>>
        %dma_start3A_452 = arith.constant 0 : i32
        %dma_start3A_453 = arith.constant 0 : i32
        %dma_start3A_454 = tpu.memref_slice %arg3[%dma_start3A_452, %dma_start3A_453] : memref<1000000x32xf32, #tpu.memory_space<hbm>> -> memref<1000000x32xf32, #tpu.memory_space<hbm>>
        tpu.enqueue_indirect_dma source(%dma_start3A_454 : memref<1000000x32xf32, #tpu.memory_space<hbm>>) target(%dma_start3A_448 : memref<128x32xf32, #tpu.memory_space<vmem>>) offsets(%dma_start3A_451 : memref<128xi32, #tpu.memory_space<vmem>>) semaphore(%arg11 : memref<!tpu.dma_semaphore, #tpu.memory_space<semaphore_mem>>)
        %dma_start3A_455 = arith.constant 3 : i32
        %dma_start3A_456 = arith.constant 128 : i32
        %dma_start3A_457 = arith.constant 0 : i32
        %dma_start3A_458 = tpu.memref_slice %arg6[%dma_start3A_455, %dma_start3A_456, %dma_start3A_457] : memref<4x200x32xf32, #tpu.memory_space<vmem>> -> memref<1x72x32xf32, #tpu.memory_space<vmem>>
        %dma_start3A_459 = tpu.memref_squeeze %dma_start3A_458 : memref<1x72x32xf32, #tpu.memory_space<vmem>> -> memref<72x32xf32, #tpu.memory_space<vmem>>
        %dma_start3A_460 = arith.constant 128 : i32
        %dma_start3A_461 = tpu.memref_slice %arg5[%add3A_443, %dma_start3A_460] : memref<256x200xi32, #tpu.memory_space<vmem>> -> memref<1x72xi32, #tpu.memory_space<vmem>>
        %dma_start3A_462 = tpu.memref_squeeze %dma_start3A_461 : memref<1x72xi32, #tpu.memory_space<vmem>> -> memref<72xi32, #tpu.memory_space<vmem>>
        %dma_start3A_463 = arith.constant 0 : i32
        %dma_start3A_464 = arith.constant 0 : i32
        %dma_start3A_465 = tpu.memref_slice %arg3[%dma_start3A_463, %dma_start3A_464] : memref<1000000x32xf32, #tpu.memory_space<hbm>> -> memref<1000000x32xf32, #tpu.memory_space<hbm>>
        tpu.enqueue_indirect_dma source(%dma_start3A_465 : memref<1000000x32xf32, #tpu.memory_space<hbm>>) target(%dma_start3A_459 : memref<72x32xf32, #tpu.memory_space<vmem>>) offsets(%dma_start3A_462 : memref<72xi32, #tpu.memory_space<vmem>>) semaphore(%arg11 : memref<!tpu.dma_semaphore, #tpu.memory_space<semaphore_mem>>)
      } else {
      }
    }
    %scan3A_103 = arith.constant 64 : i32
    "tpu.region"() ({
      %run_scoped3A = tpu.sem_alloc : memref<!tpu.dma_semaphore, #tpu.memory_space<semaphore_mem>>
      %dma_start3A_207 = arith.constant 0 : i32
      %dma_start3A_208 = tpu.memref_slice %arg4[%add3A_4, %dma_start3A_207] : memref<16384x32xf32, #tpu.memory_space<hbm>> -> memref<256x32xf32, #tpu.memory_space<hbm>>
      %dma_start3A_209 = arith.constant 0 : i32
      %dma_start3A_210 = tpu.memref_slice %arg4[%add3A_4, %dma_start3A_209] : memref<16384x32xf32, #tpu.memory_space<hbm>> -> memref<256x32xf32, #tpu.memory_space<hbm>>
      tpu.enqueue_dma source(%arg7 : memref<256x32xf32, #tpu.memory_space<vmem>>) target(%dma_start3A_210 : memref<256x32xf32, #tpu.memory_space<hbm>>) target_semaphore(%run_scoped3A : memref<!tpu.dma_semaphore, #tpu.memory_space<semaphore_mem>>)
      %dma_wait3A = arith.constant 0 : i32
      %dma_wait3A_211 = tpu.memref_slice %arg4[%add3A_4, %dma_wait3A] : memref<16384x32xf32, #tpu.memory_space<hbm>> -> memref<256x32xf32, #tpu.memory_space<hbm>>
      %dma_wait3A_212 = arith.constant 0 : i32
      %dma_wait3A_213 = tpu.memref_slice %arg4[%add3A_4, %dma_wait3A_212] : memref<16384x32xf32, #tpu.memory_space<hbm>> -> memref<256x32xf32, #tpu.memory_space<hbm>>
      tpu.wait_dma2 semaphore(%run_scoped3A : memref<!tpu.dma_semaphore, #tpu.memory_space<semaphore_mem>>) src(%arg7 : memref<256x32xf32, #tpu.memory_space<vmem>>) dst(%dma_wait3A_213 : memref<256x32xf32, #tpu.memory_space<hbm>>)
      tpu.yield
    }) : () -> ()
    %add3A_104 = arith.constant 256 : i32
    %add3A_105 = arith.addi %mul3A_2, %add3A_104 : i32
    "tpu.region"() ({
      %run_scoped3A = tpu.sem_alloc : memref<!tpu.dma_semaphore, #tpu.memory_space<semaphore_mem>>
      %dma_start3A_207 = arith.constant 0 : i32
      %dma_start3A_208 = tpu.memref_slice %arg2[%add3A_105, %dma_start3A_207] : memref<16384x200xi32, #tpu.memory_space<hbm>> -> memref<256x200xi32, #tpu.memory_space<hbm>>
      %dma_start3A_209 = arith.constant 0 : i32
      %dma_start3A_210 = tpu.memref_slice %arg2[%add3A_105, %dma_start3A_209] : memref<16384x200xi32, #tpu.memory_space<hbm>> -> memref<256x200xi32, #tpu.memory_space<hbm>>
      tpu.enqueue_dma source(%dma_start3A_210 : memref<256x200xi32, #tpu.memory_space<hbm>>) target(%arg5 : memref<256x200xi32, #tpu.memory_space<vmem>>) target_semaphore(%run_scoped3A : memref<!tpu.dma_semaphore, #tpu.memory_space<semaphore_mem>>)
      %dma_wait3A = arith.constant 0 : i32
      %dma_wait3A_211 = tpu.memref_slice %arg2[%add3A_105, %dma_wait3A] : memref<16384x200xi32, #tpu.memory_space<hbm>> -> memref<256x200xi32, #tpu.memory_space<hbm>>
      %dma_wait3A_212 = arith.constant 0 : i32
      %dma_wait3A_213 = tpu.memref_slice %arg2[%add3A_105, %dma_wait3A_212] : memref<16384x200xi32, #tpu.memory_space<hbm>> -> memref<256x200xi32, #tpu.memory_space<hbm>>
      tpu.wait_dma2 semaphore(%run_scoped3A : memref<!tpu.dma_semaphore, #tpu.memory_space<semaphore_mem>>) src(%dma_wait3A_213 : memref<256x200xi32, #tpu.memory_space<hbm>>) dst(%arg5 : memref<256x200xi32, #tpu.memory_space<vmem>>)
      tpu.yield
    }) : () -> ()
    %dma_start3A_106 = arith.constant 0 : i32
    %dma_start3A_107 = arith.constant 0 : i32
    %dma_start3A_108 = arith.constant 0 : i32
    %dma_start3A_109 = arith.constant 0 : i32
    %dma_start3A_110 = tpu.memref_slice %arg6[%dma_start3A_107, %dma_start3A_108, %dma_start3A_109] : memref<4x200x32xf32, #tpu.memory_space<vmem>> -> memref<1x128x32xf32, #tpu.memory_space<vmem>>
    %dma_start3A_111 = tpu.memref_squeeze %dma_start3A_110 : memref<1x128x32xf32, #tpu.memory_space<vmem>> -> memref<128x32xf32, #tpu.memory_space<vmem>>
    %dma_start3A_112 = arith.constant 0 : i32
    %dma_start3A_113 = tpu.memref_slice %arg5[%dma_start3A_106, %dma_start3A_112] : memref<256x200xi32, #tpu.memory_space<vmem>> -> memref<1x128xi32, #tpu.memory_space<vmem>>
    %dma_start3A_114 = tpu.memref_squeeze %dma_start3A_113 : memref<1x128xi32, #tpu.memory_space<vmem>> -> memref<128xi32, #tpu.memory_space<vmem>>
    %dma_start3A_115 = arith.constant 0 : i32
    %dma_start3A_116 = arith.constant 0 : i32
    %dma_start3A_117 = tpu.memref_slice %arg3[%dma_start3A_115, %dma_start3A_116] : memref<1000000x32xf32, #tpu.memory_space<hbm>> -> memref<1000000x32xf32, #tpu.memory_space<hbm>>
    tpu.enqueue_indirect_dma source(%dma_start3A_117 : memref<1000000x32xf32, #tpu.memory_space<hbm>>) target(%dma_start3A_111 : memref<128x32xf32, #tpu.memory_space<vmem>>) offsets(%dma_start3A_114 : memref<128xi32, #tpu.memory_space<vmem>>) semaphore(%arg8 : memref<!tpu.dma_semaphore, #tpu.memory_space<semaphore_mem>>)
    %dma_start3A_118 = arith.constant 0 : i32
    %dma_start3A_119 = arith.constant 0 : i32
    %dma_start3A_120 = arith.constant 128 : i32
    %dma_start3A_121 = arith.constant 0 : i32
    %dma_start3A_122 = tpu.memref_slice %arg6[%dma_start3A_119, %dma_start3A_120, %dma_start3A_121] : memref<4x200x32xf32, #tpu.memory_space<vmem>> -> memref<1x72x32xf32, #tpu.memory_space<vmem>>
    %dma_start3A_123 = tpu.memref_squeeze %dma_start3A_122 : memref<1x72x32xf32, #tpu.memory_space<vmem>> -> memref<72x32xf32, #tpu.memory_space<vmem>>
    %dma_start3A_124 = arith.constant 128 : i32
    %dma_start3A_125 = tpu.memref_slice %arg5[%dma_start3A_118, %dma_start3A_124] : memref<256x200xi32, #tpu.memory_space<vmem>> -> memref<1x72xi32, #tpu.memory_space<vmem>>
    %dma_start3A_126 = tpu.memref_squeeze %dma_start3A_125 : memref<1x72xi32, #tpu.memory_space<vmem>> -> memref<72xi32, #tpu.memory_space<vmem>>
    %dma_start3A_127 = arith.constant 0 : i32
    %dma_start3A_128 = arith.constant 0 : i32
    %dma_start3A_129 = tpu.memref_slice %arg3[%dma_start3A_127, %dma_start3A_128] : memref<1000000x32xf32, #tpu.memory_space<hbm>> -> memref<1000000x32xf32, #tpu.memory_space<hbm>>
    tpu.enqueue_indirect_dma source(%dma_start3A_129 : memref<1000000x32xf32, #tpu.memory_space<hbm>>) target(%dma_start3A_123 : memref<72x32xf32, #tpu.memory_space<vmem>>) offsets(%dma_start3A_126 : memref<72xi32, #tpu.memory_space<vmem>>) semaphore(%arg8 : memref<!tpu.dma_semaphore, #tpu.memory_space<semaphore_mem>>)
    %dma_start3A_130 = arith.constant 1 : i32
    %dma_start3A_131 = arith.constant 1 : i32
    %dma_start3A_132 = arith.constant 0 : i32
    %dma_start3A_133 = arith.constant 0 : i32
    %dma_start3A_134 = tpu.memref_slice %arg6[%dma_start3A_131, %dma_start3A_132, %dma_start3A_133] : memref<4x200x32xf32, #tpu.memory_space<vmem>> -> memref<1x128x32xf32, #tpu.memory_space<vmem>>
    %dma_start3A_135 = tpu.memref_squeeze %dma_start3A_134 : memref<1x128x32xf32, #tpu.memory_space<vmem>> -> memref<128x32xf32, #tpu.memory_space<vmem>>
    %dma_start3A_136 = arith.constant 0 : i32
    %dma_start3A_137 = tpu.memref_slice %arg5[%dma_start3A_130, %dma_start3A_136] : memref<256x200xi32, #tpu.memory_space<vmem>> -> memref<1x128xi32, #tpu.memory_space<vmem>>
    %dma_start3A_138 = tpu.memref_squeeze %dma_start3A_137 : memref<1x128xi32, #tpu.memory_space<vmem>> -> memref<128xi32, #tpu.memory_space<vmem>>
    %dma_start3A_139 = arith.constant 0 : i32
    %dma_start3A_140 = arith.constant 0 : i32
    %dma_start3A_141 = tpu.memref_slice %arg3[%dma_start3A_139, %dma_start3A_140] : memref<1000000x32xf32, #tpu.memory_space<hbm>> -> memref<1000000x32xf32, #tpu.memory_space<hbm>>
    tpu.enqueue_indirect_dma source(%dma_start3A_141 : memref<1000000x32xf32, #tpu.memory_space<hbm>>) target(%dma_start3A_135 : memref<128x32xf32, #tpu.memory_space<vmem>>) offsets(%dma_start3A_138 : memref<128xi32, #tpu.memory_space<vmem>>) semaphore(%arg9 : memref<!tpu.dma_semaphore, #tpu.memory_space<semaphore_mem>>)
    %dma_start3A_142 = arith.constant 1 : i32
    %dma_start3A_143 = arith.constant 1 : i32
    %dma_start3A_144 = arith.constant 128 : i32
    %dma_start3A_145 = arith.constant 0 : i32
    %dma_start3A_146 = tpu.memref_slice %arg6[%dma_start3A_143, %dma_start3A_144, %dma_start3A_145] : memref<4x200x32xf32, #tpu.memory_space<vmem>> -> memref<1x72x32xf32, #tpu.memory_space<vmem>>
    %dma_start3A_147 = tpu.memref_squeeze %dma_start3A_146 : memref<1x72x32xf32, #tpu.memory_space<vmem>> -> memref<72x32xf32, #tpu.memory_space<vmem>>
    %dma_start3A_148 = arith.constant 128 : i32
    %dma_start3A_149 = tpu.memref_slice %arg5[%dma_start3A_142, %dma_start3A_148] : memref<256x200xi32, #tpu.memory_space<vmem>> -> memref<1x72xi32, #tpu.memory_space<vmem>>
    %dma_start3A_150 = tpu.memref_squeeze %dma_start3A_149 : memref<1x72xi32, #tpu.memory_space<vmem>> -> memref<72xi32, #tpu.memory_space<vmem>>
    %dma_start3A_151 = arith.constant 0 : i32
    %dma_start3A_152 = arith.constant 0 : i32
    %dma_start3A_153 = tpu.memref_slice %arg3[%dma_start3A_151, %dma_start3A_152] : memref<1000000x32xf32, #tpu.memory_space<hbm>> -> memref<1000000x32xf32, #tpu.memory_space<hbm>>
    tpu.enqueue_indirect_dma source(%dma_start3A_153 : memref<1000000x32xf32, #tpu.memory_space<hbm>>) target(%dma_start3A_147 : memref<72x32xf32, #tpu.memory_space<vmem>>) offsets(%dma_start3A_150 : memref<72xi32, #tpu.memory_space<vmem>>) semaphore(%arg9 : memref<!tpu.dma_semaphore, #tpu.memory_space<semaphore_mem>>)
    %dma_start3A_154 = arith.constant 2 : i32
    %dma_start3A_155 = arith.constant 2 : i32
    %dma_start3A_156 = arith.constant 0 : i32
    %dma_start3A_157 = arith.constant 0 : i32
    %dma_start3A_158 = tpu.memref_slice %arg6[%dma_start3A_155, %dma_start3A_156, %dma_start3A_157] : memref<4x200x32xf32, #tpu.memory_space<vmem>> -> memref<1x128x32xf32, #tpu.memory_space<vmem>>
    %dma_start3A_159 = tpu.memref_squeeze %dma_start3A_158 : memref<1x128x32xf32, #tpu.memory_space<vmem>> -> memref<128x32xf32, #tpu.memory_space<vmem>>
    %dma_start3A_160 = arith.constant 0 : i32
    %dma_start3A_161 = tpu.memref_slice %arg5[%dma_start3A_154, %dma_start3A_160] : memref<256x200xi32, #tpu.memory_space<vmem>> -> memref<1x128xi32, #tpu.memory_space<vmem>>
    %dma_start3A_162 = tpu.memref_squeeze %dma_start3A_161 : memref<1x128xi32, #tpu.memory_space<vmem>> -> memref<128xi32, #tpu.memory_space<vmem>>
    %dma_start3A_163 = arith.constant 0 : i32
    %dma_start3A_164 = arith.constant 0 : i32
    %dma_start3A_165 = tpu.memref_slice %arg3[%dma_start3A_163, %dma_start3A_164] : memref<1000000x32xf32, #tpu.memory_space<hbm>> -> memref<1000000x32xf32, #tpu.memory_space<hbm>>
    tpu.enqueue_indirect_dma source(%dma_start3A_165 : memref<1000000x32xf32, #tpu.memory_space<hbm>>) target(%dma_start3A_159 : memref<128x32xf32, #tpu.memory_space<vmem>>) offsets(%dma_start3A_162 : memref<128xi32, #tpu.memory_space<vmem>>) semaphore(%arg10 : memref<!tpu.dma_semaphore, #tpu.memory_space<semaphore_mem>>)
    %dma_start3A_166 = arith.constant 2 : i32
    %dma_start3A_167 = arith.constant 2 : i32
    %dma_start3A_168 = arith.constant 128 : i32
    %dma_start3A_169 = arith.constant 0 : i32
    %dma_start3A_170 = tpu.memref_slice %arg6[%dma_start3A_167, %dma_start3A_168, %dma_start3A_169] : memref<4x200x32xf32, #tpu.memory_space<vmem>> -> memref<1x72x32xf32, #tpu.memory_space<vmem>>
    %dma_start3A_171 = tpu.memref_squeeze %dma_start3A_170 : memref<1x72x32xf32, #tpu.memory_space<vmem>> -> memref<72x32xf32, #tpu.memory_space<vmem>>
    %dma_start3A_172 = arith.constant 128 : i32
    %dma_start3A_173 = tpu.memref_slice %arg5[%dma_start3A_166, %dma_start3A_172] : memref<256x200xi32, #tpu.memory_space<vmem>> -> memref<1x72xi32, #tpu.memory_space<vmem>>
    %dma_start3A_174 = tpu.memref_squeeze %dma_start3A_173 : memref<1x72xi32, #tpu.memory_space<vmem>> -> memref<72xi32, #tpu.memory_space<vmem>>
    %dma_start3A_175 = arith.constant 0 : i32
    %dma_start3A_176 = arith.constant 0 : i32
    %dma_start3A_177 = tpu.memref_slice %arg3[%dma_start3A_175, %dma_start3A_176] : memref<1000000x32xf32, #tpu.memory_space<hbm>> -> memref<1000000x32xf32, #tpu.memory_space<hbm>>
    tpu.enqueue_indirect_dma source(%dma_start3A_177 : memref<1000000x32xf32, #tpu.memory_space<hbm>>) target(%dma_start3A_171 : memref<72x32xf32, #tpu.memory_space<vmem>>) offsets(%dma_start3A_174 : memref<72xi32, #tpu.memory_space<vmem>>) semaphore(%arg10 : memref<!tpu.dma_semaphore, #tpu.memory_space<semaphore_mem>>)
    %dma_start3A_178 = arith.constant 3 : i32
    %dma_start3A_179 = arith.constant 3 : i32
    %dma_start3A_180 = arith.constant 0 : i32
    %dma_start3A_181 = arith.constant 0 : i32
    %dma_start3A_182 = tpu.memref_slice %arg6[%dma_start3A_179, %dma_start3A_180, %dma_start3A_181] : memref<4x200x32xf32, #tpu.memory_space<vmem>> -> memref<1x128x32xf32, #tpu.memory_space<vmem>>
    %dma_start3A_183 = tpu.memref_squeeze %dma_start3A_182 : memref<1x128x32xf32, #tpu.memory_space<vmem>> -> memref<128x32xf32, #tpu.memory_space<vmem>>
    %dma_start3A_184 = arith.constant 0 : i32
    %dma_start3A_185 = tpu.memref_slice %arg5[%dma_start3A_178, %dma_start3A_184] : memref<256x200xi32, #tpu.memory_space<vmem>> -> memref<1x128xi32, #tpu.memory_space<vmem>>
    %dma_start3A_186 = tpu.memref_squeeze %dma_start3A_185 : memref<1x128xi32, #tpu.memory_space<vmem>> -> memref<128xi32, #tpu.memory_space<vmem>>
    %dma_start3A_187 = arith.constant 0 : i32
    %dma_start3A_188 = arith.constant 0 : i32
    %dma_start3A_189 = tpu.memref_slice %arg3[%dma_start3A_187, %dma_start3A_188] : memref<1000000x32xf32, #tpu.memory_space<hbm>> -> memref<1000000x32xf32, #tpu.memory_space<hbm>>
    tpu.enqueue_indirect_dma source(%dma_start3A_189 : memref<1000000x32xf32, #tpu.memory_space<hbm>>) target(%dma_start3A_183 : memref<128x32xf32, #tpu.memory_space<vmem>>) offsets(%dma_start3A_186 : memref<128xi32, #tpu.memory_space<vmem>>) semaphore(%arg11 : memref<!tpu.dma_semaphore, #tpu.memory_space<semaphore_mem>>)
    %dma_start3A_190 = arith.constant 3 : i32
    %dma_start3A_191 = arith.constant 3 : i32
    %dma_start3A_192 = arith.constant 128 : i32
    %dma_start3A_193 = arith.constant 0 : i32
    %dma_start3A_194 = tpu.memref_slice %arg6[%dma_start3A_191, %dma_start3A_192, %dma_start3A_193] : memref<4x200x32xf32, #tpu.memory_space<vmem>> -> memref<1x72x32xf32, #tpu.memory_space<vmem>>
    %dma_start3A_195 = tpu.memref_squeeze %dma_start3A_194 : memref<1x72x32xf32, #tpu.memory_space<vmem>> -> memref<72x32xf32, #tpu.memory_space<vmem>>
    %dma_start3A_196 = arith.constant 128 : i32
    %dma_start3A_197 = tpu.memref_slice %arg5[%dma_start3A_190, %dma_start3A_196] : memref<256x200xi32, #tpu.memory_space<vmem>> -> memref<1x72xi32, #tpu.memory_space<vmem>>
    %dma_start3A_198 = tpu.memref_squeeze %dma_start3A_197 : memref<1x72xi32, #tpu.memory_space<vmem>> -> memref<72xi32, #tpu.memory_space<vmem>>
    %dma_start3A_199 = arith.constant 0 : i32
    %dma_start3A_200 = arith.constant 0 : i32
    %dma_start3A_201 = tpu.memref_slice %arg3[%dma_start3A_199, %dma_start3A_200] : memref<1000000x32xf32, #tpu.memory_space<hbm>> -> memref<1000000x32xf32, #tpu.memory_space<hbm>>
    tpu.enqueue_indirect_dma source(%dma_start3A_201 : memref<1000000x32xf32, #tpu.memory_space<hbm>>) target(%dma_start3A_195 : memref<72x32xf32, #tpu.memory_space<vmem>>) offsets(%dma_start3A_198 : memref<72xi32, #tpu.memory_space<vmem>>) semaphore(%arg11 : memref<!tpu.dma_semaphore, #tpu.memory_space<semaphore_mem>>)
    %scan3A_202 = arith.constant 0 : i32
    %scan3A_203 = arith.constant 64 : i32
    %scan3A_204 = arith.addi %scan3A_202, %scan3A_203 : i32
    %scan3A_205 = arith.constant 1 : i32
    scf.for %scan3A_207 = %scan3A_202 to %scan3A_204 step %scan3A_205  : i32 {
      %mul3A_208 = arith.constant 4 : i32
      %mul3A_209 = arith.muli %scan3A_207, %mul3A_208 : i32
      %add3A_210 = arith.constant 0 : i32
      %add3A_211 = arith.addi %add3A_210, %mul3A_209 : i32
      %add3A_212 = arith.constant 0 : i32
      %add3A_213 = arith.addi %add3A_211, %add3A_212 : i32
      %dma_wait3A = arith.constant 0 : i32
      %dma_wait3A_214 = arith.constant 0 : i32
      %dma_wait3A_215 = arith.constant 0 : i32
      %dma_wait3A_216 = arith.constant 0 : i32
      %dma_wait3A_217 = tpu.memref_slice %arg6[%dma_wait3A_214, %dma_wait3A_215, %dma_wait3A_216] : memref<4x200x32xf32, #tpu.memory_space<vmem>> -> memref<1x128x32xf32, #tpu.memory_space<vmem>>
      %dma_wait3A_218 = tpu.memref_squeeze %dma_wait3A_217 : memref<1x128x32xf32, #tpu.memory_space<vmem>> -> memref<128x32xf32, #tpu.memory_space<vmem>>
      %dma_wait3A_219 = arith.constant 0 : i32
      %dma_wait3A_220 = tpu.memref_slice %arg5[%dma_wait3A, %dma_wait3A_219] : memref<256x200xi32, #tpu.memory_space<vmem>> -> memref<1x128xi32, #tpu.memory_space<vmem>>
      %dma_wait3A_221 = tpu.memref_squeeze %dma_wait3A_220 : memref<1x128xi32, #tpu.memory_space<vmem>> -> memref<128xi32, #tpu.memory_space<vmem>>
      %dma_wait3A_222 = arith.constant 0 : i32
      %dma_wait3A_223 = arith.constant 0 : i32
      %dma_wait3A_224 = tpu.memref_slice %arg3[%dma_wait3A_222, %dma_wait3A_223] : memref<1000000x32xf32, #tpu.memory_space<hbm>> -> memref<1000000x32xf32, #tpu.memory_space<hbm>>
      tpu.wait_indirect_dma semaphore(%arg8 : memref<!tpu.dma_semaphore, #tpu.memory_space<semaphore_mem>>) src(%dma_wait3A_224 : memref<1000000x32xf32, #tpu.memory_space<hbm>>) dst(%dma_wait3A_218 : memref<128x32xf32, #tpu.memory_space<vmem>>)
      %dma_wait3A_225 = arith.constant 0 : i32
      %dma_wait3A_226 = arith.constant 0 : i32
      %dma_wait3A_227 = arith.constant 128 : i32
      %dma_wait3A_228 = arith.constant 0 : i32
      %dma_wait3A_229 = tpu.memref_slice %arg6[%dma_wait3A_226, %dma_wait3A_227, %dma_wait3A_228] : memref<4x200x32xf32, #tpu.memory_space<vmem>> -> memref<1x72x32xf32, #tpu.memory_space<vmem>>
      %dma_wait3A_230 = tpu.memref_squeeze %dma_wait3A_229 : memref<1x72x32xf32, #tpu.memory_space<vmem>> -> memref<72x32xf32, #tpu.memory_space<vmem>>
      %dma_wait3A_231 = arith.constant 128 : i32
      %dma_wait3A_232 = tpu.memref_slice %arg5[%dma_wait3A_225, %dma_wait3A_231] : memref<256x200xi32, #tpu.memory_space<vmem>> -> memref<1x72xi32, #tpu.memory_space<vmem>>
      %dma_wait3A_233 = tpu.memref_squeeze %dma_wait3A_232 : memref<1x72xi32, #tpu.memory_space<vmem>> -> memref<72xi32, #tpu.memory_space<vmem>>
      %dma_wait3A_234 = arith.constant 0 : i32
      %dma_wait3A_235 = arith.constant 0 : i32
      %dma_wait3A_236 = tpu.memref_slice %arg3[%dma_wait3A_234, %dma_wait3A_235] : memref<1000000x32xf32, #tpu.memory_space<hbm>> -> memref<1000000x32xf32, #tpu.memory_space<hbm>>
      tpu.wait_indirect_dma semaphore(%arg8 : memref<!tpu.dma_semaphore, #tpu.memory_space<semaphore_mem>>) src(%dma_wait3A_236 : memref<1000000x32xf32, #tpu.memory_space<hbm>>) dst(%dma_wait3A_230 : memref<72x32xf32, #tpu.memory_space<vmem>>)
      %broadcast_in_dim3A = arith.constant 0.000000e+00 : f32
      %broadcast_in_dim3A_237 = vector.broadcast %broadcast_in_dim3A : f32 to vector<16xf32>
      %broadcast_in_dim3A_238 = arith.constant 0.000000e+00 : f32
      %broadcast_in_dim3A_239 = vector.broadcast %broadcast_in_dim3A_238 : f32 to vector<16xf32>
      %scan3A_240 = arith.constant 0 : i32
      %scan3A_241 = arith.constant 200 : i32
      %scan3A_242 = arith.addi %scan3A_240, %scan3A_241 : i32
      %scan3A_243 = arith.constant 8 : i32
      %scan3A_244:2 = scf.for %scan3A_442 = %scan3A_240 to %scan3A_242 step %scan3A_243 iter_args(%scan3A_443 = %broadcast_in_dim3A_237, %scan3A_444 = %broadcast_in_dim3A_239) -> (vector<16xf32>, vector<16xf32>)  : i32 {
        %get3A = arith.constant 0 : i32
        %get3A_445 = arith.index_cast %get3A : i32 to index
        %get3A_446 = arith.index_cast %scan3A_442 : i32 to index
        %get3A_447 = arith.constant 0 : index
        %get3A_448 = tpu.vector_load %arg6[%get3A_445, %get3A_446, %get3A_447] {strides = array<i32>} : memref<4x200x32xf32, #tpu.memory_space<vmem>>, vector<1x1x16xf32>,
        %get3A_449 = vector.shape_cast %get3A_448 : vector<1x1x16xf32> to vector<16xf32>
        %add3A_450 = arith.addf %scan3A_443, %get3A_449 : vector<16xf32>
        %get3A_451 = arith.constant 0 : i32
        %get3A_452 = arith.index_cast %get3A_451 : i32 to index
        %get3A_453 = arith.index_cast %scan3A_442 : i32 to index
        %get3A_454 = arith.constant 16 : index
        %get3A_455 = tpu.vector_load %arg6[%get3A_452, %get3A_453, %get3A_454] {strides = array<i32>} : memref<4x200x32xf32, #tpu.memory_space<vmem>>, vector<1x1x16xf32>,
        %get3A_456 = vector.shape_cast %get3A_455 : vector<1x1x16xf32> to vector<16xf32>
        %add3A_457 = arith.addf %scan3A_444, %get3A_456 : vector<16xf32>
        %scan3A_458 = arith.constant 1 : i32
        %scan3A_459 = arith.addi %scan3A_442, %scan3A_458 : i32
        %get3A_460 = arith.constant 0 : i32
        %get3A_461 = arith.index_cast %get3A_460 : i32 to index
        %get3A_462 = arith.index_cast %scan3A_459 : i32 to index
        %get3A_463 = arith.constant 0 : index
        %get3A_464 = tpu.vector_load %arg6[%get3A_461, %get3A_462, %get3A_463] {strides = array<i32>} : memref<4x200x32xf32, #tpu.memory_space<vmem>>, vector<1x1x16xf32>,
        %get3A_465 = vector.shape_cast %get3A_464 : vector<1x1x16xf32> to vector<16xf32>
        %add3A_466 = arith.addf %add3A_450, %get3A_465 : vector<16xf32>
        %get3A_467 = arith.constant 0 : i32
        %get3A_468 = arith.index_cast %get3A_467 : i32 to index
        %get3A_469 = arith.index_cast %scan3A_459 : i32 to index
        %get3A_470 = arith.constant 16 : index
        %get3A_471 = tpu.vector_load %arg6[%get3A_468, %get3A_469, %get3A_470] {strides = array<i32>} : memref<4x200x32xf32, #tpu.memory_space<vmem>>, vector<1x1x16xf32>,
        %get3A_472 = vector.shape_cast %get3A_471 : vector<1x1x16xf32> to vector<16xf32>
        %add3A_473 = arith.addf %add3A_457, %get3A_472 : vector<16xf32>
        %scan3A_474 = arith.constant 2 : i32
        %scan3A_475 = arith.addi %scan3A_442, %scan3A_474 : i32
        %get3A_476 = arith.constant 0 : i32
        %get3A_477 = arith.index_cast %get3A_476 : i32 to index
        %get3A_478 = arith.index_cast %scan3A_475 : i32 to index
        %get3A_479 = arith.constant 0 : index
        %get3A_480 = tpu.vector_load %arg6[%get3A_477, %get3A_478, %get3A_479] {strides = array<i32>} : memref<4x200x32xf32, #tpu.memory_space<vmem>>, vector<1x1x16xf32>,
        %get3A_481 = vector.shape_cast %get3A_480 : vector<1x1x16xf32> to vector<16xf32>
        %add3A_482 = arith.addf %add3A_466, %get3A_481 : vector<16xf32>
        %get3A_483 = arith.constant 0 : i32
        %get3A_484 = arith.index_cast %get3A_483 : i32 to index
        %get3A_485 = arith.index_cast %scan3A_475 : i32 to index
        %get3A_486 = arith.constant 16 : index
        %get3A_487 = tpu.vector_load %arg6[%get3A_484, %get3A_485, %get3A_486] {strides = array<i32>} : memref<4x200x32xf32, #tpu.memory_space<vmem>>, vector<1x1x16xf32>,
        %get3A_488 = vector.shape_cast %get3A_487 : vector<1x1x16xf32> to vector<16xf32>
        %add3A_489 = arith.addf %add3A_473, %get3A_488 : vector<16xf32>
        %scan3A_490 = arith.constant 3 : i32
        %scan3A_491 = arith.addi %scan3A_442, %scan3A_490 : i32
        %get3A_492 = arith.constant 0 : i32
        %get3A_493 = arith.index_cast %get3A_492 : i32 to index
        %get3A_494 = arith.index_cast %scan3A_491 : i32 to index
        %get3A_495 = arith.constant 0 : index
        %get3A_496 = tpu.vector_load %arg6[%get3A_493, %get3A_494, %get3A_495] {strides = array<i32>} : memref<4x200x32xf32, #tpu.memory_space<vmem>>, vector<1x1x16xf32>,
        %get3A_497 = vector.shape_cast %get3A_496 : vector<1x1x16xf32> to vector<16xf32>
        %add3A_498 = arith.addf %add3A_482, %get3A_497 : vector<16xf32>
        %get3A_499 = arith.constant 0 : i32
        %get3A_500 = arith.index_cast %get3A_499 : i32 to index
        %get3A_501 = arith.index_cast %scan3A_491 : i32 to index
        %get3A_502 = arith.constant 16 : index
        %get3A_503 = tpu.vector_load %arg6[%get3A_500, %get3A_501, %get3A_502] {strides = array<i32>} : memref<4x200x32xf32, #tpu.memory_space<vmem>>, vector<1x1x16xf32>,
        %get3A_504 = vector.shape_cast %get3A_503 : vector<1x1x16xf32> to vector<16xf32>
        %add3A_505 = arith.addf %add3A_489, %get3A_504 : vector<16xf32>
        %scan3A_506 = arith.constant 4 : i32
        %scan3A_507 = arith.addi %scan3A_442, %scan3A_506 : i32
        %get3A_508 = arith.constant 0 : i32
        %get3A_509 = arith.index_cast %get3A_508 : i32 to index
        %get3A_510 = arith.index_cast %scan3A_507 : i32 to index
        %get3A_511 = arith.constant 0 : index
        %get3A_512 = tpu.vector_load %arg6[%get3A_509, %get3A_510, %get3A_511] {strides = array<i32>} : memref<4x200x32xf32, #tpu.memory_space<vmem>>, vector<1x1x16xf32>,
        %get3A_513 = vector.shape_cast %get3A_512 : vector<1x1x16xf32> to vector<16xf32>
        %add3A_514 = arith.addf %add3A_498, %get3A_513 : vector<16xf32>
        %get3A_515 = arith.constant 0 : i32
        %get3A_516 = arith.index_cast %get3A_515 : i32 to index
        %get3A_517 = arith.index_cast %scan3A_507 : i32 to index
        %get3A_518 = arith.constant 16 : index
        %get3A_519 = tpu.vector_load %arg6[%get3A_516, %get3A_517, %get3A_518] {strides = array<i32>} : memref<4x200x32xf32, #tpu.memory_space<vmem>>, vector<1x1x16xf32>,
        %get3A_520 = vector.shape_cast %get3A_519 : vector<1x1x16xf32> to vector<16xf32>
        %add3A_521 = arith.addf %add3A_505, %get3A_520 : vector<16xf32>
        %scan3A_522 = arith.constant 5 : i32
        %scan3A_523 = arith.addi %scan3A_442, %scan3A_522 : i32
        %get3A_524 = arith.constant 0 : i32
        %get3A_525 = arith.index_cast %get3A_524 : i32 to index
        %get3A_526 = arith.index_cast %scan3A_523 : i32 to index
        %get3A_527 = arith.constant 0 : index
        %get3A_528 = tpu.vector_load %arg6[%get3A_525, %get3A_526, %get3A_527] {strides = array<i32>} : memref<4x200x32xf32, #tpu.memory_space<vmem>>, vector<1x1x16xf32>,
        %get3A_529 = vector.shape_cast %get3A_528 : vector<1x1x16xf32> to vector<16xf32>
        %add3A_530 = arith.addf %add3A_514, %get3A_529 : vector<16xf32>
        %get3A_531 = arith.constant 0 : i32
        %get3A_532 = arith.index_cast %get3A_531 : i32 to index
        %get3A_533 = arith.index_cast %scan3A_523 : i32 to index
        %get3A_534 = arith.constant 16 : index
        %get3A_535 = tpu.vector_load %arg6[%get3A_532, %get3A_533, %get3A_534] {strides = array<i32>} : memref<4x200x32xf32, #tpu.memory_space<vmem>>, vector<1x1x16xf32>,
        %get3A_536 = vector.shape_cast %get3A_535 : vector<1x1x16xf32> to vector<16xf32>
        %add3A_537 = arith.addf %add3A_521, %get3A_536 : vector<16xf32>
        %scan3A_538 = arith.constant 6 : i32
        %scan3A_539 = arith.addi %scan3A_442, %scan3A_538 : i32
        %get3A_540 = arith.constant 0 : i32
        %get3A_541 = arith.index_cast %get3A_540 : i32 to index
        %get3A_542 = arith.index_cast %scan3A_539 : i32 to index
        %get3A_543 = arith.constant 0 : index
        %get3A_544 = tpu.vector_load %arg6[%get3A_541, %get3A_542, %get3A_543] {strides = array<i32>} : memref<4x200x32xf32, #tpu.memory_space<vmem>>, vector<1x1x16xf32>,
        %get3A_545 = vector.shape_cast %get3A_544 : vector<1x1x16xf32> to vector<16xf32>
        %add3A_546 = arith.addf %add3A_530, %get3A_545 : vector<16xf32>
        %get3A_547 = arith.constant 0 : i32
        %get3A_548 = arith.index_cast %get3A_547 : i32 to index
        %get3A_549 = arith.index_cast %scan3A_539 : i32 to index
        %get3A_550 = arith.constant 16 : index
        %get3A_551 = tpu.vector_load %arg6[%get3A_548, %get3A_549, %get3A_550] {strides = array<i32>} : memref<4x200x32xf32, #tpu.memory_space<vmem>>, vector<1x1x16xf32>,
        %get3A_552 = vector.shape_cast %get3A_551 : vector<1x1x16xf32> to vector<16xf32>
        %add3A_553 = arith.addf %add3A_537, %get3A_552 : vector<16xf32>
        %scan3A_554 = arith.constant 7 : i32
        %scan3A_555 = arith.addi %scan3A_442, %scan3A_554 : i32
        %get3A_556 = arith.constant 0 : i32
        %get3A_557 = arith.index_cast %get3A_556 : i32 to index
        %get3A_558 = arith.index_cast %scan3A_555 : i32 to index
        %get3A_559 = arith.constant 0 : index
        %get3A_560 = tpu.vector_load %arg6[%get3A_557, %get3A_558, %get3A_559] {strides = array<i32>} : memref<4x200x32xf32, #tpu.memory_space<vmem>>, vector<1x1x16xf32>,
        %get3A_561 = vector.shape_cast %get3A_560 : vector<1x1x16xf32> to vector<16xf32>
        %add3A_562 = arith.addf %add3A_546, %get3A_561 : vector<16xf32>
        %get3A_563 = arith.constant 0 : i32
        %get3A_564 = arith.index_cast %get3A_563 : i32 to index
        %get3A_565 = arith.index_cast %scan3A_555 : i32 to index
        %get3A_566 = arith.constant 16 : index
        %get3A_567 = tpu.vector_load %arg6[%get3A_564, %get3A_565, %get3A_566] {strides = array<i32>} : memref<4x200x32xf32, #tpu.memory_space<vmem>>, vector<1x1x16xf32>,
        %get3A_568 = vector.shape_cast %get3A_567 : vector<1x1x16xf32> to vector<16xf32>
        %add3A_569 = arith.addf %add3A_553, %get3A_568 : vector<16xf32>
        scf.yield %add3A_562, %add3A_569 : vector<16xf32>, vector<16xf32>
      }
      %scan3A_245 = arith.constant 200 : i32
      %mul3A_246 = arith.constant 5.000000e-03 : f32
      %mul3A_247 = vector.broadcast %mul3A_246 : f32 to vector<16xf32>
      %mul3A_248 = arith.mulf %scan3A_244#0, %mul3A_247 : vector<16xf32>
      %swap3A = arith.index_cast %add3A_213 : i32 to index
      %swap3A_249 = arith.constant 0 : index
      %swap3A_250 = tpu.vector_load %arg7[%swap3A, %swap3A_249] {strides = array<i32>} : memref<256x32xf32, #tpu.memory_space<vmem>>, vector<1x16xf32>,
      %swap3A_251 = vector.shape_cast %swap3A_250 : vector<1x16xf32> to vector<16xf32>
      %swap3A_252 = vector.shape_cast %mul3A_248 : vector<16xf32> to vector<1x16xf32>
      tpu.vector_store %arg7[%swap3A, %swap3A_249], %swap3A_252 {strides = array<i32>} : memref<256x32xf32, #tpu.memory_space<vmem>>, vector<1x16xf32>,
      %mul3A_253 = arith.constant 5.000000e-03 : f32
      %mul3A_254 = vector.broadcast %mul3A_253 : f32 to vector<16xf32>
      %mul3A_255 = arith.mulf %scan3A_244#1, %mul3A_254 : vector<16xf32>
      %swap3A_256 = arith.index_cast %add3A_213 : i32 to index
      %swap3A_257 = arith.constant 16 : index
      %swap3A_258 = tpu.vector_load %arg7[%swap3A_256, %swap3A_257] {strides = array<i32>} : memref<256x32xf32, #tpu.memory_space<vmem>>, vector<1x16xf32>,
      %swap3A_259 = vector.shape_cast %swap3A_258 : vector<1x16xf32> to vector<16xf32>
      %swap3A_260 = vector.shape_cast %mul3A_255 : vector<16xf32> to vector<1x16xf32>
      tpu.vector_store %arg7[%swap3A_256, %swap3A_257], %swap3A_260 {strides = array<i32>} : memref<256x32xf32, #tpu.memory_space<vmem>>, vector<1x16xf32>,
      %add3A_261 = arith.constant 4 : i32
      %add3A_262 = arith.addi %add3A_211, %add3A_261 : i32
      %lt3A = arith.constant 256 : i32
      %lt3A_263 = arith.cmpi slt, %add3A_262, %lt3A : i32
      %convert_element_type3A = arith.extui %lt3A_263 : i1 to i32
      %cond3A = arith.constant 0 : i32
      %cond3A_264 = arith.cmpi ne, %convert_element_type3A, %cond3A : i32
      scf.if %cond3A_264 {
        %add3A_442 = arith.constant 4 : i32
        %add3A_443 = arith.addi %add3A_213, %add3A_442 : i32
        %dma_start3A_444 = arith.constant 0 : i32
        %dma_start3A_445 = arith.constant 0 : i32
        %dma_start3A_446 = arith.constant 0 : i32
        %dma_start3A_447 = tpu.memref_slice %arg6[%dma_start3A_444, %dma_start3A_445, %dma_start3A_446] : memref<4x200x32xf32, #tpu.memory_space<vmem>> -> memref<1x128x32xf32, #tpu.memory_space<vmem>>
        %dma_start3A_448 = tpu.memref_squeeze %dma_start3A_447 : memref<1x128x32xf32, #tpu.memory_space<vmem>> -> memref<128x32xf32, #tpu.memory_space<vmem>>
        %dma_start3A_449 = arith.constant 0 : i32
        %dma_start3A_450 = tpu.memref_slice %arg5[%add3A_443, %dma_start3A_449] : memref<256x200xi32, #tpu.memory_space<vmem>> -> memref<1x128xi32, #tpu.memory_space<vmem>>
        %dma_start3A_451 = tpu.memref_squeeze %dma_start3A_450 : memref<1x128xi32, #tpu.memory_space<vmem>> -> memref<128xi32, #tpu.memory_space<vmem>>
        %dma_start3A_452 = arith.constant 0 : i32
        %dma_start3A_453 = arith.constant 0 : i32
        %dma_start3A_454 = tpu.memref_slice %arg3[%dma_start3A_452, %dma_start3A_453] : memref<1000000x32xf32, #tpu.memory_space<hbm>> -> memref<1000000x32xf32, #tpu.memory_space<hbm>>
        tpu.enqueue_indirect_dma source(%dma_start3A_454 : memref<1000000x32xf32, #tpu.memory_space<hbm>>) target(%dma_start3A_448 : memref<128x32xf32, #tpu.memory_space<vmem>>) offsets(%dma_start3A_451 : memref<128xi32, #tpu.memory_space<vmem>>) semaphore(%arg8 : memref<!tpu.dma_semaphore, #tpu.memory_space<semaphore_mem>>)
        %dma_start3A_455 = arith.constant 0 : i32
        %dma_start3A_456 = arith.constant 128 : i32
        %dma_start3A_457 = arith.constant 0 : i32
        %dma_start3A_458 = tpu.memref_slice %arg6[%dma_start3A_455, %dma_start3A_456, %dma_start3A_457] : memref<4x200x32xf32, #tpu.memory_space<vmem>> -> memref<1x72x32xf32, #tpu.memory_space<vmem>>
        %dma_start3A_459 = tpu.memref_squeeze %dma_start3A_458 : memref<1x72x32xf32, #tpu.memory_space<vmem>> -> memref<72x32xf32, #tpu.memory_space<vmem>>
        %dma_start3A_460 = arith.constant 128 : i32
        %dma_start3A_461 = tpu.memref_slice %arg5[%add3A_443, %dma_start3A_460] : memref<256x200xi32, #tpu.memory_space<vmem>> -> memref<1x72xi32, #tpu.memory_space<vmem>>
        %dma_start3A_462 = tpu.memref_squeeze %dma_start3A_461 : memref<1x72xi32, #tpu.memory_space<vmem>> -> memref<72xi32, #tpu.memory_space<vmem>>
        %dma_start3A_463 = arith.constant 0 : i32
        %dma_start3A_464 = arith.constant 0 : i32
        %dma_start3A_465 = tpu.memref_slice %arg3[%dma_start3A_463, %dma_start3A_464] : memref<1000000x32xf32, #tpu.memory_space<hbm>> -> memref<1000000x32xf32, #tpu.memory_space<hbm>>
        tpu.enqueue_indirect_dma source(%dma_start3A_465 : memref<1000000x32xf32, #tpu.memory_space<hbm>>) target(%dma_start3A_459 : memref<72x32xf32, #tpu.memory_space<vmem>>) offsets(%dma_start3A_462 : memref<72xi32, #tpu.memory_space<vmem>>) semaphore(%arg8 : memref<!tpu.dma_semaphore, #tpu.memory_space<semaphore_mem>>)
      } else {
      }
      %add3A_265 = arith.constant 1 : i32
      %add3A_266 = arith.addi %add3A_211, %add3A_265 : i32
      %dma_wait3A_267 = arith.constant 0 : i32
      %dma_wait3A_268 = arith.constant 1 : i32
      %dma_wait3A_269 = arith.constant 0 : i32
      %dma_wait3A_270 = arith.constant 0 : i32
      %dma_wait3A_271 = tpu.memref_slice %arg6[%dma_wait3A_268, %dma_wait3A_269, %dma_wait3A_270] : memref<4x200x32xf32, #tpu.memory_space<vmem>> -> memref<1x128x32xf32, #tpu.memory_space<vmem>>
      %dma_wait3A_272 = tpu.memref_squeeze %dma_wait3A_271 : memref<1x128x32xf32, #tpu.memory_space<vmem>> -> memref<128x32xf32, #tpu.memory_space<vmem>>
      %dma_wait3A_273 = arith.constant 0 : i32
      %dma_wait3A_274 = tpu.memref_slice %arg5[%dma_wait3A_267, %dma_wait3A_273] : memref<256x200xi32, #tpu.memory_space<vmem>> -> memref<1x128xi32, #tpu.memory_space<vmem>>
      %dma_wait3A_275 = tpu.memref_squeeze %dma_wait3A_274 : memref<1x128xi32, #tpu.memory_space<vmem>> -> memref<128xi32, #tpu.memory_space<vmem>>
      %dma_wait3A_276 = arith.constant 0 : i32
      %dma_wait3A_277 = arith.constant 0 : i32
      %dma_wait3A_278 = tpu.memref_slice %arg3[%dma_wait3A_276, %dma_wait3A_277] : memref<1000000x32xf32, #tpu.memory_space<hbm>> -> memref<1000000x32xf32, #tpu.memory_space<hbm>>
      tpu.wait_indirect_dma semaphore(%arg9 : memref<!tpu.dma_semaphore, #tpu.memory_space<semaphore_mem>>) src(%dma_wait3A_278 : memref<1000000x32xf32, #tpu.memory_space<hbm>>) dst(%dma_wait3A_272 : memref<128x32xf32, #tpu.memory_space<vmem>>)
      %dma_wait3A_279 = arith.constant 0 : i32
      %dma_wait3A_280 = arith.constant 1 : i32
      %dma_wait3A_281 = arith.constant 128 : i32
      %dma_wait3A_282 = arith.constant 0 : i32
      %dma_wait3A_283 = tpu.memref_slice %arg6[%dma_wait3A_280, %dma_wait3A_281, %dma_wait3A_282] : memref<4x200x32xf32, #tpu.memory_space<vmem>> -> memref<1x72x32xf32, #tpu.memory_space<vmem>>
      %dma_wait3A_284 = tpu.memref_squeeze %dma_wait3A_283 : memref<1x72x32xf32, #tpu.memory_space<vmem>> -> memref<72x32xf32, #tpu.memory_space<vmem>>
      %dma_wait3A_285 = arith.constant 128 : i32
      %dma_wait3A_286 = tpu.memref_slice %arg5[%dma_wait3A_279, %dma_wait3A_285] : memref<256x200xi32, #tpu.memory_space<vmem>> -> memref<1x72xi32, #tpu.memory_space<vmem>>
      %dma_wait3A_287 = tpu.memref_squeeze %dma_wait3A_286 : memref<1x72xi32, #tpu.memory_space<vmem>> -> memref<72xi32, #tpu.memory_space<vmem>>
      %dma_wait3A_288 = arith.constant 0 : i32
      %dma_wait3A_289 = arith.constant 0 : i32
      %dma_wait3A_290 = tpu.memref_slice %arg3[%dma_wait3A_288, %dma_wait3A_289] : memref<1000000x32xf32, #tpu.memory_space<hbm>> -> memref<1000000x32xf32, #tpu.memory_space<hbm>>
      tpu.wait_indirect_dma semaphore(%arg9 : memref<!tpu.dma_semaphore, #tpu.memory_space<semaphore_mem>>) src(%dma_wait3A_290 : memref<1000000x32xf32, #tpu.memory_space<hbm>>) dst(%dma_wait3A_284 : memref<72x32xf32, #tpu.memory_space<vmem>>)
      %broadcast_in_dim3A_291 = arith.constant 0.000000e+00 : f32
      %broadcast_in_dim3A_292 = vector.broadcast %broadcast_in_dim3A_291 : f32 to vector<16xf32>
      %broadcast_in_dim3A_293 = arith.constant 0.000000e+00 : f32
      %broadcast_in_dim3A_294 = vector.broadcast %broadcast_in_dim3A_293 : f32 to vector<16xf32>
      %scan3A_295 = arith.constant 0 : i32
      %scan3A_296 = arith.constant 200 : i32
      %scan3A_297 = arith.addi %scan3A_295, %scan3A_296 : i32
      %scan3A_298 = arith.constant 8 : i32
      %scan3A_299:2 = scf.for %scan3A_442 = %scan3A_295 to %scan3A_297 step %scan3A_298 iter_args(%scan3A_443 = %broadcast_in_dim3A_292, %scan3A_444 = %broadcast_in_dim3A_294) -> (vector<16xf32>, vector<16xf32>)  : i32 {
        %get3A = arith.constant 1 : i32
        %get3A_445 = arith.index_cast %get3A : i32 to index
        %get3A_446 = arith.index_cast %scan3A_442 : i32 to index
        %get3A_447 = arith.constant 0 : index
        %get3A_448 = tpu.vector_load %arg6[%get3A_445, %get3A_446, %get3A_447] {strides = array<i32>} : memref<4x200x32xf32, #tpu.memory_space<vmem>>, vector<1x1x16xf32>,
        %get3A_449 = vector.shape_cast %get3A_448 : vector<1x1x16xf32> to vector<16xf32>
        %add3A_450 = arith.addf %scan3A_443, %get3A_449 : vector<16xf32>
        %get3A_451 = arith.constant 1 : i32
        %get3A_452 = arith.index_cast %get3A_451 : i32 to index
        %get3A_453 = arith.index_cast %scan3A_442 : i32 to index
        %get3A_454 = arith.constant 16 : index
        %get3A_455 = tpu.vector_load %arg6[%get3A_452, %get3A_453, %get3A_454] {strides = array<i32>} : memref<4x200x32xf32, #tpu.memory_space<vmem>>, vector<1x1x16xf32>,
        %get3A_456 = vector.shape_cast %get3A_455 : vector<1x1x16xf32> to vector<16xf32>
        %add3A_457 = arith.addf %scan3A_444, %get3A_456 : vector<16xf32>
        %scan3A_458 = arith.constant 1 : i32
        %scan3A_459 = arith.addi %scan3A_442, %scan3A_458 : i32
        %get3A_460 = arith.constant 1 : i32
        %get3A_461 = arith.index_cast %get3A_460 : i32 to index
        %get3A_462 = arith.index_cast %scan3A_459 : i32 to index
        %get3A_463 = arith.constant 0 : index
        %get3A_464 = tpu.vector_load %arg6[%get3A_461, %get3A_462, %get3A_463] {strides = array<i32>} : memref<4x200x32xf32, #tpu.memory_space<vmem>>, vector<1x1x16xf32>,
        %get3A_465 = vector.shape_cast %get3A_464 : vector<1x1x16xf32> to vector<16xf32>
        %add3A_466 = arith.addf %add3A_450, %get3A_465 : vector<16xf32>
        %get3A_467 = arith.constant 1 : i32
        %get3A_468 = arith.index_cast %get3A_467 : i32 to index
        %get3A_469 = arith.index_cast %scan3A_459 : i32 to index
        %get3A_470 = arith.constant 16 : index
        %get3A_471 = tpu.vector_load %arg6[%get3A_468, %get3A_469, %get3A_470] {strides = array<i32>} : memref<4x200x32xf32, #tpu.memory_space<vmem>>, vector<1x1x16xf32>,
        %get3A_472 = vector.shape_cast %get3A_471 : vector<1x1x16xf32> to vector<16xf32>
        %add3A_473 = arith.addf %add3A_457, %get3A_472 : vector<16xf32>
        %scan3A_474 = arith.constant 2 : i32
        %scan3A_475 = arith.addi %scan3A_442, %scan3A_474 : i32
        %get3A_476 = arith.constant 1 : i32
        %get3A_477 = arith.index_cast %get3A_476 : i32 to index
        %get3A_478 = arith.index_cast %scan3A_475 : i32 to index
        %get3A_479 = arith.constant 0 : index
        %get3A_480 = tpu.vector_load %arg6[%get3A_477, %get3A_478, %get3A_479] {strides = array<i32>} : memref<4x200x32xf32, #tpu.memory_space<vmem>>, vector<1x1x16xf32>,
        %get3A_481 = vector.shape_cast %get3A_480 : vector<1x1x16xf32> to vector<16xf32>
        %add3A_482 = arith.addf %add3A_466, %get3A_481 : vector<16xf32>
        %get3A_483 = arith.constant 1 : i32
        %get3A_484 = arith.index_cast %get3A_483 : i32 to index
        %get3A_485 = arith.index_cast %scan3A_475 : i32 to index
        %get3A_486 = arith.constant 16 : index
        %get3A_487 = tpu.vector_load %arg6[%get3A_484, %get3A_485, %get3A_486] {strides = array<i32>} : memref<4x200x32xf32, #tpu.memory_space<vmem>>, vector<1x1x16xf32>,
        %get3A_488 = vector.shape_cast %get3A_487 : vector<1x1x16xf32> to vector<16xf32>
        %add3A_489 = arith.addf %add3A_473, %get3A_488 : vector<16xf32>
        %scan3A_490 = arith.constant 3 : i32
        %scan3A_491 = arith.addi %scan3A_442, %scan3A_490 : i32
        %get3A_492 = arith.constant 1 : i32
        %get3A_493 = arith.index_cast %get3A_492 : i32 to index
        %get3A_494 = arith.index_cast %scan3A_491 : i32 to index
        %get3A_495 = arith.constant 0 : index
        %get3A_496 = tpu.vector_load %arg6[%get3A_493, %get3A_494, %get3A_495] {strides = array<i32>} : memref<4x200x32xf32, #tpu.memory_space<vmem>>, vector<1x1x16xf32>,
        %get3A_497 = vector.shape_cast %get3A_496 : vector<1x1x16xf32> to vector<16xf32>
        %add3A_498 = arith.addf %add3A_482, %get3A_497 : vector<16xf32>
        %get3A_499 = arith.constant 1 : i32
        %get3A_500 = arith.index_cast %get3A_499 : i32 to index
        %get3A_501 = arith.index_cast %scan3A_491 : i32 to index
        %get3A_502 = arith.constant 16 : index
        %get3A_503 = tpu.vector_load %arg6[%get3A_500, %get3A_501, %get3A_502] {strides = array<i32>} : memref<4x200x32xf32, #tpu.memory_space<vmem>>, vector<1x1x16xf32>,
        %get3A_504 = vector.shape_cast %get3A_503 : vector<1x1x16xf32> to vector<16xf32>
        %add3A_505 = arith.addf %add3A_489, %get3A_504 : vector<16xf32>
        %scan3A_506 = arith.constant 4 : i32
        %scan3A_507 = arith.addi %scan3A_442, %scan3A_506 : i32
        %get3A_508 = arith.constant 1 : i32
        %get3A_509 = arith.index_cast %get3A_508 : i32 to index
        %get3A_510 = arith.index_cast %scan3A_507 : i32 to index
        %get3A_511 = arith.constant 0 : index
        %get3A_512 = tpu.vector_load %arg6[%get3A_509, %get3A_510, %get3A_511] {strides = array<i32>} : memref<4x200x32xf32, #tpu.memory_space<vmem>>, vector<1x1x16xf32>,
        %get3A_513 = vector.shape_cast %get3A_512 : vector<1x1x16xf32> to vector<16xf32>
        %add3A_514 = arith.addf %add3A_498, %get3A_513 : vector<16xf32>
        %get3A_515 = arith.constant 1 : i32
        %get3A_516 = arith.index_cast %get3A_515 : i32 to index
        %get3A_517 = arith.index_cast %scan3A_507 : i32 to index
        %get3A_518 = arith.constant 16 : index
        %get3A_519 = tpu.vector_load %arg6[%get3A_516, %get3A_517, %get3A_518] {strides = array<i32>} : memref<4x200x32xf32, #tpu.memory_space<vmem>>, vector<1x1x16xf32>,
        %get3A_520 = vector.shape_cast %get3A_519 : vector<1x1x16xf32> to vector<16xf32>
        %add3A_521 = arith.addf %add3A_505, %get3A_520 : vector<16xf32>
        %scan3A_522 = arith.constant 5 : i32
        %scan3A_523 = arith.addi %scan3A_442, %scan3A_522 : i32
        %get3A_524 = arith.constant 1 : i32
        %get3A_525 = arith.index_cast %get3A_524 : i32 to index
        %get3A_526 = arith.index_cast %scan3A_523 : i32 to index
        %get3A_527 = arith.constant 0 : index
        %get3A_528 = tpu.vector_load %arg6[%get3A_525, %get3A_526, %get3A_527] {strides = array<i32>} : memref<4x200x32xf32, #tpu.memory_space<vmem>>, vector<1x1x16xf32>,
        %get3A_529 = vector.shape_cast %get3A_528 : vector<1x1x16xf32> to vector<16xf32>
        %add3A_530 = arith.addf %add3A_514, %get3A_529 : vector<16xf32>
        %get3A_531 = arith.constant 1 : i32
        %get3A_532 = arith.index_cast %get3A_531 : i32 to index
        %get3A_533 = arith.index_cast %scan3A_523 : i32 to index
        %get3A_534 = arith.constant 16 : index
        %get3A_535 = tpu.vector_load %arg6[%get3A_532, %get3A_533, %get3A_534] {strides = array<i32>} : memref<4x200x32xf32, #tpu.memory_space<vmem>>, vector<1x1x16xf32>,
        %get3A_536 = vector.shape_cast %get3A_535 : vector<1x1x16xf32> to vector<16xf32>
        %add3A_537 = arith.addf %add3A_521, %get3A_536 : vector<16xf32>
        %scan3A_538 = arith.constant 6 : i32
        %scan3A_539 = arith.addi %scan3A_442, %scan3A_538 : i32
        %get3A_540 = arith.constant 1 : i32
        %get3A_541 = arith.index_cast %get3A_540 : i32 to index
        %get3A_542 = arith.index_cast %scan3A_539 : i32 to index
        %get3A_543 = arith.constant 0 : index
        %get3A_544 = tpu.vector_load %arg6[%get3A_541, %get3A_542, %get3A_543] {strides = array<i32>} : memref<4x200x32xf32, #tpu.memory_space<vmem>>, vector<1x1x16xf32>,
        %get3A_545 = vector.shape_cast %get3A_544 : vector<1x1x16xf32> to vector<16xf32>
        %add3A_546 = arith.addf %add3A_530, %get3A_545 : vector<16xf32>
        %get3A_547 = arith.constant 1 : i32
        %get3A_548 = arith.index_cast %get3A_547 : i32 to index
        %get3A_549 = arith.index_cast %scan3A_539 : i32 to index
        %get3A_550 = arith.constant 16 : index
        %get3A_551 = tpu.vector_load %arg6[%get3A_548, %get3A_549, %get3A_550] {strides = array<i32>} : memref<4x200x32xf32, #tpu.memory_space<vmem>>, vector<1x1x16xf32>,
        %get3A_552 = vector.shape_cast %get3A_551 : vector<1x1x16xf32> to vector<16xf32>
        %add3A_553 = arith.addf %add3A_537, %get3A_552 : vector<16xf32>
        %scan3A_554 = arith.constant 7 : i32
        %scan3A_555 = arith.addi %scan3A_442, %scan3A_554 : i32
        %get3A_556 = arith.constant 1 : i32
        %get3A_557 = arith.index_cast %get3A_556 : i32 to index
        %get3A_558 = arith.index_cast %scan3A_555 : i32 to index
        %get3A_559 = arith.constant 0 : index
        %get3A_560 = tpu.vector_load %arg6[%get3A_557, %get3A_558, %get3A_559] {strides = array<i32>} : memref<4x200x32xf32, #tpu.memory_space<vmem>>, vector<1x1x16xf32>,
        %get3A_561 = vector.shape_cast %get3A_560 : vector<1x1x16xf32> to vector<16xf32>
        %add3A_562 = arith.addf %add3A_546, %get3A_561 : vector<16xf32>
        %get3A_563 = arith.constant 1 : i32
        %get3A_564 = arith.index_cast %get3A_563 : i32 to index
        %get3A_565 = arith.index_cast %scan3A_555 : i32 to index
        %get3A_566 = arith.constant 16 : index
        %get3A_567 = tpu.vector_load %arg6[%get3A_564, %get3A_565, %get3A_566] {strides = array<i32>} : memref<4x200x32xf32, #tpu.memory_space<vmem>>, vector<1x1x16xf32>,
        %get3A_568 = vector.shape_cast %get3A_567 : vector<1x1x16xf32> to vector<16xf32>
        %add3A_569 = arith.addf %add3A_553, %get3A_568 : vector<16xf32>
        scf.yield %add3A_562, %add3A_569 : vector<16xf32>, vector<16xf32>
      }
      %scan3A_300 = arith.constant 200 : i32
      %mul3A_301 = arith.constant 5.000000e-03 : f32
      %mul3A_302 = vector.broadcast %mul3A_301 : f32 to vector<16xf32>
      %mul3A_303 = arith.mulf %scan3A_299#0, %mul3A_302 : vector<16xf32>
      %swap3A_304 = arith.index_cast %add3A_266 : i32 to index
      %swap3A_305 = arith.constant 0 : index
      %swap3A_306 = tpu.vector_load %arg7[%swap3A_304, %swap3A_305] {strides = array<i32>} : memref<256x32xf32, #tpu.memory_space<vmem>>, vector<1x16xf32>,
      %swap3A_307 = vector.shape_cast %swap3A_306 : vector<1x16xf32> to vector<16xf32>
      %swap3A_308 = vector.shape_cast %mul3A_303 : vector<16xf32> to vector<1x16xf32>
      tpu.vector_store %arg7[%swap3A_304, %swap3A_305], %swap3A_308 {strides = array<i32>} : memref<256x32xf32, #tpu.memory_space<vmem>>, vector<1x16xf32>,
      %mul3A_309 = arith.constant 5.000000e-03 : f32
      %mul3A_310 = vector.broadcast %mul3A_309 : f32 to vector<16xf32>
      %mul3A_311 = arith.mulf %scan3A_299#1, %mul3A_310 : vector<16xf32>
      %swap3A_312 = arith.index_cast %add3A_266 : i32 to index
      %swap3A_313 = arith.constant 16 : index
      %swap3A_314 = tpu.vector_load %arg7[%swap3A_312, %swap3A_313] {strides = array<i32>} : memref<256x32xf32, #tpu.memory_space<vmem>>, vector<1x16xf32>,
      %swap3A_315 = vector.shape_cast %swap3A_314 : vector<1x16xf32> to vector<16xf32>
      %swap3A_316 = vector.shape_cast %mul3A_311 : vector<16xf32> to vector<1x16xf32>
      tpu.vector_store %arg7[%swap3A_312, %swap3A_313], %swap3A_316 {strides = array<i32>} : memref<256x32xf32, #tpu.memory_space<vmem>>, vector<1x16xf32>,
      %add3A_317 = arith.constant 4 : i32
      %add3A_318 = arith.addi %add3A_211, %add3A_317 : i32
      %lt3A_319 = arith.constant 256 : i32
      %lt3A_320 = arith.cmpi slt, %add3A_318, %lt3A_319 : i32
      %convert_element_type3A_321 = arith.extui %lt3A_320 : i1 to i32
      %cond3A_322 = arith.constant 0 : i32
      %cond3A_323 = arith.cmpi ne, %convert_element_type3A_321, %cond3A_322 : i32
      scf.if %cond3A_323 {
        %add3A_442 = arith.constant 4 : i32
        %add3A_443 = arith.addi %add3A_266, %add3A_442 : i32
        %dma_start3A_444 = arith.constant 1 : i32
        %dma_start3A_445 = arith.constant 0 : i32
        %dma_start3A_446 = arith.constant 0 : i32
        %dma_start3A_447 = tpu.memref_slice %arg6[%dma_start3A_444, %dma_start3A_445, %dma_start3A_446] : memref<4x200x32xf32, #tpu.memory_space<vmem>> -> memref<1x128x32xf32, #tpu.memory_space<vmem>>
        %dma_start3A_448 = tpu.memref_squeeze %dma_start3A_447 : memref<1x128x32xf32, #tpu.memory_space<vmem>> -> memref<128x32xf32, #tpu.memory_space<vmem>>
        %dma_start3A_449 = arith.constant 0 : i32
        %dma_start3A_450 = tpu.memref_slice %arg5[%add3A_443, %dma_start3A_449] : memref<256x200xi32, #tpu.memory_space<vmem>> -> memref<1x128xi32, #tpu.memory_space<vmem>>
        %dma_start3A_451 = tpu.memref_squeeze %dma_start3A_450 : memref<1x128xi32, #tpu.memory_space<vmem>> -> memref<128xi32, #tpu.memory_space<vmem>>
        %dma_start3A_452 = arith.constant 0 : i32
        %dma_start3A_453 = arith.constant 0 : i32
        %dma_start3A_454 = tpu.memref_slice %arg3[%dma_start3A_452, %dma_start3A_453] : memref<1000000x32xf32, #tpu.memory_space<hbm>> -> memref<1000000x32xf32, #tpu.memory_space<hbm>>
        tpu.enqueue_indirect_dma source(%dma_start3A_454 : memref<1000000x32xf32, #tpu.memory_space<hbm>>) target(%dma_start3A_448 : memref<128x32xf32, #tpu.memory_space<vmem>>) offsets(%dma_start3A_451 : memref<128xi32, #tpu.memory_space<vmem>>) semaphore(%arg9 : memref<!tpu.dma_semaphore, #tpu.memory_space<semaphore_mem>>)
        %dma_start3A_455 = arith.constant 1 : i32
        %dma_start3A_456 = arith.constant 128 : i32
        %dma_start3A_457 = arith.constant 0 : i32
        %dma_start3A_458 = tpu.memref_slice %arg6[%dma_start3A_455, %dma_start3A_456, %dma_start3A_457] : memref<4x200x32xf32, #tpu.memory_space<vmem>> -> memref<1x72x32xf32, #tpu.memory_space<vmem>>
        %dma_start3A_459 = tpu.memref_squeeze %dma_start3A_458 : memref<1x72x32xf32, #tpu.memory_space<vmem>> -> memref<72x32xf32, #tpu.memory_space<vmem>>
        %dma_start3A_460 = arith.constant 128 : i32
        %dma_start3A_461 = tpu.memref_slice %arg5[%add3A_443, %dma_start3A_460] : memref<256x200xi32, #tpu.memory_space<vmem>> -> memref<1x72xi32, #tpu.memory_space<vmem>>
        %dma_start3A_462 = tpu.memref_squeeze %dma_start3A_461 : memref<1x72xi32, #tpu.memory_space<vmem>> -> memref<72xi32, #tpu.memory_space<vmem>>
        %dma_start3A_463 = arith.constant 0 : i32
        %dma_start3A_464 = arith.constant 0 : i32
        %dma_start3A_465 = tpu.memref_slice %arg3[%dma_start3A_463, %dma_start3A_464] : memref<1000000x32xf32, #tpu.memory_space<hbm>> -> memref<1000000x32xf32, #tpu.memory_space<hbm>>
        tpu.enqueue_indirect_dma source(%dma_start3A_465 : memref<1000000x32xf32, #tpu.memory_space<hbm>>) target(%dma_start3A_459 : memref<72x32xf32, #tpu.memory_space<vmem>>) offsets(%dma_start3A_462 : memref<72xi32, #tpu.memory_space<vmem>>) semaphore(%arg9 : memref<!tpu.dma_semaphore, #tpu.memory_space<semaphore_mem>>)
      } else {
      }
      %add3A_324 = arith.constant 2 : i32
      %add3A_325 = arith.addi %add3A_211, %add3A_324 : i32
      %dma_wait3A_326 = arith.constant 0 : i32
      %dma_wait3A_327 = arith.constant 2 : i32
      %dma_wait3A_328 = arith.constant 0 : i32
      %dma_wait3A_329 = arith.constant 0 : i32
      %dma_wait3A_330 = tpu.memref_slice %arg6[%dma_wait3A_327, %dma_wait3A_328, %dma_wait3A_329] : memref<4x200x32xf32, #tpu.memory_space<vmem>> -> memref<1x128x32xf32, #tpu.memory_space<vmem>>
      %dma_wait3A_331 = tpu.memref_squeeze %dma_wait3A_330 : memref<1x128x32xf32, #tpu.memory_space<vmem>> -> memref<128x32xf32, #tpu.memory_space<vmem>>
      %dma_wait3A_332 = arith.constant 0 : i32
      %dma_wait3A_333 = tpu.memref_slice %arg5[%dma_wait3A_326, %dma_wait3A_332] : memref<256x200xi32, #tpu.memory_space<vmem>> -> memref<1x128xi32, #tpu.memory_space<vmem>>
      %dma_wait3A_334 = tpu.memref_squeeze %dma_wait3A_333 : memref<1x128xi32, #tpu.memory_space<vmem>> -> memref<128xi32, #tpu.memory_space<vmem>>
      %dma_wait3A_335 = arith.constant 0 : i32
      %dma_wait3A_336 = arith.constant 0 : i32
      %dma_wait3A_337 = tpu.memref_slice %arg3[%dma_wait3A_335, %dma_wait3A_336] : memref<1000000x32xf32, #tpu.memory_space<hbm>> -> memref<1000000x32xf32, #tpu.memory_space<hbm>>
      tpu.wait_indirect_dma semaphore(%arg10 : memref<!tpu.dma_semaphore, #tpu.memory_space<semaphore_mem>>) src(%dma_wait3A_337 : memref<1000000x32xf32, #tpu.memory_space<hbm>>) dst(%dma_wait3A_331 : memref<128x32xf32, #tpu.memory_space<vmem>>)
      %dma_wait3A_338 = arith.constant 0 : i32
      %dma_wait3A_339 = arith.constant 2 : i32
      %dma_wait3A_340 = arith.constant 128 : i32
      %dma_wait3A_341 = arith.constant 0 : i32
      %dma_wait3A_342 = tpu.memref_slice %arg6[%dma_wait3A_339, %dma_wait3A_340, %dma_wait3A_341] : memref<4x200x32xf32, #tpu.memory_space<vmem>> -> memref<1x72x32xf32, #tpu.memory_space<vmem>>
      %dma_wait3A_343 = tpu.memref_squeeze %dma_wait3A_342 : memref<1x72x32xf32, #tpu.memory_space<vmem>> -> memref<72x32xf32, #tpu.memory_space<vmem>>
      %dma_wait3A_344 = arith.constant 128 : i32
      %dma_wait3A_345 = tpu.memref_slice %arg5[%dma_wait3A_338, %dma_wait3A_344] : memref<256x200xi32, #tpu.memory_space<vmem>> -> memref<1x72xi32, #tpu.memory_space<vmem>>
      %dma_wait3A_346 = tpu.memref_squeeze %dma_wait3A_345 : memref<1x72xi32, #tpu.memory_space<vmem>> -> memref<72xi32, #tpu.memory_space<vmem>>
      %dma_wait3A_347 = arith.constant 0 : i32
      %dma_wait3A_348 = arith.constant 0 : i32
      %dma_wait3A_349 = tpu.memref_slice %arg3[%dma_wait3A_347, %dma_wait3A_348] : memref<1000000x32xf32, #tpu.memory_space<hbm>> -> memref<1000000x32xf32, #tpu.memory_space<hbm>>
      tpu.wait_indirect_dma semaphore(%arg10 : memref<!tpu.dma_semaphore, #tpu.memory_space<semaphore_mem>>) src(%dma_wait3A_349 : memref<1000000x32xf32, #tpu.memory_space<hbm>>) dst(%dma_wait3A_343 : memref<72x32xf32, #tpu.memory_space<vmem>>)
      %broadcast_in_dim3A_350 = arith.constant 0.000000e+00 : f32
      %broadcast_in_dim3A_351 = vector.broadcast %broadcast_in_dim3A_350 : f32 to vector<16xf32>
      %broadcast_in_dim3A_352 = arith.constant 0.000000e+00 : f32
      %broadcast_in_dim3A_353 = vector.broadcast %broadcast_in_dim3A_352 : f32 to vector<16xf32>
      %scan3A_354 = arith.constant 0 : i32
      %scan3A_355 = arith.constant 200 : i32
      %scan3A_356 = arith.addi %scan3A_354, %scan3A_355 : i32
      %scan3A_357 = arith.constant 8 : i32
      %scan3A_358:2 = scf.for %scan3A_442 = %scan3A_354 to %scan3A_356 step %scan3A_357 iter_args(%scan3A_443 = %broadcast_in_dim3A_351, %scan3A_444 = %broadcast_in_dim3A_353) -> (vector<16xf32>, vector<16xf32>)  : i32 {
        %get3A = arith.constant 2 : i32
        %get3A_445 = arith.index_cast %get3A : i32 to index
        %get3A_446 = arith.index_cast %scan3A_442 : i32 to index
        %get3A_447 = arith.constant 0 : index
        %get3A_448 = tpu.vector_load %arg6[%get3A_445, %get3A_446, %get3A_447] {strides = array<i32>} : memref<4x200x32xf32, #tpu.memory_space<vmem>>, vector<1x1x16xf32>,
        %get3A_449 = vector.shape_cast %get3A_448 : vector<1x1x16xf32> to vector<16xf32>
        %add3A_450 = arith.addf %scan3A_443, %get3A_449 : vector<16xf32>
        %get3A_451 = arith.constant 2 : i32
        %get3A_452 = arith.index_cast %get3A_451 : i32 to index
        %get3A_453 = arith.index_cast %scan3A_442 : i32 to index
        %get3A_454 = arith.constant 16 : index
        %get3A_455 = tpu.vector_load %arg6[%get3A_452, %get3A_453, %get3A_454] {strides = array<i32>} : memref<4x200x32xf32, #tpu.memory_space<vmem>>, vector<1x1x16xf32>,
        %get3A_456 = vector.shape_cast %get3A_455 : vector<1x1x16xf32> to vector<16xf32>
        %add3A_457 = arith.addf %scan3A_444, %get3A_456 : vector<16xf32>
        %scan3A_458 = arith.constant 1 : i32
        %scan3A_459 = arith.addi %scan3A_442, %scan3A_458 : i32
        %get3A_460 = arith.constant 2 : i32
        %get3A_461 = arith.index_cast %get3A_460 : i32 to index
        %get3A_462 = arith.index_cast %scan3A_459 : i32 to index
        %get3A_463 = arith.constant 0 : index
        %get3A_464 = tpu.vector_load %arg6[%get3A_461, %get3A_462, %get3A_463] {strides = array<i32>} : memref<4x200x32xf32, #tpu.memory_space<vmem>>, vector<1x1x16xf32>,
        %get3A_465 = vector.shape_cast %get3A_464 : vector<1x1x16xf32> to vector<16xf32>
        %add3A_466 = arith.addf %add3A_450, %get3A_465 : vector<16xf32>
        %get3A_467 = arith.constant 2 : i32
        %get3A_468 = arith.index_cast %get3A_467 : i32 to index
        %get3A_469 = arith.index_cast %scan3A_459 : i32 to index
        %get3A_470 = arith.constant 16 : index
        %get3A_471 = tpu.vector_load %arg6[%get3A_468, %get3A_469, %get3A_470] {strides = array<i32>} : memref<4x200x32xf32, #tpu.memory_space<vmem>>, vector<1x1x16xf32>,
        %get3A_472 = vector.shape_cast %get3A_471 : vector<1x1x16xf32> to vector<16xf32>
        %add3A_473 = arith.addf %add3A_457, %get3A_472 : vector<16xf32>
        %scan3A_474 = arith.constant 2 : i32
        %scan3A_475 = arith.addi %scan3A_442, %scan3A_474 : i32
        %get3A_476 = arith.constant 2 : i32
        %get3A_477 = arith.index_cast %get3A_476 : i32 to index
        %get3A_478 = arith.index_cast %scan3A_475 : i32 to index
        %get3A_479 = arith.constant 0 : index
        %get3A_480 = tpu.vector_load %arg6[%get3A_477, %get3A_478, %get3A_479] {strides = array<i32>} : memref<4x200x32xf32, #tpu.memory_space<vmem>>, vector<1x1x16xf32>,
        %get3A_481 = vector.shape_cast %get3A_480 : vector<1x1x16xf32> to vector<16xf32>
        %add3A_482 = arith.addf %add3A_466, %get3A_481 : vector<16xf32>
        %get3A_483 = arith.constant 2 : i32
        %get3A_484 = arith.index_cast %get3A_483 : i32 to index
        %get3A_485 = arith.index_cast %scan3A_475 : i32 to index
        %get3A_486 = arith.constant 16 : index
        %get3A_487 = tpu.vector_load %arg6[%get3A_484, %get3A_485, %get3A_486] {strides = array<i32>} : memref<4x200x32xf32, #tpu.memory_space<vmem>>, vector<1x1x16xf32>,
        %get3A_488 = vector.shape_cast %get3A_487 : vector<1x1x16xf32> to vector<16xf32>
        %add3A_489 = arith.addf %add3A_473, %get3A_488 : vector<16xf32>
        %scan3A_490 = arith.constant 3 : i32
        %scan3A_491 = arith.addi %scan3A_442, %scan3A_490 : i32
        %get3A_492 = arith.constant 2 : i32
        %get3A_493 = arith.index_cast %get3A_492 : i32 to index
        %get3A_494 = arith.index_cast %scan3A_491 : i32 to index
        %get3A_495 = arith.constant 0 : index
        %get3A_496 = tpu.vector_load %arg6[%get3A_493, %get3A_494, %get3A_495] {strides = array<i32>} : memref<4x200x32xf32, #tpu.memory_space<vmem>>, vector<1x1x16xf32>,
        %get3A_497 = vector.shape_cast %get3A_496 : vector<1x1x16xf32> to vector<16xf32>
        %add3A_498 = arith.addf %add3A_482, %get3A_497 : vector<16xf32>
        %get3A_499 = arith.constant 2 : i32
        %get3A_500 = arith.index_cast %get3A_499 : i32 to index
        %get3A_501 = arith.index_cast %scan3A_491 : i32 to index
        %get3A_502 = arith.constant 16 : index
        %get3A_503 = tpu.vector_load %arg6[%get3A_500, %get3A_501, %get3A_502] {strides = array<i32>} : memref<4x200x32xf32, #tpu.memory_space<vmem>>, vector<1x1x16xf32>,
        %get3A_504 = vector.shape_cast %get3A_503 : vector<1x1x16xf32> to vector<16xf32>
        %add3A_505 = arith.addf %add3A_489, %get3A_504 : vector<16xf32>
        %scan3A_506 = arith.constant 4 : i32
        %scan3A_507 = arith.addi %scan3A_442, %scan3A_506 : i32
        %get3A_508 = arith.constant 2 : i32
        %get3A_509 = arith.index_cast %get3A_508 : i32 to index
        %get3A_510 = arith.index_cast %scan3A_507 : i32 to index
        %get3A_511 = arith.constant 0 : index
        %get3A_512 = tpu.vector_load %arg6[%get3A_509, %get3A_510, %get3A_511] {strides = array<i32>} : memref<4x200x32xf32, #tpu.memory_space<vmem>>, vector<1x1x16xf32>,
        %get3A_513 = vector.shape_cast %get3A_512 : vector<1x1x16xf32> to vector<16xf32>
        %add3A_514 = arith.addf %add3A_498, %get3A_513 : vector<16xf32>
        %get3A_515 = arith.constant 2 : i32
        %get3A_516 = arith.index_cast %get3A_515 : i32 to index
        %get3A_517 = arith.index_cast %scan3A_507 : i32 to index
        %get3A_518 = arith.constant 16 : index
        %get3A_519 = tpu.vector_load %arg6[%get3A_516, %get3A_517, %get3A_518] {strides = array<i32>} : memref<4x200x32xf32, #tpu.memory_space<vmem>>, vector<1x1x16xf32>,
        %get3A_520 = vector.shape_cast %get3A_519 : vector<1x1x16xf32> to vector<16xf32>
        %add3A_521 = arith.addf %add3A_505, %get3A_520 : vector<16xf32>
        %scan3A_522 = arith.constant 5 : i32
        %scan3A_523 = arith.addi %scan3A_442, %scan3A_522 : i32
        %get3A_524 = arith.constant 2 : i32
        %get3A_525 = arith.index_cast %get3A_524 : i32 to index
        %get3A_526 = arith.index_cast %scan3A_523 : i32 to index
        %get3A_527 = arith.constant 0 : index
        %get3A_528 = tpu.vector_load %arg6[%get3A_525, %get3A_526, %get3A_527] {strides = array<i32>} : memref<4x200x32xf32, #tpu.memory_space<vmem>>, vector<1x1x16xf32>,
        %get3A_529 = vector.shape_cast %get3A_528 : vector<1x1x16xf32> to vector<16xf32>
        %add3A_530 = arith.addf %add3A_514, %get3A_529 : vector<16xf32>
        %get3A_531 = arith.constant 2 : i32
        %get3A_532 = arith.index_cast %get3A_531 : i32 to index
        %get3A_533 = arith.index_cast %scan3A_523 : i32 to index
        %get3A_534 = arith.constant 16 : index
        %get3A_535 = tpu.vector_load %arg6[%get3A_532, %get3A_533, %get3A_534] {strides = array<i32>} : memref<4x200x32xf32, #tpu.memory_space<vmem>>, vector<1x1x16xf32>,
        %get3A_536 = vector.shape_cast %get3A_535 : vector<1x1x16xf32> to vector<16xf32>
        %add3A_537 = arith.addf %add3A_521, %get3A_536 : vector<16xf32>
        %scan3A_538 = arith.constant 6 : i32
        %scan3A_539 = arith.addi %scan3A_442, %scan3A_538 : i32
        %get3A_540 = arith.constant 2 : i32
        %get3A_541 = arith.index_cast %get3A_540 : i32 to index
        %get3A_542 = arith.index_cast %scan3A_539 : i32 to index
        %get3A_543 = arith.constant 0 : index
        %get3A_544 = tpu.vector_load %arg6[%get3A_541, %get3A_542, %get3A_543] {strides = array<i32>} : memref<4x200x32xf32, #tpu.memory_space<vmem>>, vector<1x1x16xf32>,
        %get3A_545 = vector.shape_cast %get3A_544 : vector<1x1x16xf32> to vector<16xf32>
        %add3A_546 = arith.addf %add3A_530, %get3A_545 : vector<16xf32>
        %get3A_547 = arith.constant 2 : i32
        %get3A_548 = arith.index_cast %get3A_547 : i32 to index
        %get3A_549 = arith.index_cast %scan3A_539 : i32 to index
        %get3A_550 = arith.constant 16 : index
        %get3A_551 = tpu.vector_load %arg6[%get3A_548, %get3A_549, %get3A_550] {strides = array<i32>} : memref<4x200x32xf32, #tpu.memory_space<vmem>>, vector<1x1x16xf32>,
        %get3A_552 = vector.shape_cast %get3A_551 : vector<1x1x16xf32> to vector<16xf32>
        %add3A_553 = arith.addf %add3A_537, %get3A_552 : vector<16xf32>
        %scan3A_554 = arith.constant 7 : i32
        %scan3A_555 = arith.addi %scan3A_442, %scan3A_554 : i32
        %get3A_556 = arith.constant 2 : i32
        %get3A_557 = arith.index_cast %get3A_556 : i32 to index
        %get3A_558 = arith.index_cast %scan3A_555 : i32 to index
        %get3A_559 = arith.constant 0 : index
        %get3A_560 = tpu.vector_load %arg6[%get3A_557, %get3A_558, %get3A_559] {strides = array<i32>} : memref<4x200x32xf32, #tpu.memory_space<vmem>>, vector<1x1x16xf32>,
        %get3A_561 = vector.shape_cast %get3A_560 : vector<1x1x16xf32> to vector<16xf32>
        %add3A_562 = arith.addf %add3A_546, %get3A_561 : vector<16xf32>
        %get3A_563 = arith.constant 2 : i32
        %get3A_564 = arith.index_cast %get3A_563 : i32 to index
        %get3A_565 = arith.index_cast %scan3A_555 : i32 to index
        %get3A_566 = arith.constant 16 : index
        %get3A_567 = tpu.vector_load %arg6[%get3A_564, %get3A_565, %get3A_566] {strides = array<i32>} : memref<4x200x32xf32, #tpu.memory_space<vmem>>, vector<1x1x16xf32>,
        %get3A_568 = vector.shape_cast %get3A_567 : vector<1x1x16xf32> to vector<16xf32>
        %add3A_569 = arith.addf %add3A_553, %get3A_568 : vector<16xf32>
        scf.yield %add3A_562, %add3A_569 : vector<16xf32>, vector<16xf32>
      }
      %scan3A_359 = arith.constant 200 : i32
      %mul3A_360 = arith.constant 5.000000e-03 : f32
      %mul3A_361 = vector.broadcast %mul3A_360 : f32 to vector<16xf32>
      %mul3A_362 = arith.mulf %scan3A_358#0, %mul3A_361 : vector<16xf32>
      %swap3A_363 = arith.index_cast %add3A_325 : i32 to index
      %swap3A_364 = arith.constant 0 : index
      %swap3A_365 = tpu.vector_load %arg7[%swap3A_363, %swap3A_364] {strides = array<i32>} : memref<256x32xf32, #tpu.memory_space<vmem>>, vector<1x16xf32>,
      %swap3A_366 = vector.shape_cast %swap3A_365 : vector<1x16xf32> to vector<16xf32>
      %swap3A_367 = vector.shape_cast %mul3A_362 : vector<16xf32> to vector<1x16xf32>
      tpu.vector_store %arg7[%swap3A_363, %swap3A_364], %swap3A_367 {strides = array<i32>} : memref<256x32xf32, #tpu.memory_space<vmem>>, vector<1x16xf32>,
      %mul3A_368 = arith.constant 5.000000e-03 : f32
      %mul3A_369 = vector.broadcast %mul3A_368 : f32 to vector<16xf32>
      %mul3A_370 = arith.mulf %scan3A_358#1, %mul3A_369 : vector<16xf32>
      %swap3A_371 = arith.index_cast %add3A_325 : i32 to index
      %swap3A_372 = arith.constant 16 : index
      %swap3A_373 = tpu.vector_load %arg7[%swap3A_371, %swap3A_372] {strides = array<i32>} : memref<256x32xf32, #tpu.memory_space<vmem>>, vector<1x16xf32>,
      %swap3A_374 = vector.shape_cast %swap3A_373 : vector<1x16xf32> to vector<16xf32>
      %swap3A_375 = vector.shape_cast %mul3A_370 : vector<16xf32> to vector<1x16xf32>
      tpu.vector_store %arg7[%swap3A_371, %swap3A_372], %swap3A_375 {strides = array<i32>} : memref<256x32xf32, #tpu.memory_space<vmem>>, vector<1x16xf32>,
      %add3A_376 = arith.constant 4 : i32
      %add3A_377 = arith.addi %add3A_211, %add3A_376 : i32
      %lt3A_378 = arith.constant 256 : i32
      %lt3A_379 = arith.cmpi slt, %add3A_377, %lt3A_378 : i32
      %convert_element_type3A_380 = arith.extui %lt3A_379 : i1 to i32
      %cond3A_381 = arith.constant 0 : i32
      %cond3A_382 = arith.cmpi ne, %convert_element_type3A_380, %cond3A_381 : i32
      scf.if %cond3A_382 {
        %add3A_442 = arith.constant 4 : i32
        %add3A_443 = arith.addi %add3A_325, %add3A_442 : i32
        %dma_start3A_444 = arith.constant 2 : i32
        %dma_start3A_445 = arith.constant 0 : i32
        %dma_start3A_446 = arith.constant 0 : i32
        %dma_start3A_447 = tpu.memref_slice %arg6[%dma_start3A_444, %dma_start3A_445, %dma_start3A_446] : memref<4x200x32xf32, #tpu.memory_space<vmem>> -> memref<1x128x32xf32, #tpu.memory_space<vmem>>
        %dma_start3A_448 = tpu.memref_squeeze %dma_start3A_447 : memref<1x128x32xf32, #tpu.memory_space<vmem>> -> memref<128x32xf32, #tpu.memory_space<vmem>>
        %dma_start3A_449 = arith.constant 0 : i32
        %dma_start3A_450 = tpu.memref_slice %arg5[%add3A_443, %dma_start3A_449] : memref<256x200xi32, #tpu.memory_space<vmem>> -> memref<1x128xi32, #tpu.memory_space<vmem>>
        %dma_start3A_451 = tpu.memref_squeeze %dma_start3A_450 : memref<1x128xi32, #tpu.memory_space<vmem>> -> memref<128xi32, #tpu.memory_space<vmem>>
        %dma_start3A_452 = arith.constant 0 : i32
        %dma_start3A_453 = arith.constant 0 : i32
        %dma_start3A_454 = tpu.memref_slice %arg3[%dma_start3A_452, %dma_start3A_453] : memref<1000000x32xf32, #tpu.memory_space<hbm>> -> memref<1000000x32xf32, #tpu.memory_space<hbm>>
        tpu.enqueue_indirect_dma source(%dma_start3A_454 : memref<1000000x32xf32, #tpu.memory_space<hbm>>) target(%dma_start3A_448 : memref<128x32xf32, #tpu.memory_space<vmem>>) offsets(%dma_start3A_451 : memref<128xi32, #tpu.memory_space<vmem>>) semaphore(%arg10 : memref<!tpu.dma_semaphore, #tpu.memory_space<semaphore_mem>>)
        %dma_start3A_455 = arith.constant 2 : i32
        %dma_start3A_456 = arith.constant 128 : i32
        %dma_start3A_457 = arith.constant 0 : i32
        %dma_start3A_458 = tpu.memref_slice %arg6[%dma_start3A_455, %dma_start3A_456, %dma_start3A_457] : memref<4x200x32xf32, #tpu.memory_space<vmem>> -> memref<1x72x32xf32, #tpu.memory_space<vmem>>
        %dma_start3A_459 = tpu.memref_squeeze %dma_start3A_458 : memref<1x72x32xf32, #tpu.memory_space<vmem>> -> memref<72x32xf32, #tpu.memory_space<vmem>>
        %dma_start3A_460 = arith.constant 128 : i32
        %dma_start3A_461 = tpu.memref_slice %arg5[%add3A_443, %dma_start3A_460] : memref<256x200xi32, #tpu.memory_space<vmem>> -> memref<1x72xi32, #tpu.memory_space<vmem>>
        %dma_start3A_462 = tpu.memref_squeeze %dma_start3A_461 : memref<1x72xi32, #tpu.memory_space<vmem>> -> memref<72xi32, #tpu.memory_space<vmem>>
        %dma_start3A_463 = arith.constant 0 : i32
        %dma_start3A_464 = arith.constant 0 : i32
        %dma_start3A_465 = tpu.memref_slice %arg3[%dma_start3A_463, %dma_start3A_464] : memref<1000000x32xf32, #tpu.memory_space<hbm>> -> memref<1000000x32xf32, #tpu.memory_space<hbm>>
        tpu.enqueue_indirect_dma source(%dma_start3A_465 : memref<1000000x32xf32, #tpu.memory_space<hbm>>) target(%dma_start3A_459 : memref<72x32xf32, #tpu.memory_space<vmem>>) offsets(%dma_start3A_462 : memref<72xi32, #tpu.memory_space<vmem>>) semaphore(%arg10 : memref<!tpu.dma_semaphore, #tpu.memory_space<semaphore_mem>>)
      } else {
      }
      %add3A_383 = arith.constant 3 : i32
      %add3A_384 = arith.addi %add3A_211, %add3A_383 : i32
      %dma_wait3A_385 = arith.constant 0 : i32
      %dma_wait3A_386 = arith.constant 3 : i32
      %dma_wait3A_387 = arith.constant 0 : i32
      %dma_wait3A_388 = arith.constant 0 : i32
      %dma_wait3A_389 = tpu.memref_slice %arg6[%dma_wait3A_386, %dma_wait3A_387, %dma_wait3A_388] : memref<4x200x32xf32, #tpu.memory_space<vmem>> -> memref<1x128x32xf32, #tpu.memory_space<vmem>>
      %dma_wait3A_390 = tpu.memref_squeeze %dma_wait3A_389 : memref<1x128x32xf32, #tpu.memory_space<vmem>> -> memref<128x32xf32, #tpu.memory_space<vmem>>
      %dma_wait3A_391 = arith.constant 0 : i32
      %dma_wait3A_392 = tpu.memref_slice %arg5[%dma_wait3A_385, %dma_wait3A_391] : memref<256x200xi32, #tpu.memory_space<vmem>> -> memref<1x128xi32, #tpu.memory_space<vmem>>
      %dma_wait3A_393 = tpu.memref_squeeze %dma_wait3A_392 : memref<1x128xi32, #tpu.memory_space<vmem>> -> memref<128xi32, #tpu.memory_space<vmem>>
      %dma_wait3A_394 = arith.constant 0 : i32
      %dma_wait3A_395 = arith.constant 0 : i32
      %dma_wait3A_396 = tpu.memref_slice %arg3[%dma_wait3A_394, %dma_wait3A_395] : memref<1000000x32xf32, #tpu.memory_space<hbm>> -> memref<1000000x32xf32, #tpu.memory_space<hbm>>
      tpu.wait_indirect_dma semaphore(%arg11 : memref<!tpu.dma_semaphore, #tpu.memory_space<semaphore_mem>>) src(%dma_wait3A_396 : memref<1000000x32xf32, #tpu.memory_space<hbm>>) dst(%dma_wait3A_390 : memref<128x32xf32, #tpu.memory_space<vmem>>)
      %dma_wait3A_397 = arith.constant 0 : i32
      %dma_wait3A_398 = arith.constant 3 : i32
      %dma_wait3A_399 = arith.constant 128 : i32
      %dma_wait3A_400 = arith.constant 0 : i32
      %dma_wait3A_401 = tpu.memref_slice %arg6[%dma_wait3A_398, %dma_wait3A_399, %dma_wait3A_400] : memref<4x200x32xf32, #tpu.memory_space<vmem>> -> memref<1x72x32xf32, #tpu.memory_space<vmem>>
      %dma_wait3A_402 = tpu.memref_squeeze %dma_wait3A_401 : memref<1x72x32xf32, #tpu.memory_space<vmem>> -> memref<72x32xf32, #tpu.memory_space<vmem>>
      %dma_wait3A_403 = arith.constant 128 : i32
      %dma_wait3A_404 = tpu.memref_slice %arg5[%dma_wait3A_397, %dma_wait3A_403] : memref<256x200xi32, #tpu.memory_space<vmem>> -> memref<1x72xi32, #tpu.memory_space<vmem>>
      %dma_wait3A_405 = tpu.memref_squeeze %dma_wait3A_404 : memref<1x72xi32, #tpu.memory_space<vmem>> -> memref<72xi32, #tpu.memory_space<vmem>>
      %dma_wait3A_406 = arith.constant 0 : i32
      %dma_wait3A_407 = arith.constant 0 : i32
      %dma_wait3A_408 = tpu.memref_slice %arg3[%dma_wait3A_406, %dma_wait3A_407] : memref<1000000x32xf32, #tpu.memory_space<hbm>> -> memref<1000000x32xf32, #tpu.memory_space<hbm>>
      tpu.wait_indirect_dma semaphore(%arg11 : memref<!tpu.dma_semaphore, #tpu.memory_space<semaphore_mem>>) src(%dma_wait3A_408 : memref<1000000x32xf32, #tpu.memory_space<hbm>>) dst(%dma_wait3A_402 : memref<72x32xf32, #tpu.memory_space<vmem>>)
      %broadcast_in_dim3A_409 = arith.constant 0.000000e+00 : f32
      %broadcast_in_dim3A_410 = vector.broadcast %broadcast_in_dim3A_409 : f32 to vector<16xf32>
      %broadcast_in_dim3A_411 = arith.constant 0.000000e+00 : f32
      %broadcast_in_dim3A_412 = vector.broadcast %broadcast_in_dim3A_411 : f32 to vector<16xf32>
      %scan3A_413 = arith.constant 0 : i32
      %scan3A_414 = arith.constant 200 : i32
      %scan3A_415 = arith.addi %scan3A_413, %scan3A_414 : i32
      %scan3A_416 = arith.constant 8 : i32
      %scan3A_417:2 = scf.for %scan3A_442 = %scan3A_413 to %scan3A_415 step %scan3A_416 iter_args(%scan3A_443 = %broadcast_in_dim3A_410, %scan3A_444 = %broadcast_in_dim3A_412) -> (vector<16xf32>, vector<16xf32>)  : i32 {
        %get3A = arith.constant 3 : i32
        %get3A_445 = arith.index_cast %get3A : i32 to index
        %get3A_446 = arith.index_cast %scan3A_442 : i32 to index
        %get3A_447 = arith.constant 0 : index
        %get3A_448 = tpu.vector_load %arg6[%get3A_445, %get3A_446, %get3A_447] {strides = array<i32>} : memref<4x200x32xf32, #tpu.memory_space<vmem>>, vector<1x1x16xf32>,
        %get3A_449 = vector.shape_cast %get3A_448 : vector<1x1x16xf32> to vector<16xf32>
        %add3A_450 = arith.addf %scan3A_443, %get3A_449 : vector<16xf32>
        %get3A_451 = arith.constant 3 : i32
        %get3A_452 = arith.index_cast %get3A_451 : i32 to index
        %get3A_453 = arith.index_cast %scan3A_442 : i32 to index
        %get3A_454 = arith.constant 16 : index
        %get3A_455 = tpu.vector_load %arg6[%get3A_452, %get3A_453, %get3A_454] {strides = array<i32>} : memref<4x200x32xf32, #tpu.memory_space<vmem>>, vector<1x1x16xf32>,
        %get3A_456 = vector.shape_cast %get3A_455 : vector<1x1x16xf32> to vector<16xf32>
        %add3A_457 = arith.addf %scan3A_444, %get3A_456 : vector<16xf32>
        %scan3A_458 = arith.constant 1 : i32
        %scan3A_459 = arith.addi %scan3A_442, %scan3A_458 : i32
        %get3A_460 = arith.constant 3 : i32
        %get3A_461 = arith.index_cast %get3A_460 : i32 to index
        %get3A_462 = arith.index_cast %scan3A_459 : i32 to index
        %get3A_463 = arith.constant 0 : index
        %get3A_464 = tpu.vector_load %arg6[%get3A_461, %get3A_462, %get3A_463] {strides = array<i32>} : memref<4x200x32xf32, #tpu.memory_space<vmem>>, vector<1x1x16xf32>,
        %get3A_465 = vector.shape_cast %get3A_464 : vector<1x1x16xf32> to vector<16xf32>
        %add3A_466 = arith.addf %add3A_450, %get3A_465 : vector<16xf32>
        %get3A_467 = arith.constant 3 : i32
        %get3A_468 = arith.index_cast %get3A_467 : i32 to index
        %get3A_469 = arith.index_cast %scan3A_459 : i32 to index
        %get3A_470 = arith.constant 16 : index
        %get3A_471 = tpu.vector_load %arg6[%get3A_468, %get3A_469, %get3A_470] {strides = array<i32>} : memref<4x200x32xf32, #tpu.memory_space<vmem>>, vector<1x1x16xf32>,
        %get3A_472 = vector.shape_cast %get3A_471 : vector<1x1x16xf32> to vector<16xf32>
        %add3A_473 = arith.addf %add3A_457, %get3A_472 : vector<16xf32>
        %scan3A_474 = arith.constant 2 : i32
        %scan3A_475 = arith.addi %scan3A_442, %scan3A_474 : i32
        %get3A_476 = arith.constant 3 : i32
        %get3A_477 = arith.index_cast %get3A_476 : i32 to index
        %get3A_478 = arith.index_cast %scan3A_475 : i32 to index
        %get3A_479 = arith.constant 0 : index
        %get3A_480 = tpu.vector_load %arg6[%get3A_477, %get3A_478, %get3A_479] {strides = array<i32>} : memref<4x200x32xf32, #tpu.memory_space<vmem>>, vector<1x1x16xf32>,
        %get3A_481 = vector.shape_cast %get3A_480 : vector<1x1x16xf32> to vector<16xf32>
        %add3A_482 = arith.addf %add3A_466, %get3A_481 : vector<16xf32>
        %get3A_483 = arith.constant 3 : i32
        %get3A_484 = arith.index_cast %get3A_483 : i32 to index
        %get3A_485 = arith.index_cast %scan3A_475 : i32 to index
        %get3A_486 = arith.constant 16 : index
        %get3A_487 = tpu.vector_load %arg6[%get3A_484, %get3A_485, %get3A_486] {strides = array<i32>} : memref<4x200x32xf32, #tpu.memory_space<vmem>>, vector<1x1x16xf32>,
        %get3A_488 = vector.shape_cast %get3A_487 : vector<1x1x16xf32> to vector<16xf32>
        %add3A_489 = arith.addf %add3A_473, %get3A_488 : vector<16xf32>
        %scan3A_490 = arith.constant 3 : i32
        %scan3A_491 = arith.addi %scan3A_442, %scan3A_490 : i32
        %get3A_492 = arith.constant 3 : i32
        %get3A_493 = arith.index_cast %get3A_492 : i32 to index
        %get3A_494 = arith.index_cast %scan3A_491 : i32 to index
        %get3A_495 = arith.constant 0 : index
        %get3A_496 = tpu.vector_load %arg6[%get3A_493, %get3A_494, %get3A_495] {strides = array<i32>} : memref<4x200x32xf32, #tpu.memory_space<vmem>>, vector<1x1x16xf32>,
        %get3A_497 = vector.shape_cast %get3A_496 : vector<1x1x16xf32> to vector<16xf32>
        %add3A_498 = arith.addf %add3A_482, %get3A_497 : vector<16xf32>
        %get3A_499 = arith.constant 3 : i32
        %get3A_500 = arith.index_cast %get3A_499 : i32 to index
        %get3A_501 = arith.index_cast %scan3A_491 : i32 to index
        %get3A_502 = arith.constant 16 : index
        %get3A_503 = tpu.vector_load %arg6[%get3A_500, %get3A_501, %get3A_502] {strides = array<i32>} : memref<4x200x32xf32, #tpu.memory_space<vmem>>, vector<1x1x16xf32>,
        %get3A_504 = vector.shape_cast %get3A_503 : vector<1x1x16xf32> to vector<16xf32>
        %add3A_505 = arith.addf %add3A_489, %get3A_504 : vector<16xf32>
        %scan3A_506 = arith.constant 4 : i32
        %scan3A_507 = arith.addi %scan3A_442, %scan3A_506 : i32
        %get3A_508 = arith.constant 3 : i32
        %get3A_509 = arith.index_cast %get3A_508 : i32 to index
        %get3A_510 = arith.index_cast %scan3A_507 : i32 to index
        %get3A_511 = arith.constant 0 : index
        %get3A_512 = tpu.vector_load %arg6[%get3A_509, %get3A_510, %get3A_511] {strides = array<i32>} : memref<4x200x32xf32, #tpu.memory_space<vmem>>, vector<1x1x16xf32>,
        %get3A_513 = vector.shape_cast %get3A_512 : vector<1x1x16xf32> to vector<16xf32>
        %add3A_514 = arith.addf %add3A_498, %get3A_513 : vector<16xf32>
        %get3A_515 = arith.constant 3 : i32
        %get3A_516 = arith.index_cast %get3A_515 : i32 to index
        %get3A_517 = arith.index_cast %scan3A_507 : i32 to index
        %get3A_518 = arith.constant 16 : index
        %get3A_519 = tpu.vector_load %arg6[%get3A_516, %get3A_517, %get3A_518] {strides = array<i32>} : memref<4x200x32xf32, #tpu.memory_space<vmem>>, vector<1x1x16xf32>,
        %get3A_520 = vector.shape_cast %get3A_519 : vector<1x1x16xf32> to vector<16xf32>
        %add3A_521 = arith.addf %add3A_505, %get3A_520 : vector<16xf32>
        %scan3A_522 = arith.constant 5 : i32
        %scan3A_523 = arith.addi %scan3A_442, %scan3A_522 : i32
        %get3A_524 = arith.constant 3 : i32
        %get3A_525 = arith.index_cast %get3A_524 : i32 to index
        %get3A_526 = arith.index_cast %scan3A_523 : i32 to index
        %get3A_527 = arith.constant 0 : index
        %get3A_528 = tpu.vector_load %arg6[%get3A_525, %get3A_526, %get3A_527] {strides = array<i32>} : memref<4x200x32xf32, #tpu.memory_space<vmem>>, vector<1x1x16xf32>,
        %get3A_529 = vector.shape_cast %get3A_528 : vector<1x1x16xf32> to vector<16xf32>
        %add3A_530 = arith.addf %add3A_514, %get3A_529 : vector<16xf32>
        %get3A_531 = arith.constant 3 : i32
        %get3A_532 = arith.index_cast %get3A_531 : i32 to index
        %get3A_533 = arith.index_cast %scan3A_523 : i32 to index
        %get3A_534 = arith.constant 16 : index
        %get3A_535 = tpu.vector_load %arg6[%get3A_532, %get3A_533, %get3A_534] {strides = array<i32>} : memref<4x200x32xf32, #tpu.memory_space<vmem>>, vector<1x1x16xf32>,
        %get3A_536 = vector.shape_cast %get3A_535 : vector<1x1x16xf32> to vector<16xf32>
        %add3A_537 = arith.addf %add3A_521, %get3A_536 : vector<16xf32>
        %scan3A_538 = arith.constant 6 : i32
        %scan3A_539 = arith.addi %scan3A_442, %scan3A_538 : i32
        %get3A_540 = arith.constant 3 : i32
        %get3A_541 = arith.index_cast %get3A_540 : i32 to index
        %get3A_542 = arith.index_cast %scan3A_539 : i32 to index
        %get3A_543 = arith.constant 0 : index
        %get3A_544 = tpu.vector_load %arg6[%get3A_541, %get3A_542, %get3A_543] {strides = array<i32>} : memref<4x200x32xf32, #tpu.memory_space<vmem>>, vector<1x1x16xf32>,
        %get3A_545 = vector.shape_cast %get3A_544 : vector<1x1x16xf32> to vector<16xf32>
        %add3A_546 = arith.addf %add3A_530, %get3A_545 : vector<16xf32>
        %get3A_547 = arith.constant 3 : i32
        %get3A_548 = arith.index_cast %get3A_547 : i32 to index
        %get3A_549 = arith.index_cast %scan3A_539 : i32 to index
        %get3A_550 = arith.constant 16 : index
        %get3A_551 = tpu.vector_load %arg6[%get3A_548, %get3A_549, %get3A_550] {strides = array<i32>} : memref<4x200x32xf32, #tpu.memory_space<vmem>>, vector<1x1x16xf32>,
        %get3A_552 = vector.shape_cast %get3A_551 : vector<1x1x16xf32> to vector<16xf32>
        %add3A_553 = arith.addf %add3A_537, %get3A_552 : vector<16xf32>
        %scan3A_554 = arith.constant 7 : i32
        %scan3A_555 = arith.addi %scan3A_442, %scan3A_554 : i32
        %get3A_556 = arith.constant 3 : i32
        %get3A_557 = arith.index_cast %get3A_556 : i32 to index
        %get3A_558 = arith.index_cast %scan3A_555 : i32 to index
        %get3A_559 = arith.constant 0 : index
        %get3A_560 = tpu.vector_load %arg6[%get3A_557, %get3A_558, %get3A_559] {strides = array<i32>} : memref<4x200x32xf32, #tpu.memory_space<vmem>>, vector<1x1x16xf32>,
        %get3A_561 = vector.shape_cast %get3A_560 : vector<1x1x16xf32> to vector<16xf32>
        %add3A_562 = arith.addf %add3A_546, %get3A_561 : vector<16xf32>
        %get3A_563 = arith.constant 3 : i32
        %get3A_564 = arith.index_cast %get3A_563 : i32 to index
        %get3A_565 = arith.index_cast %scan3A_555 : i32 to index
        %get3A_566 = arith.constant 16 : index
        %get3A_567 = tpu.vector_load %arg6[%get3A_564, %get3A_565, %get3A_566] {strides = array<i32>} : memref<4x200x32xf32, #tpu.memory_space<vmem>>, vector<1x1x16xf32>,
        %get3A_568 = vector.shape_cast %get3A_567 : vector<1x1x16xf32> to vector<16xf32>
        %add3A_569 = arith.addf %add3A_553, %get3A_568 : vector<16xf32>
        scf.yield %add3A_562, %add3A_569 : vector<16xf32>, vector<16xf32>
      }
      %scan3A_418 = arith.constant 200 : i32
      %mul3A_419 = arith.constant 5.000000e-03 : f32
      %mul3A_420 = vector.broadcast %mul3A_419 : f32 to vector<16xf32>
      %mul3A_421 = arith.mulf %scan3A_417#0, %mul3A_420 : vector<16xf32>
      %swap3A_422 = arith.index_cast %add3A_384 : i32 to index
      %swap3A_423 = arith.constant 0 : index
      %swap3A_424 = tpu.vector_load %arg7[%swap3A_422, %swap3A_423] {strides = array<i32>} : memref<256x32xf32, #tpu.memory_space<vmem>>, vector<1x16xf32>,
      %swap3A_425 = vector.shape_cast %swap3A_424 : vector<1x16xf32> to vector<16xf32>
      %swap3A_426 = vector.shape_cast %mul3A_421 : vector<16xf32> to vector<1x16xf32>
      tpu.vector_store %arg7[%swap3A_422, %swap3A_423], %swap3A_426 {strides = array<i32>} : memref<256x32xf32, #tpu.memory_space<vmem>>, vector<1x16xf32>,
      %mul3A_427 = arith.constant 5.000000e-03 : f32
      %mul3A_428 = vector.broadcast %mul3A_427 : f32 to vector<16xf32>
      %mul3A_429 = arith.mulf %scan3A_417#1, %mul3A_428 : vector<16xf32>
      %swap3A_430 = arith.index_cast %add3A_384 : i32 to index
      %swap3A_431 = arith.constant 16 : index
      %swap3A_432 = tpu.vector_load %arg7[%swap3A_430, %swap3A_431] {strides = array<i32>} : memref<256x32xf32, #tpu.memory_space<vmem>>, vector<1x16xf32>,
      %swap3A_433 = vector.shape_cast %swap3A_432 : vector<1x16xf32> to vector<16xf32>
      %swap3A_434 = vector.shape_cast %mul3A_429 : vector<16xf32> to vector<1x16xf32>
      tpu.vector_store %arg7[%swap3A_430, %swap3A_431], %swap3A_434 {strides = array<i32>} : memref<256x32xf32, #tpu.memory_space<vmem>>, vector<1x16xf32>,
      %add3A_435 = arith.constant 4 : i32
      %add3A_436 = arith.addi %add3A_211, %add3A_435 : i32
      %lt3A_437 = arith.constant 256 : i32
      %lt3A_438 = arith.cmpi slt, %add3A_436, %lt3A_437 : i32
      %convert_element_type3A_439 = arith.extui %lt3A_438 : i1 to i32
      %cond3A_440 = arith.constant 0 : i32
      %cond3A_441 = arith.cmpi ne, %convert_element_type3A_439, %cond3A_440 : i32
      scf.if %cond3A_441 {
        %add3A_442 = arith.constant 4 : i32
        %add3A_443 = arith.addi %add3A_384, %add3A_442 : i32
        %dma_start3A_444 = arith.constant 3 : i32
        %dma_start3A_445 = arith.constant 0 : i32
        %dma_start3A_446 = arith.constant 0 : i32
        %dma_start3A_447 = tpu.memref_slice %arg6[%dma_start3A_444, %dma_start3A_445, %dma_start3A_446] : memref<4x200x32xf32, #tpu.memory_space<vmem>> -> memref<1x128x32xf32, #tpu.memory_space<vmem>>
        %dma_start3A_448 = tpu.memref_squeeze %dma_start3A_447 : memref<1x128x32xf32, #tpu.memory_space<vmem>> -> memref<128x32xf32, #tpu.memory_space<vmem>>
        %dma_start3A_449 = arith.constant 0 : i32
        %dma_start3A_450 = tpu.memref_slice %arg5[%add3A_443, %dma_start3A_449] : memref<256x200xi32, #tpu.memory_space<vmem>> -> memref<1x128xi32, #tpu.memory_space<vmem>>
        %dma_start3A_451 = tpu.memref_squeeze %dma_start3A_450 : memref<1x128xi32, #tpu.memory_space<vmem>> -> memref<128xi32, #tpu.memory_space<vmem>>
        %dma_start3A_452 = arith.constant 0 : i32
        %dma_start3A_453 = arith.constant 0 : i32
        %dma_start3A_454 = tpu.memref_slice %arg3[%dma_start3A_452, %dma_start3A_453] : memref<1000000x32xf32, #tpu.memory_space<hbm>> -> memref<1000000x32xf32, #tpu.memory_space<hbm>>
        tpu.enqueue_indirect_dma source(%dma_start3A_454 : memref<1000000x32xf32, #tpu.memory_space<hbm>>) target(%dma_start3A_448 : memref<128x32xf32, #tpu.memory_space<vmem>>) offsets(%dma_start3A_451 : memref<128xi32, #tpu.memory_space<vmem>>) semaphore(%arg11 : memref<!tpu.dma_semaphore, #tpu.memory_space<semaphore_mem>>)
        %dma_start3A_455 = arith.constant 3 : i32
        %dma_start3A_456 = arith.constant 128 : i32
        %dma_start3A_457 = arith.constant 0 : i32
        %dma_start3A_458 = tpu.memref_slice %arg6[%dma_start3A_455, %dma_start3A_456, %dma_start3A_457] : memref<4x200x32xf32, #tpu.memory_space<vmem>> -> memref<1x72x32xf32, #tpu.memory_space<vmem>>
        %dma_start3A_459 = tpu.memref_squeeze %dma_start3A_458 : memref<1x72x32xf32, #tpu.memory_space<vmem>> -> memref<72x32xf32, #tpu.memory_space<vmem>>
        %dma_start3A_460 = arith.constant 128 : i32
        %dma_start3A_461 = tpu.memref_slice %arg5[%add3A_443, %dma_start3A_460] : memref<256x200xi32, #tpu.memory_space<vmem>> -> memref<1x72xi32, #tpu.memory_space<vmem>>
        %dma_start3A_462 = tpu.memref_squeeze %dma_start3A_461 : memref<1x72xi32, #tpu.memory_space<vmem>> -> memref<72xi32, #tpu.memory_space<vmem>>
        %dma_start3A_463 = arith.constant 0 : i32
        %dma_start3A_464 = arith.constant 0 : i32
        %dma_start3A_465 = tpu.memref_slice %arg3[%dma_start3A_463, %dma_start3A_464] : memref<1000000x32xf32, #tpu.memory_space<hbm>> -> memref<1000000x32xf32, #tpu.memory_space<hbm>>
        tpu.enqueue_indirect_dma source(%dma_start3A_465 : memref<1000000x32xf32, #tpu.memory_space<hbm>>) target(%dma_start3A_459 : memref<72x32xf32, #tpu.memory_space<vmem>>) offsets(%dma_start3A_462 : memref<72xi32, #tpu.memory_space<vmem>>) semaphore(%arg11 : memref<!tpu.dma_semaphore, #tpu.memory_space<semaphore_mem>>)
      } else {
      }
    }
    %scan3A_206 = arith.constant 64 : i32
    "tpu.region"() ({
      %run_scoped3A = tpu.sem_alloc : memref<!tpu.dma_semaphore, #tpu.memory_space<semaphore_mem>>
      %dma_start3A_207 = arith.constant 0 : i32
      %dma_start3A_208 = tpu.memref_slice %arg4[%add3A_105, %dma_start3A_207] : memref<16384x32xf32, #tpu.memory_space<hbm>> -> memref<256x32xf32, #tpu.memory_space<hbm>>
      %dma_start3A_209 = arith.constant 0 : i32
      %dma_start3A_210 = tpu.memref_slice %arg4[%add3A_105, %dma_start3A_209] : memref<16384x32xf32, #tpu.memory_space<hbm>> -> memref<256x32xf32, #tpu.memory_space<hbm>>
      tpu.enqueue_dma source(%arg7 : memref<256x32xf32, #tpu.memory_space<vmem>>) target(%dma_start3A_210 : memref<256x32xf32, #tpu.memory_space<hbm>>) target_semaphore(%run_scoped3A : memref<!tpu.dma_semaphore, #tpu.memory_space<semaphore_mem>>)
      %dma_wait3A = arith.constant 0 : i32
      %dma_wait3A_211 = tpu.memref_slice %arg4[%add3A_105, %dma_wait3A] : memref<16384x32xf32, #tpu.memory_space<hbm>> -> memref<256x32xf32, #tpu.memory_space<hbm>>
      %dma_wait3A_212 = arith.constant 0 : i32
      %dma_wait3A_213 = tpu.memref_slice %arg4[%add3A_105, %dma_wait3A_212] : memref<16384x32xf32, #tpu.memory_space<hbm>> -> memref<256x32xf32, #tpu.memory_space<hbm>>
      tpu.wait_dma2 semaphore(%run_scoped3A : memref<!tpu.dma_semaphore, #tpu.memory_space<semaphore_mem>>) src(%arg7 : memref<256x32xf32, #tpu.memory_space<vmem>>) dst(%dma_wait3A_213 : memref<256x32xf32, #tpu.memory_space<hbm>>)
      tpu.yield
    }) : () -> ()
    return
  }
}

module attributes {stable_mosaic.version = 14 : i64} {
  func.func @body(%arg0: i32, %arg1: memref<2048x32xf32, #tpu.memory_space<vmem>>, %arg2: memref<32x128xf32, #tpu.memory_space<vmem>>, %arg3: memref<1x128xf32, #tpu.memory_space<vmem>>, %arg4: memref<128x10xf32, #tpu.memory_space<vmem>>, %arg5: memref<1x10xf32, #tpu.memory_space<vmem>>, %arg6: memref<2048x10xf32, #tpu.memory_space<vmem>>) attributes {dimension_semantics = [#tpu.dimension_semantics<arbitrary>], iteration_bounds = array<i64: 8>, scalar_prefetch = 0 : i64, scratch_operands = 0 : i64, tpu.core_type = #tpu.core_type<tc>, window_params = [{transform_indices = @transform_0, window_bounds = array<i64: 2048, 32>}, {pipeline_mode = #tpu.pipeline_mode<synchronous>, transform_indices = @transform_1, window_bounds = array<i64: 32, 128>}, {pipeline_mode = #tpu.pipeline_mode<synchronous>, transform_indices = @transform_2, window_bounds = array<i64: 1, 128>}, {pipeline_mode = #tpu.pipeline_mode<synchronous>, transform_indices = @transform_3, window_bounds = array<i64: 128, 10>}, {pipeline_mode = #tpu.pipeline_mode<synchronous>, transform_indices = @transform_4, window_bounds = array<i64: 1, 10>}, {transform_indices = @transform_5, window_bounds = array<i64: 2048, 10>}]} {
    %get3A = arith.constant 0 : index
    %get3A_0 = arith.constant 0 : index
    %get3A_1 = vector.load %arg1[%get3A, %get3A_0] : memref<2048x32xf32, #tpu.memory_space<vmem>>, vector<2048x32xf32>
    %get3A_2 = arith.constant 0 : index
    %get3A_3 = arith.constant 0 : index
    %get3A_4 = vector.load %arg2[%get3A_2, %get3A_3] : memref<32x128xf32, #tpu.memory_space<vmem>>, vector<32x128xf32>
    %dot_general3A = arith.constant dense<0.000000e+00> : vector<2048x128xf32>
    %dot_general3A_5 = tpu.matmul %get3A_1, %get3A_4, %dot_general3A {dimension_numbers = #tpu.dot_dimension_numbers<[1], [0], [0], [1], [0, 0, 1, 1], [], []>, transpose_lhs_hint = false} : vector<2048x32xf32>, vector<32x128xf32>, vector<2048x128xf32> -> vector<2048x128xf32>
    %get3A_6 = arith.constant 0 : index
    %get3A_7 = arith.constant 0 : index
    %get3A_8 = vector.load %arg3[%get3A_6, %get3A_7] : memref<1x128xf32, #tpu.memory_space<vmem>>, vector<1x128xf32>
    %add3A = vector.broadcast %get3A_8 : vector<1x128xf32> to vector<2048x128xf32>
    %add3A_9 = arith.addf %dot_general3A_5, %add3A : vector<2048x128xf32>
    %max3A = arith.constant 0.000000e+00 : f32
    %max3A_10 = vector.broadcast %max3A : f32 to vector<2048x128xf32>
    %max3A_11 = arith.maximumf %add3A_9, %max3A_10 : vector<2048x128xf32>
    %get3A_12 = arith.constant 0 : index
    %get3A_13 = arith.constant 0 : index
    %get3A_14 = vector.load %arg4[%get3A_12, %get3A_13] : memref<128x10xf32, #tpu.memory_space<vmem>>, vector<128x10xf32>
    %dot_general3A_15 = arith.constant dense<0.000000e+00> : vector<2048x10xf32>
    %dot_general3A_16 = tpu.matmul %max3A_11, %get3A_14, %dot_general3A_15 {dimension_numbers = #tpu.dot_dimension_numbers<[1], [0], [0], [1], [0, 0, 1, 1], [], []>, transpose_lhs_hint = false} : vector<2048x128xf32>, vector<128x10xf32>, vector<2048x10xf32> -> vector<2048x10xf32>
    %get3A_17 = arith.constant 0 : index
    %get3A_18 = arith.constant 0 : index
    %get3A_19 = vector.load %arg5[%get3A_17, %get3A_18] : memref<1x10xf32, #tpu.memory_space<vmem>>, vector<1x10xf32>
    %add3A_20 = vector.broadcast %get3A_19 : vector<1x10xf32> to vector<2048x10xf32>
    %add3A_21 = arith.addf %dot_general3A_16, %add3A_20 : vector<2048x10xf32>
    %swap3A = arith.constant 0 : index
    %swap3A_22 = arith.constant 0 : index
    %swap3A_23 = vector.load %arg6[%swap3A, %swap3A_22] : memref<2048x10xf32, #tpu.memory_space<vmem>>, vector<2048x10xf32>
    tpu.vector_store %arg6[%swap3A, %swap3A_22], %add3A_21 {strides = array<i32>} : memref<2048x10xf32, #tpu.memory_space<vmem>>, vector<2048x10xf32>,
    return
  }
  func.func @transform_0(%arg0: i32) -> (i32, i32) {
    %c0_i32 = arith.constant 0 : i32
    %c0_i32_0 = arith.constant 0 : i32
    return %arg0, %c0_i32 : i32, i32
  }
  func.func @transform_1(%arg0: i32) -> (i32, i32) {
    %c0_i32 = arith.constant 0 : i32
    %c0_i32_0 = arith.constant 0 : i32
    %c0_i32_1 = arith.constant 0 : i32
    return %c0_i32, %c0_i32_0 : i32, i32
  }
  func.func @transform_2(%arg0: i32) -> (i32, i32) {
    %c0_i32 = arith.constant 0 : i32
    %c0_i32_0 = arith.constant 0 : i32
    %c0_i32_1 = arith.constant 0 : i32
    return %c0_i32, %c0_i32_0 : i32, i32
  }
  func.func @transform_3(%arg0: i32) -> (i32, i32) {
    %c0_i32 = arith.constant 0 : i32
    %c0_i32_0 = arith.constant 0 : i32
    %c0_i32_1 = arith.constant 0 : i32
    return %c0_i32, %c0_i32_0 : i32, i32
  }
  func.func @transform_4(%arg0: i32) -> (i32, i32) {
    %c0_i32 = arith.constant 0 : i32
    %c0_i32_0 = arith.constant 0 : i32
    %c0_i32_1 = arith.constant 0 : i32
    return %c0_i32, %c0_i32_0 : i32, i32
  }
  func.func @transform_5(%arg0: i32) -> (i32, i32) {
    %c0_i32 = arith.constant 0 : i32
    %c0_i32_0 = arith.constant 0 : i32
    return %arg0, %c0_i32 : i32, i32
  }
}

</mosaic_0001>

<sc_bundles>
// kernel: kernel.4.cloned.1.call-start
scs
__scs_entry_jumppad:
0x0: {  	(pc) =	sbr.rel $0x88, $3  }
0x1: {  	(tag) =	ssettag $0x0;
	lr =	simm.s32 $0x1  }
0x2: {  	[smem:$0x3F9B] =	sst lr;
	_ =	strace $0xD0000000  }
0x3: {  	_ = 	snop  }
0x4: {  	_ = 	snop  }
0x5: {  	_ = 	snop  }
0x6: {  	_ = 	snop  }
0x7: {  	_ = 	snop  }
__scs_overlays_trampoline_lowered:
0x8: {  	[smem:$0x3FAA] =	sst s0  }
0x9: {  	[smem:$0x3FAB] =	sst s1  }
0xa: {  	[smem:$0x3FAC] =	sst s2  }
0xb: {  	[smem:$0x3FAD] =	sst s3  }
0xc: {  	[smem:$0x3FAE] =	sst s4  }
0xd: {  	[smem:$0x3FAF] =	sst s5  }
0xe: {  	[smem:$0x3FB0] =	sst s6  }
0xf: {  	[smem:$0x3FB1] =	sst s7  }
0x10: {  	[smem:$0x3FB2] =	sst s8  }
0x11: {  	[smem:$0x3FB3] =	sst s9;
	s0 =	simm.s32 @!p0 $0x0  }
0x12: {  	s1 =	sld [smem:$0x3F99];
	s0 =	simm.s32 @p0 $0x1  }
0x13: {  	[smem:$0x3FB4] =	sst s0;
	s0 =	simm.s32 @!p1 $0x0  }
0x14: {  	s2 =	sld [smem:$0x3F98];
	s0 =	simm.s32 @p1 $0x1  }
0x15: {  	[smem:$0x3FB5] =	sst s0;
	s0 =	simm.s32 @!p2 $0x0  }
0x16: {  	s3 =	sld [smem:$0x3FDB];
	s0 =	simm.s32 @p2 $0x1  }
0x17: {  	s4 =	simm.s32 $0x1BF5;
	[smem:$0x3FB7] =	sst s0  }
0x18: {  	s0 =	sld [smem:$0x3F9A];
	_ =	swait.ge [sflag:s4], $0x0  }
0x19: {  	s7 =	sld [smem:$0x3F9B]  }
0x1a: {  	s8 =	sadd.s32 $0xFFFFE003, lr  }
0x1b: {  	s9 =	sadd.s32 $0xFFFFFEF7, lr;
	s5 =	simm.s32 $0xFFFFFFFF;
	p2 =	slt.u32 s8, $0xFFFFF086  }
0x1c: {  	p1 =	slt.u32 s9, $0xF7A;
	s5 =	simm.s32 @!p2 $0x0  }
0x1d: {  	s5 =	simm.s32 @p1 $0x1;
	p0 =	seq.s32 s7, s2  }
0x1e: {  	s7 =	smul.u32 @!p0 $0xF7A, s2;
	p2 =	seq.s32 @!p0 s5, $0x0  }
0x1f: {  	s9 =	smul.u32 $0xF7A, s1;
	s8 =	simm.s32 @!p0 $0x1BF5;
	p2 =	por !p2, p0  }
0x20: {  	[sflag:s8] =	ssyncset.s32 @!p0 $0xFFFFF086;
	s6 =	sadd.s32 @!p0 s3, s7;
	s7 =	simm.s32 @!p0 $0x108  }
0x21: {  	s3 =	sadd.s32 s3, s9;
	s6 =	sadd.s32 @!p0 $0x88, s6;
	s7 =	simm.s32 @p2 $0x1082  }
0x22: {  	[simem:s7], [sflag:s8] =	dma.local @!p0 [hbm:s6], $0xF7A  }
0x23: {  	s9 =	sor.u32 $0xD0000000, s2;
	s6 =	simm.s32 $0x108;
	_ =	swait.ge @!p0 [sflag:s8], $0x0  }
0x24: {  	s3 =	sadd.s32 $0x88, s3;
	s6 =	simm.s32 @!p1 $0x1082;
	[sflag:s4] =	ssyncset.s32 $0xFFFFF086  }
0x25: {  	[simem:s6], [sflag:s4] =	dma.local [hbm:s3], $0xF7A  }
0x26: {  	[smem:$0x3F9B] =	sst s1;
	(tag) =	ssettag s2;
	_ =	strace s9  }
0x27: {  	s1 =	sld [smem:$0x3FAB]  }
0x28: {  	s2 =	sld [smem:$0x3FAC]  }
0x29: {  	s4 =	sld [smem:$0x3FAE]  }
0x2a: {  	p0 =	seq.s32 s5, $0x0;
	s5 =	sld [smem:$0x3FAF]  }
0x2b: {  	s6 =	sld [smem:$0x3FB0]  }
0x2c: {  	s7 =	sld [smem:$0x3FB1]  }
0x2d: {  	s3 =	simm.s32 $0x108;
	s8 =	sld [smem:$0x3FB2]  }
0x2e: {  	s3 =	simm.s32 @!p0 $0x1082;
	s9 =	sld [smem:$0x3FB3]  }
0x2f: {  	lr =	sadd.s32 s0, s3;
	s0 =	sld [smem:$0x3FAA]  }
0x30: {  	s3 =	sld [smem:$0x3FAD]  }
0x31: {  	[smem:$0x3FB6] =	sst s10  }
0x32: {  	s10 =	sld [smem:$0x3FB4];
	_ =	sdelay $0x3  }
0x33: {  	p0 =	seq.s32 s10, $0x1;
	s10 =	sld [smem:$0x3FB6];
	_ =	sdelay $0x3  }
0x34: {  	[smem:$0x3FB6] =	sst s10  }
0x35: {  	s10 =	sld [smem:$0x3FB5];
	_ =	sdelay $0x3  }
0x36: {  	p1 =	seq.s32 s10, $0x1;
	s10 =	sld [smem:$0x3FB6];
	_ =	sdelay $0x3  }
0x37: {  	[smem:$0x3FB6] =	sst s10  }
0x38: {  	s10 =	sld [smem:$0x3FB7]  }
0x39: {  	_ = 	snop;
	(pc) =	sbr.ind lr, $3  }
0x3a: {  	_ = 	snop  }
0x3b: {  	_ = 	snop  }
0x3c: {  	p2 =	seq.s32 s10, $0x1;
	s10 =	sld [smem:$0x3FB6]  }
0x3d: {  	_ =	shalt  }
0x3e: {  	_ =	shalt  }
0x3f: {  	_ =	shalt  }
0x40: {  	_ =	shalt  }
0x41: {  	_ =	shalt  }
0x42: {  	_ =	shalt  }
0x43: {  	_ =	shalt  }
0x44: {  	_ =	shalt  }
0x45: {  	_ =	shalt  }
0x46: {  	_ =	shalt  }
0x47: {  	_ =	shalt  }
0x48: {  	_ =	shalt  }
0x49: {  	_ =	shalt  }
0x4a: {  	_ =	shalt  }
0x4b: {  	_ =	shalt  }
0x4c: {  	_ =	shalt  }
0x4d: {  	_ =	shalt  }
0x4e: {  	_ =	shalt  }
0x4f: {  	_ =	shalt  }
0x50: {  	_ =	shalt  }
0x51: {  	_ =	shalt  }
0x52: {  	_ =	shalt  }
0x53: {  	_ =	shalt  }
0x54: {  	_ =	shalt  }
0x55: {  	_ =	shalt  }
0x56: {  	_ =	shalt  }
0x57: {  	_ =	shalt  }
0x58: {  	_ =	shalt  }
0x59: {  	_ =	shalt  }
0x5a: {  	_ =	shalt  }
0x5b: {  	_ =	shalt  }
0x5c: {  	_ =	shalt  }
0x5d: {  	_ =	shalt  }
0x5e: {  	_ =	shalt  }
0x5f: {  	_ =	shalt  }
0x60: {  	_ =	shalt  }
0x61: {  	_ =	shalt  }
0x62: {  	_ =	shalt  }
0x63: {  	_ =	shalt  }
0x64: {  	_ =	shalt  }
0x65: {  	_ =	shalt  }
0x66: {  	_ =	shalt  }
0x67: {  	_ =	shalt  }
0x68: {  	_ =	shalt  }
0x69: {  	_ =	shalt  }
0x6a: {  	_ =	shalt  }
0x6b: {  	_ =	shalt  }
0x6c: {  	_ =	shalt  }
0x6d: {  	_ =	shalt  }
0x6e: {  	_ =	shalt  }
0x6f: {  	_ =	shalt  }
0x70: {  	_ =	shalt  }
0x71: {  	_ =	shalt  }
0x72: {  	_ =	shalt  }
0x73: {  	_ =	shalt  }
0x74: {  	_ =	shalt  }
0x75: {  	_ =	shalt  }
0x76: {  	_ =	shalt  }
0x77: {  	_ =	shalt  }
0x78: {  	_ =	shalt  }
0x79: {  	_ =	shalt  }
0x7a: {  	_ =	shalt  }
0x7b: {  	_ =	shalt  }
0x7c: {  	_ =	shalt  }
0x7d: {  	_ =	shalt  }
0x7e: {  	_ =	shalt  }
0x7f: {  	_ =	shalt  }
0x80: {  	_ =	shalt  }
0x81: {  	_ =	shalt  }
0x82: {  	_ =	shalt  }
0x83: {  	_ =	shalt  }
0x84: {  	_ =	shalt  }
0x85: {  	_ =	shalt  }
0x86: {  	_ =	shalt  }
0x87: {  	_ =	shalt  }
.Lfunc_end0:
.L_simem_size_0:
called_computation_lowered:
.L_overlay_start_0:
0x88: {  	s2 =	sld [smem:$0x3FD9]  }
0x89: {  	s3 =	sld [smem:$0x3FFE];
	_ =	sdelay $0x1  }
0x8a: {  	s1 =	srdreg.scid  }
0x8b: {  	s0 =	sand.u32 $0x1, s1  }
0x8c: {  	s16 =	sshll.u32 s0, $0xA;
	s2 =	sadd.s32 s3, s2  }
0x8d: {  	s2 =	sadd.s32 s2, s16  }
0x8e: {  	[smem:$0x3FC2] =	sst s2  }
0x8f: {  	_ = 	snop  }
0x90: {  	(tm) =	ssettm $0x1  }
0x91: {  	s17 =	sld [smem:$0x3FFB];
	_ =	sdelay $0x3  }
0x92: {  	_ =	strace s17  }
0x93: {  	s2 =	sld [smem:$0x3FFC];
	_ =	sdelay $0x3  }
0x94: {  	_ =	strace s2  }
0x95: {  	s2 =	sld [smem:$0x3FFD];
	_ =	sdelay $0x3  }
0x96: {  	_ =	strace s2  }
0x97: {  	_ =	strace $0x8FFFFFFF  }
0x98: {  	s18 =	sld [smem:$0x3FDB];
	_ =	sdelay $0x1  }
0x99: {  	s19 =	simm.s32 $_scs_section_size  }
0x9a: {  	s4 =	simm.s32 $_size__tile_overlayer_lowered;
	s5 =	simm.s32 $_tile_overlayer_lowered  }
0x9b: {  	s22 =	simm.s32 $0x1BFF;
	s21 =	sshll.u32 s5, $0x1;
	s2 =	sadd.s32 s19, s18  }
0x9c: {  	s6 =	simm.s32 $0x0;
	s20 =	sshll.u32 s4, $0x1;
	s4 =	sadd.s32 s21, s2  }
0x9d: {  	[timem:s6], [sflag:s22] =	dma.local [hbm:s4], s20  }
0x9e: {  	_ =	swait.ge [sflag:s22], s20  }
0x9f: {  	s3 =	ssub.s32 $0x0, s20;
	[sflag:s22] =	ssyncset.done $0x0  }
0xa0: {  	[sflag:s22] =	ssyncadd.s32 s3;
	_ =	sdelay $0x1  }
0xa1: {  	s23 =	simm.s32 $0x1B8B  }
0xa2: {  	_ =	swait.ge [sflag:s23], $0x1  }
0xa3: {  	[sflag:s23] =	ssyncset.done $0x0  }
0xa4: {  	s25 =	simm.s32 $0x1B8E;
	s24 =	sld [smem:$0x3FFE];
	[sflag:s23] =	ssyncadd.s32 $0xFFFFFFFF  }
0xa5: {  	s26 =	simm.s32 $execute0_lowered;
	[smem:$0x3FD2] =	sst s25  }
0xa6: {  	s4 =	sshll.u32 s26, $0x1;
	_ =	strace $0x80000046;
	[dreg:$0x1] =	wrdreg $0xFFFFFFFF  }
0xa7: {  	s28 =	simm.s32 $_size_execute0_lowered;
	s2 =	sadd.s32 s2, s4;
	[dreg:$0x0] =	wrdreg $0x0  }
0xa8: {  	s4 =	sshll.u32 s28, $0x1;
	[dreg:$0x2] =	wrdreg s2  }
0xa9: {  	[dreg:$0x3] =	wrdreg s4  }
0xaa: {  	[dreg:$0x4] =	wrdreg $0xC0  }
0xab: {  	_ =	task [dreg:s6], $0x5FFFF  }
0xac: {  	[dreg:$0x1] =	wrdreg $0xFFFFFFFF  }
0xad: {  	[dreg:$0x0] =	wrdreg $0x60  }
0xae: {  	[dreg:$0x2] =	wrdreg s24  }
0xaf: {  	[dreg:$0x3] =	wrdreg $0x9  }
0xb0: {  	_ =	task.clear_ibuf [dreg:s6], $0x4FFFF;
	_ =	strace $0x90000046  }
0xb1: {  	s29 =	simm.s32 $0x9;
	_ =	strace $0x80000048  }
0xb2: {  	_ =	swait.ge [sflag:s29], $0x1  }
0xb3: {  	[sflag:s29] =	ssyncadd.s32 $0xFFFFFFFF  }
0xb4: {  	_ =	strace $0x90000048  }
0xb5: {  	_ =	sfence  }
0xb6: {  	s30 =	sld [smem:$0x0];
	_ =	sdelay $0x2  }
0xb7: {  	s31 =	sshll.u32 s1, $0xD;
	s1 =	sshrl.u32 s1, $0x2  }
0xb8: {  	s3 =	sand.u32 $0x4000, s31;
	s1 =	sadd.s32 s1, s30  }
0xb9: {  	s0 =	sor.u32 s3, s0;
	s1 =	sshll.u32 s1, $0x11  }
0xba: {  	s0 =	sor.u32 s1, s0  }
0xbb: {  	s0 =	sadd.s32 $0x8F2B, s0  }
0xbc: {  	[sflag:s0] =	ssyncadd.remote.s32 $0x1  }
0xbd: {  	_ =	sfence.sel $0xFFFF  }
0xbe: {  	[dreg:$0x0] =	wrdreg $0xFFFFFFFF;
	(pc) =	sbr.abs _section_cstart, $3  }
0xbf: {  	[dreg:$0x1] =	wrdreg $0xFFFFFFFF  }
0xc0: {  	_ =	task.clear_ibuf [dreg:s6], $0x2FFFF;
	_ =	strace $0x9FFFFFFF  }
0xc1: {  	(tm) =	ssettm $0x7FFFFFFF  }
tec
execute0_lowered:
.L_overlay_start_1:
0x0: {  	(tag) =	ssettag $0x1  }
0x1: {  	s0 =	rddreg [dreg:$0x0];
	s2 =	simm.s32 $0x0;
	s1 =	srdreg.scid  }
0x2: {  	s3 =	stileid.u32;
	s10 =	simm.s32 $0x80;
	s12 =	simm.s32 $0x48  }
0x3: {  	s17 =	simm.s32 $0xF100;
	s18 =	simm.s32 $0x190;
	s19 =	simm.s32 $0xFA00  }
0x4: {  	s20 =	simm.s32 $0x210;
	s21 =	simm.s32 $0x10A00;
	s22 =	simm.s32 $0x258  }
0x5: {  	s23 =	simm.s32 $0x11300;
	s24 =	simm.s32 $0x2D8;
	s28 =	simm.s32 $0x2  }
0x6: {  	s29 =	simm.s32 $0x3;
	s30 =	simm.s32 $0x4;
	s31 =	simm.s32 $0x12C00  }
0x7: {  	[smem:$0x7FF] =	sst s2;
	s1 =	sand.u32 $0x1, s1;
	s6 =	sadd.s32 $0xE00, s0  }
0x8: {  	s4 =	sshll.u32 s3, $0xA;
	s3 =	sadd.s32 $0xF43200, s0;
	s5 =	sshll.u32 s1, $0x9  }
0x9: {  	s0 =	sadd.s32 $0x64E00, s0;
	s1 =	ssub.s32 $0x2, s1;
	s5 =	sor.u32 s5, s4  }
0xa: {  	_ =	strace $0x80000047;
	s25 =	sshrl.u32 s1, $0x1;
	s7 =	smul.u32 $0x19, s5  }
.Ltmp0:
0xb: {  	s8 =	sor.u32 $0x100, s5;
	s1 =	ssub.s32 s1, s25;
	(pc) =	sbr.rel .LBB2_1-.Ltmp0, $4  }
0xc: {  	s5 =	sshll.u32 s5, $0x2;
	s25 =	simm.s32 $0x12300;
	s9 =	smul.u32 $0x19, s8  }
0xd: {  	s26 =	sshll.u32 s8, $0x2;
	s5 =	sadd.s32 s0, s5;
	s8 =	smax.u32 s1, $0x1  }
0xe: {  	s4 =	sadd.s32 s6, s7;
	s7 =	sadd.s32 s0, s26;
	s26 =	simm.s32 $0x1  }
0xf: {  	s0 =	simm.s32 $0x0;
	s6 =	sadd.s32 s6, s9;
	s9 =	simm.s32 $0x5  }
.LBB2_23:
0x10: {  	s0 =	sadd.s32 $0x1, s0  }
0x11: {  	p0 =	sne.s32 s0, s8  }
.Ltmp1:
0x12: {  	_ = 	snop;
	(pc) =	sbr.rel @!p0 .LBB2_24-.Ltmp1, $4  }
0x13: {  	[hbm4b:s7+s2] =	stream.linear.scatter [tilespmem:s31], [sflag:$0x5], $0x2000, $0x38;
	[tilespmem:$0x14C00] =	vst v63  }
0x14: {  	_ =	swait.ge [sflag:s9], $0x2000  }
0x15: {  	[sflag:s9] =	ssyncset.done $0x0  }
0x16: {  	[sflag:s9] =	ssyncadd.s32 $0xFFFFE000  }
.LBB2_1:
0x17: {  	[tilespmem:s2], [sflag:$0x5] =	stream.linear.gather [hbm4b:s4+s2], $0xC800, $0x38;
	[tilespmem:$0x14C00] =	vst v63  }
0x18: {  	_ =	swait.ge [sflag:s9], $0xC800  }
0x19: {  	[sflag:s9] =	ssyncset.done $0x0  }
0x1a: {  	s1 =	simm.s32 $0xC800;
	[sflag:s9] =	ssyncadd.s32 $0xFFFF3800  }
0x1b: {  	[tilespmem:s1], [sflag:$0x1] =	stream.indirect.gather [hbm4b:s3+s10], $0x20, s2, s10, $0xb8;
	[tilespmem:$0x14C00] =	vst v63  }
0x1c: {  	s14 =	simm.s32 $0xD800  }
0x1d: {  	[tilespmem:s14], [sflag:$0x1] =	stream.indirect.gather [hbm4b:s3+s12], $0x20, s10, s12, $0xb8;
	[tilespmem:$0x14C00] =	vst v63  }
0x1e: {  	s15 =	simm.s32 $0xC8;
	s11 =	simm.s32 $0xE100  }
0x1f: {  	[tilespmem:s11], [sflag:$0x2] =	stream.indirect.gather [hbm4b:s3+s10], $0x20, s15, s10, $0xb8;
	[tilespmem:$0x14C00] =	vst v63  }
0x20: {  	s16 =	simm.s32 $0x148  }
0x21: {  	[tilespmem:s17], [sflag:$0x2] =	stream.indirect.gather [hbm4b:s3+s12], $0x20, s16, s12, $0xb8;
	[tilespmem:$0x14C00] =	vst v63  }
0x22: {  	_ = 	snop  }
0x23: {  	[tilespmem:s19], [sflag:$0x3] =	stream.indirect.gather [hbm4b:s3+s10], $0x20, s18, s10, $0xb8;
	[tilespmem:$0x14C00] =	vst v63  }
0x24: {  	_ = 	snop  }
0x25: {  	[tilespmem:s21], [sflag:$0x3] =	stream.indirect.gather [hbm4b:s3+s12], $0x20, s20, s12, $0xb8;
	[tilespmem:$0x14C00] =	vst v63  }
0x26: {  	_ = 	snop  }
0x27: {  	[tilespmem:s23], [sflag:$0x4] =	stream.indirect.gather [hbm4b:s3+s10], $0x20, s22, s10, $0xb8;
	[tilespmem:$0x14C00] =	vst v63  }
0x28: {  	s1 =	simm.s32 $0x0  }
0x29: {  	[tilespmem:s25], [sflag:$0x4] =	stream.indirect.gather [hbm4b:s3+s12], $0x20, s24, s12, $0xb8;
	[tilespmem:$0x14C00] =	vst v63  }
.LBB2_2:
0x2a: {  	_ =	swait.ge [sflag:s26], $0x1000  }
0x2b: {  	[sflag:s26] =	ssyncset.done $0x0  }
0x2c: {  	[sflag:s26] =	ssyncadd.s32 $0xFFFFF000  }
0x2d: {  	_ =	swait.ge [sflag:s26], $0x900  }
0x2e: {  	[sflag:s26] =	ssyncset.done $0x0  }
0x2f: {  	s13 =	simm.s32 $0xC880;
	[sflag:s26] =	ssyncadd.s32 $0xFFFFF700  }
0x30: {  	v0 =	vld [tilespmem:s13+$0xFFFFFF80]  }
0x31: {  	v1 =	vld [tilespmem:s13+$0xFFFFFF90]  }
0x32: {  	v2 =	vld [tilespmem:s13+$0xFFFFFFA0]  }
0x33: {  	v3 =	vld [tilespmem:s13+$0xFFFFFFB0]  }
0x34: {  	v4 =	vld [tilespmem:s13+$0xFFFFFFC0]  }
0x35: {  	v6 =	vimm.f32 $0.0e+00;
	v5 =	vld [tilespmem:s13+$0xFFFFFFD0]  }
0x36: {  	v7 =	vld [tilespmem:s13+$0xFFFFFFE0];
	v0 =	vadd.f32 v0, v6;
	v1 =	vadd.f32 v1, v6  }
0x37: {  	v6 =	vld [tilespmem:s13+$0xFFFFFFF0]  }
0x38: {  	v8 =	vld [tilespmem:s13+$0x0];
	v2 =	vadd.f32 v2, v0;
	v1 =	vadd.f32 v3, v1  }
0x39: {  	v9 =	vld [tilespmem:s13+$0x10]  }
0x3a: {  	v0 =	vld [tilespmem:s13+$0x20];
	v2 =	vadd.f32 v4, v2;
	v4 =	vadd.f32 v5, v1  }
0x3b: {  	v3 =	vld [tilespmem:s13+$0x30]  }
0x3c: {  	v1 =	vld [tilespmem:s13+$0x40];
	v5 =	vadd.f32 v7, v2;
	v7 =	vadd.f32 v6, v4  }
0x3d: {  	v4 =	vld [tilespmem:s13+$0x50]  }
0x3e: {  	v2 =	vld [tilespmem:s13+$0x60];
	v6 =	vadd.f32 v8, v5;
	v7 =	vadd.f32 v9, v7  }
0x3f: {  	s11 =	simm.s32 $0x0;
	v5 =	vld [tilespmem:s13+$0x70];
	s13 =	simm.s32 $0xC980  }
.LBB2_3:
0x40: {  	v8 =	vld [tilespmem:s13+$0xFFFFFF80];
	v0 =	vadd.f32 v0, v6;
	v3 =	vadd.f32 v3, v7  }
0x41: {  	s11 =	sadd.s32 $0x8, s11;
	v6 =	vld [tilespmem:s13+$0xFFFFFF90]  }
0x42: {  	p0 =	slt.u32 s11, $0xC0;
	v7 =	vld [tilespmem:s13+$0xFFFFFFA0];
	v0 =	vadd.f32 v1, v0;
	v1 =	vadd.f32 v4, v3  }
0x43: {  	v3 =	vld [tilespmem:s13+$0xFFFFFFB0]  }
0x44: {  	v4 =	vld [tilespmem:s13+$0xFFFFFFC0];
	v0 =	vadd.f32 v2, v0;
	v1 =	vadd.f32 v5, v1  }
0x45: {  	v2 =	vld [tilespmem:s13+$0xFFFFFFD0]  }
0x46: {  	v0 =	vadd.f32 v8, v0;
	v1 =	vadd.f32 v6, v1;
	v5 =	vld [tilespmem:s13+$0xFFFFFFE0]  }
0x47: {  	v6 =	vld [tilespmem:s13+$0xFFFFFFF0]  }
0x48: {  	v0 =	vadd.f32 v7, v0;
	v1 =	vadd.f32 v3, v1;
	v7 =	vld [tilespmem:s13+$0x0]  }
0x49: {  	v8 =	vld [tilespmem:s13+$0x10]  }
0x4a: {  	v4 =	vadd.f32 v4, v0;
	v1 =	vadd.f32 v2, v1;
	v0 =	vld [tilespmem:s13+$0x20]  }
.Ltmp2:
0x4b: {  	v3 =	vld [tilespmem:s13+$0x30];
	(pc) =	sbr.rel @p0 .LBB2_3-.Ltmp2, $4  }
0x4c: {  	v2 =	vadd.f32 v5, v4;
	v5 =	vadd.f32 v6, v1;
	v1 =	vld [tilespmem:s13+$0x40]  }
0x4d: {  	v4 =	vld [tilespmem:s13+$0x50]  }
0x4e: {  	v6 =	vadd.f32 v7, v2;
	v7 =	vadd.f32 v8, v5;
	v2 =	vld [tilespmem:s13+$0x60]  }
0x4f: {  	v5 =	vld [tilespmem:s13+$0x70];
	s13 =	sadd.s32 $0x100, s13  }
0x50: {  	v0 =	vadd.f32 v0, v6  }
0x51: {  	v3 =	vadd.f32 v3, v7  }
0x52: {  	v0 =	vadd.f32 v1, v0  }
0x53: {  	v1 =	vadd.f32 v4, v3  }
0x54: {  	v0 =	vadd.f32 v2, v0  }
0x55: {  	p0 =	seq.s32 s1, $0x3F;
	v1 =	vadd.f32 v5, v1  }
0x56: {  	s11 =	sshll.u32 s1, $0x7;
	s13 =	smul.u32 @!p0 $0xC80, s1;
	v0 =	vmul.f32 $4.999999890e-03, v0  }
0x57: {  	s11 =	sand.u32 $0x3FFFFF80, s11;
	v1 =	vmul.f32 $4.999999890e-03, v1  }
0x58: {  	s13 =	sshra.s32 @!p0 s13, $0x2;
	[tilespmem:s11+$0x12C00] =	vst v0  }
0x59: {  	s15 =	simm.s32 @!p0 $0x80;
	s16 =	simm.s32 @!p0 $0xC800;
	s14 =	sadd.s32 @!p0 $0x320, s13;
	[tilespmem:s11+$0x12C10] =	vst v1  }
0x5a: {  	[tilespmem:s16], [sflag:$0x1] =	stream.indirect.gather @!p0 [hbm4b:s3+s15], $0x20, s14, s15, $0xb8;
	[tilespmem:$0x14C00] =	vst v63  }
0x5b: {  	s14 =	sadd.s32 @!p0 $0x3A0, s13;
	s15 =	simm.s32 @!p0 $0x48;
	s16 =	simm.s32 @!p0 $0xD800  }
0x5c: {  	[tilespmem:s16], [sflag:$0x1] =	stream.indirect.gather @!p0 [hbm4b:s3+s15], $0x20, s14, s15, $0xb8;
	[tilespmem:$0x14C00] =	vst v63  }
0x5d: {  	_ =	swait.ge [sflag:s28], $0x1000  }
0x5e: {  	[sflag:s28] =	ssyncset.done $0x0  }
0x5f: {  	[sflag:s28] =	ssyncadd.s32 $0xFFFFF000  }
0x60: {  	_ =	swait.ge [sflag:s28], $0x900  }
0x61: {  	[sflag:s28] =	ssyncset.done $0x0  }
0x62: {  	s16 =	simm.s32 $0xE1F0;
	[sflag:s28] =	ssyncadd.s32 $0xFFFFF700  }
0x63: {  	v0 =	vld [tilespmem:s16+$0xFFFFFF10]  }
0x64: {  	v1 =	vld [tilespmem:s16+$0xFFFFFF20]  }
0x65: {  	v2 =	vld [tilespmem:s16+$0xFFFFFF30]  }
0x66: {  	v3 =	vld [tilespmem:s16+$0xFFFFFF40]  }
0x67: {  	v4 =	vld [tilespmem:s16+$0xFFFFFF50]  }
0x68: {  	v6 =	vimm.f32 $0.0e+00;
	v5 =	vld [tilespmem:s16+$0xFFFFFF60]  }
0x69: {  	v7 =	vld [tilespmem:s16+$0xFFFFFF70];
	v0 =	vadd.f32 v0, v6;
	v1 =	vadd.f32 v1, v6  }
0x6a: {  	v6 =	vld [tilespmem:s16+$0xFFFFFF80]  }
0x6b: {  	v8 =	vld [tilespmem:s16+$0xFFFFFF90];
	v2 =	vadd.f32 v2, v0;
	v1 =	vadd.f32 v3, v1  }
0x6c: {  	v9 =	vld [tilespmem:s16+$0xFFFFFFA0]  }
0x6d: {  	v0 =	vld [tilespmem:s16+$0xFFFFFFB0];
	v2 =	vadd.f32 v4, v2;
	v4 =	vadd.f32 v5, v1  }
0x6e: {  	v3 =	vld [tilespmem:s16+$0xFFFFFFC0]  }
0x6f: {  	v1 =	vld [tilespmem:s16+$0xFFFFFFD0];
	v5 =	vadd.f32 v7, v2;
	v7 =	vadd.f32 v6, v4  }
0x70: {  	v4 =	vld [tilespmem:s16+$0xFFFFFFE0]  }
0x71: {  	v2 =	vld [tilespmem:s16+$0xFFFFFFF0];
	v6 =	vadd.f32 v8, v5;
	v7 =	vadd.f32 v9, v7  }
0x72: {  	s14 =	simm.s32 $0x0;
	s15 =	simm.s32 $0xE2F0;
	v5 =	vld [tilespmem:s16+$0x0]  }
.LBB2_5:
0x73: {  	v8 =	vld [tilespmem:s15+$0xFFFFFF10];
	v0 =	vadd.f32 v0, v6;
	v3 =	vadd.f32 v3, v7  }
0x74: {  	s14 =	sadd.s32 $0x8, s14;
	v6 =	vld [tilespmem:s15+$0xFFFFFF20]  }
0x75: {  	p1 =	slt.u32 s14, $0xC0;
	v7 =	vld [tilespmem:s15+$0xFFFFFF30];
	v0 =	vadd.f32 v1, v0;
	v1 =	vadd.f32 v4, v3  }
0x76: {  	v3 =	vld [tilespmem:s15+$0xFFFFFF40]  }
0x77: {  	v4 =	vld [tilespmem:s15+$0xFFFFFF50];
	v0 =	vadd.f32 v2, v0;
	v1 =	vadd.f32 v5, v1  }
0x78: {  	v2 =	vld [tilespmem:s15+$0xFFFFFF60]  }
0x79: {  	v0 =	vadd.f32 v8, v0;
	v1 =	vadd.f32 v6, v1;
	v5 =	vld [tilespmem:s15+$0xFFFFFF70]  }
0x7a: {  	v6 =	vld [tilespmem:s15+$0xFFFFFF80]  }
0x7b: {  	v0 =	vadd.f32 v7, v0;
	v1 =	vadd.f32 v3, v1;
	v7 =	vld [tilespmem:s15+$0xFFFFFF90]  }
0x7c: {  	v8 =	vld [tilespmem:s15+$0xFFFFFFA0]  }
0x7d: {  	v4 =	vadd.f32 v4, v0;
	v1 =	vadd.f32 v2, v1;
	v0 =	vld [tilespmem:s15+$0xFFFFFFB0]  }
.Ltmp3:
0x7e: {  	v3 =	vld [tilespmem:s15+$0xFFFFFFC0];
	(pc) =	sbr.rel @p1 .LBB2_5-.Ltmp3, $4  }
0x7f: {  	v2 =	vadd.f32 v5, v4;
	v5 =	vadd.f32 v6, v1;
	v1 =	vld [tilespmem:s15+$0xFFFFFFD0]  }
0x80: {  	v4 =	vld [tilespmem:s15+$0xFFFFFFE0]  }
0x81: {  	v6 =	vadd.f32 v7, v2;
	v7 =	vadd.f32 v8, v5;
	v2 =	vld [tilespmem:s15+$0xFFFFFFF0]  }
0x82: {  	v5 =	vld [tilespmem:s15+$0x0];
	s15 =	sadd.s32 $0x100, s15  }
0x83: {  	v0 =	vadd.f32 v0, v6  }
0x84: {  	v3 =	vadd.f32 v3, v7  }
0x85: {  	v0 =	vadd.f32 v1, v0  }
0x86: {  	v1 =	vadd.f32 v4, v3  }
0x87: {  	v0 =	vadd.f32 v2, v0  }
0x88: {  	v1 =	vadd.f32 v5, v1  }
0x89: {  	v0 =	vmul.f32 $4.999999890e-03, v0  }
0x8a: {  	v1 =	vmul.f32 $4.999999890e-03, v1  }
0x8b: {  	[tilespmem:s11+$0x12C20] =	vst v0  }
0x8c: {  	s14 =	sadd.s32 @!p0 $0x3E8, s13;
	s15 =	simm.s32 @!p0 $0x80;
	s16 =	simm.s32 @!p0 $0xE100;
	[tilespmem:s11+$0x12C30] =	vst v1  }
0x8d: {  	[tilespmem:s16], [sflag:$0x2] =	stream.indirect.gather @!p0 [hbm4b:s3+s15], $0x20, s14, s15, $0xb8;
	[tilespmem:$0x14C00] =	vst v63  }
0x8e: {  	s14 =	sadd.s32 @!p0 $0x468, s13;
	s15 =	simm.s32 @!p0 $0x48;
	s16 =	simm.s32 @!p0 $0xF100  }
0x8f: {  	[tilespmem:s16], [sflag:$0x2] =	stream.indirect.gather @!p0 [hbm4b:s3+s15], $0x20, s14, s15, $0xb8;
	[tilespmem:$0x14C00] =	vst v63  }
0x90: {  	_ =	swait.ge [sflag:s29], $0x1000  }
0x91: {  	[sflag:s29] =	ssyncset.done $0x0  }
0x92: {  	[sflag:s29] =	ssyncadd.s32 $0xFFFFF000  }
0x93: {  	_ =	swait.ge [sflag:s29], $0x900  }
0x94: {  	[sflag:s29] =	ssyncset.done $0x0  }
0x95: {  	s16 =	simm.s32 $0xFAF0;
	[sflag:s29] =	ssyncadd.s32 $0xFFFFF700  }
0x96: {  	v0 =	vld [tilespmem:s16+$0xFFFFFF10]  }
0x97: {  	v1 =	vld [tilespmem:s16+$0xFFFFFF20]  }
0x98: {  	v2 =	vld [tilespmem:s16+$0xFFFFFF30]  }
0x99: {  	v3 =	vld [tilespmem:s16+$0xFFFFFF40]  }
0x9a: {  	v4 =	vld [tilespmem:s16+$0xFFFFFF50]  }
0x9b: {  	v6 =	vimm.f32 $0.0e+00;
	v5 =	vld [tilespmem:s16+$0xFFFFFF60]  }
0x9c: {  	v7 =	vld [tilespmem:s16+$0xFFFFFF70];
	v0 =	vadd.f32 v0, v6;
	v1 =	vadd.f32 v1, v6  }
0x9d: {  	v6 =	vld [tilespmem:s16+$0xFFFFFF80]  }
0x9e: {  	v8 =	vld [tilespmem:s16+$0xFFFFFF90];
	v2 =	vadd.f32 v2, v0;
	v1 =	vadd.f32 v3, v1  }
0x9f: {  	v9 =	vld [tilespmem:s16+$0xFFFFFFA0]  }
0xa0: {  	v0 =	vld [tilespmem:s16+$0xFFFFFFB0];
	v2 =	vadd.f32 v4, v2;
	v4 =	vadd.f32 v5, v1  }
0xa1: {  	v3 =	vld [tilespmem:s16+$0xFFFFFFC0]  }
0xa2: {  	v1 =	vld [tilespmem:s16+$0xFFFFFFD0];
	v5 =	vadd.f32 v7, v2;
	v7 =	vadd.f32 v6, v4  }
0xa3: {  	v4 =	vld [tilespmem:s16+$0xFFFFFFE0]  }
0xa4: {  	v2 =	vld [tilespmem:s16+$0xFFFFFFF0];
	v6 =	vadd.f32 v8, v5;
	v7 =	vadd.f32 v9, v7  }
0xa5: {  	s14 =	simm.s32 $0x0;
	s15 =	simm.s32 $0xFBF0;
	v5 =	vld [tilespmem:s16+$0x0]  }
.LBB2_7:
0xa6: {  	v8 =	vld [tilespmem:s15+$0xFFFFFF10];
	v0 =	vadd.f32 v0, v6;
	v3 =	vadd.f32 v3, v7  }
0xa7: {  	s14 =	sadd.s32 $0x8, s14;
	v6 =	vld [tilespmem:s15+$0xFFFFFF20]  }
0xa8: {  	p1 =	slt.u32 s14, $0xC0;
	v7 =	vld [tilespmem:s15+$0xFFFFFF30];
	v0 =	vadd.f32 v1, v0;
	v1 =	vadd.f32 v4, v3  }
0xa9: {  	v3 =	vld [tilespmem:s15+$0xFFFFFF40]  }
0xaa: {  	v4 =	vld [tilespmem:s15+$0xFFFFFF50];
	v0 =	vadd.f32 v2, v0;
	v1 =	vadd.f32 v5, v1  }
0xab: {  	v2 =	vld [tilespmem:s15+$0xFFFFFF60]  }
0xac: {  	v0 =	vadd.f32 v8, v0;
	v1 =	vadd.f32 v6, v1;
	v5 =	vld [tilespmem:s15+$0xFFFFFF70]  }
0xad: {  	v6 =	vld [tilespmem:s15+$0xFFFFFF80]  }
0xae: {  	v0 =	vadd.f32 v7, v0;
	v1 =	vadd.f32 v3, v1;
	v7 =	vld [tilespmem:s15+$0xFFFFFF90]  }
0xaf: {  	v8 =	vld [tilespmem:s15+$0xFFFFFFA0]  }
0xb0: {  	v4 =	vadd.f32 v4, v0;
	v1 =	vadd.f32 v2, v1;
	v0 =	vld [tilespmem:s15+$0xFFFFFFB0]  }
.Ltmp4:
0xb1: {  	v3 =	vld [tilespmem:s15+$0xFFFFFFC0];
	(pc) =	sbr.rel @p1 .LBB2_7-.Ltmp4, $4  }
0xb2: {  	v2 =	vadd.f32 v5, v4;
	v5 =	vadd.f32 v6, v1;
	v1 =	vld [tilespmem:s15+$0xFFFFFFD0]  }
0xb3: {  	v4 =	vld [tilespmem:s15+$0xFFFFFFE0]  }
0xb4: {  	v6 =	vadd.f32 v7, v2;
	v7 =	vadd.f32 v8, v5;
	v2 =	vld [tilespmem:s15+$0xFFFFFFF0]  }
0xb5: {  	v5 =	vld [tilespmem:s15+$0x0];
	s15 =	sadd.s32 $0x100, s15  }
0xb6: {  	v0 =	vadd.f32 v0, v6  }
0xb7: {  	v3 =	vadd.f32 v3, v7  }
0xb8: {  	v0 =	vadd.f32 v1, v0  }
0xb9: {  	v1 =	vadd.f32 v4, v3  }
0xba: {  	v0 =	vadd.f32 v2, v0  }
0xbb: {  	v1 =	vadd.f32 v5, v1  }
0xbc: {  	v0 =	vmul.f32 $4.999999890e-03, v0  }
0xbd: {  	v1 =	vmul.f32 $4.999999890e-03, v1  }
0xbe: {  	[tilespmem:s11+$0x12C40] =	vst v0  }
0xbf: {  	s14 =	sadd.s32 @!p0 $0x4B0, s13;
	s15 =	simm.s32 @!p0 $0x80;
	s16 =	simm.s32 @!p0 $0xFA00;
	[tilespmem:s11+$0x12C50] =	vst v1  }
0xc0: {  	[tilespmem:s16], [sflag:$0x3] =	stream.indirect.gather @!p0 [hbm4b:s3+s15], $0x20, s14, s15, $0xb8;
	[tilespmem:$0x14C00] =	vst v63  }
0xc1: {  	s13 =	sadd.s32 @!p0 $0x530, s13;
	s14 =	simm.s32 @!p0 $0x48;
	s15 =	simm.s32 @!p0 $0x10A00  }
0xc2: {  	[tilespmem:s15], [sflag:$0x3] =	stream.indirect.gather @!p0 [hbm4b:s3+s14], $0x20, s13, s14, $0xb8;
	[tilespmem:$0x14C00] =	vst v63  }
0xc3: {  	_ =	swait.ge [sflag:s30], $0x1000  }
0xc4: {  	[sflag:s30] =	ssyncset.done $0x0  }
0xc5: {  	[sflag:s30] =	ssyncadd.s32 $0xFFFFF000  }
0xc6: {  	_ =	swait.ge [sflag:s30], $0x900  }
0xc7: {  	[sflag:s30] =	ssyncset.done $0x0  }
0xc8: {  	s16 =	simm.s32 $0x11300;
	[sflag:s30] =	ssyncadd.s32 $0xFFFFF700  }
0xc9: {  	v0 =	vld [tilespmem:s16+$0x0]  }
0xca: {  	v1 =	vld [tilespmem:s16+$0x10]  }
0xcb: {  	v2 =	vld [tilespmem:s16+$0x20]  }
0xcc: {  	v3 =	vld [tilespmem:s16+$0x30]  }
0xcd: {  	v4 =	vld [tilespmem:s16+$0x40]  }
0xce: {  	v6 =	vimm.f32 $0.0e+00;
	v5 =	vld [tilespmem:s16+$0x50]  }
0xcf: {  	v7 =	vld [tilespmem:s16+$0x60];
	v0 =	vadd.f32 v0, v6;
	v1 =	vadd.f32 v1, v6  }
0xd0: {  	v6 =	vld [tilespmem:s16+$0x70]  }
0xd1: {  	v8 =	vld [tilespmem:s16+$0x80];
	v2 =	vadd.f32 v2, v0;
	v1 =	vadd.f32 v3, v1  }
0xd2: {  	v9 =	vld [tilespmem:s16+$0x90]  }
0xd3: {  	v0 =	vld [tilespmem:s16+$0xA0];
	v2 =	vadd.f32 v4, v2;
	v4 =	vadd.f32 v5, v1  }
0xd4: {  	v3 =	vld [tilespmem:s16+$0xB0]  }
0xd5: {  	v1 =	vld [tilespmem:s16+$0xC0];
	v5 =	vadd.f32 v7, v2;
	v7 =	vadd.f32 v6, v4  }
0xd6: {  	v4 =	vld [tilespmem:s16+$0xD0]  }
0xd7: {  	v2 =	vld [tilespmem:s16+$0xE0];
	v6 =	vadd.f32 v8, v5;
	v7 =	vadd.f32 v9, v7  }
0xd8: {  	s13 =	simm.s32 $0x0;
	s14 =	simm.s32 $0x11400;
	v5 =	vld [tilespmem:s16+$0xF0]  }
.LBB2_9:
0xd9: {  	v8 =	vld [tilespmem:s14+$0x0];
	v0 =	vadd.f32 v0, v6;
	v3 =	vadd.f32 v3, v7  }
0xda: {  	s13 =	sadd.s32 $0x8, s13;
	v6 =	vld [tilespmem:s14+$0x10]  }
0xdb: {  	p1 =	slt.u32 s13, $0xC0;
	v7 =	vld [tilespmem:s14+$0x20];
	v0 =	vadd.f32 v1, v0;
	v1 =	vadd.f32 v4, v3  }
0xdc: {  	v3 =	vld [tilespmem:s14+$0x30]  }
0xdd: {  	v4 =	vld [tilespmem:s14+$0x40];
	v0 =	vadd.f32 v2, v0;
	v1 =	vadd.f32 v5, v1  }
0xde: {  	v2 =	vld [tilespmem:s14+$0x50]  }
0xdf: {  	v0 =	vadd.f32 v8, v0;
	v1 =	vadd.f32 v6, v1;
	v5 =	vld [tilespmem:s14+$0x60]  }
0xe0: {  	v6 =	vld [tilespmem:s14+$0x70]  }
0xe1: {  	v0 =	vadd.f32 v7, v0;
	v1 =	vadd.f32 v3, v1;
	v7 =	vld [tilespmem:s14+$0x80]  }
0xe2: {  	v8 =	vld [tilespmem:s14+$0x90]  }
0xe3: {  	v4 =	vadd.f32 v4, v0;
	v1 =	vadd.f32 v2, v1;
	v0 =	vld [tilespmem:s14+$0xA0]  }
.Ltmp5:
0xe4: {  	v3 =	vld [tilespmem:s14+$0xB0];
	(pc) =	sbr.rel @p1 .LBB2_9-.Ltmp5, $4  }
0xe5: {  	v2 =	vadd.f32 v5, v4;
	v5 =	vadd.f32 v6, v1;
	v1 =	vld [tilespmem:s14+$0xC0]  }
0xe6: {  	v4 =	vld [tilespmem:s14+$0xD0]  }
0xe7: {  	v6 =	vadd.f32 v7, v2;
	v7 =	vadd.f32 v8, v5;
	v2 =	vld [tilespmem:s14+$0xE0]  }
0xe8: {  	v5 =	vld [tilespmem:s14+$0xF0];
	s14 =	sadd.s32 $0x100, s14  }
0xe9: {  	v0 =	vadd.f32 v0, v6  }
0xea: {  	v3 =	vadd.f32 v3, v7  }
0xeb: {  	v0 =	vadd.f32 v1, v0  }
0xec: {  	v63 =	vadd.f32 v4, v3  }
0xed: {  	v0 =	vadd.f32 v2, v0  }
.Ltmp6:
0xee: {  	v1 =	vadd.f32 v5, v63;
	(pc) =	sbr.rel @p0 .LBB2_12-.Ltmp6, $4  }
0xef: {  	v0 =	vmul.f32 $4.999999890e-03, v0  }
0xf0: {  	v1 =	vmul.f32 $4.999999890e-03, v1  }
0xf1: {  	[tilespmem:s11+$0x12C60] =	vst v0  }
0xf2: {  	[tilespmem:s11+$0x12C70] =	vst v1  }
0xf3: {  	s11 =	smul.u32 $0xC80, s1;
	_ =	sdelay $0x1  }
.Ltmp7:
0xf4: {  	s11 =	sshra.s32 s11, $0x2;
	(pc) =	sbr.rel .LBB2_2-.Ltmp7, $4  }
0xf5: {  	s13 =	sadd.s32 $0x578, s11  }
0xf6: {  	[tilespmem:s23], [sflag:$0x4] =	stream.indirect.gather [hbm4b:s3+s10], $0x20, s13, s10, $0xb8;
	[tilespmem:$0x14C00] =	vst v63  }
0xf7: {  	s1 =	sadd.s32 $0x1, s1;
	s11 =	sadd.s32 $0x5F8, s11  }
0xf8: {  	[tilespmem:s25], [sflag:$0x4] =	stream.indirect.gather [hbm4b:s3+s12], $0x20, s11, s12, $0xb8;
	[tilespmem:$0x14C00] =	vst v63  }
.LBB2_12:
0xf9: {  	s1 =	simm.s32 $0x0  }
0xfa: {  	[hbm4b:s5+s1] =	stream.linear.scatter [tilespmem:s31], [sflag:$0x5], $0x2000, $0x38;
	[tilespmem:$0x14C00] =	vst v63  }
0xfb: {  	_ =	swait.ge [sflag:s9], $0x2000  }
0xfc: {  	[sflag:s9] =	ssyncset.done $0x0  }
0xfd: {  	[sflag:s9] =	ssyncadd.s32 $0xFFFFE000  }
0xfe: {  	[tilespmem:s1], [sflag:$0x5] =	stream.linear.gather [hbm4b:s6+s1], $0xC800, $0x38;
	[tilespmem:$0x14C00] =	vst v63  }
0xff: {  	_ =	swait.ge [sflag:s9], $0xC800  }
0x100: {  	[sflag:s9] =	ssyncset.done $0x0  }
0x101: {  	s11 =	simm.s32 $0xC800;
	[sflag:s9] =	ssyncadd.s32 $0xFFFF3800  }
0x102: {  	[tilespmem:s11], [sflag:$0x1] =	stream.indirect.gather [hbm4b:s3+s10], $0x20, s1, s10, $0xb8;
	[tilespmem:$0x14C00] =	vst v63  }
0x103: {  	s14 =	simm.s32 $0xD800  }
0x104: {  	[tilespmem:s14], [sflag:$0x1] =	stream.indirect.gather [hbm4b:s3+s12], $0x20, s10, s12, $0xb8;
	[tilespmem:$0x14C00] =	vst v63  }
0x105: {  	s15 =	simm.s32 $0xC8;
	s13 =	simm.s32 $0xE100  }
0x106: {  	[tilespmem:s13], [sflag:$0x2] =	stream.indirect.gather [hbm4b:s3+s10], $0x20, s15, s10, $0xb8;
	[tilespmem:$0x14C00] =	vst v63  }
0x107: {  	s16 =	simm.s32 $0x148  }
0x108: {  	[tilespmem:s17], [sflag:$0x2] =	stream.indirect.gather [hbm4b:s3+s12], $0x20, s16, s12, $0xb8;
	[tilespmem:$0x14C00] =	vst v63  }
0x109: {  	_ = 	snop  }
0x10a: {  	[tilespmem:s19], [sflag:$0x3] =	stream.indirect.gather [hbm4b:s3+s10], $0x20, s18, s10, $0xb8;
	[tilespmem:$0x14C00] =	vst v63  }
0x10b: {  	_ = 	snop  }
0x10c: {  	[tilespmem:s21], [sflag:$0x3] =	stream.indirect.gather [hbm4b:s3+s12], $0x20, s20, s12, $0xb8;
	[tilespmem:$0x14C00] =	vst v63  }
0x10d: {  	_ = 	snop  }
0x10e: {  	[tilespmem:s23], [sflag:$0x4] =	stream.indirect.gather [hbm4b:s3+s10], $0x20, s22, s10, $0xb8;
	[tilespmem:$0x14C00] =	vst v63  }
0x10f: {  	_ = 	snop  }
0x110: {  	[tilespmem:s25], [sflag:$0x4] =	stream.indirect.gather [hbm4b:s3+s12], $0x20, s24, s12, $0xb8;
	[tilespmem:$0x14C00] =	vst v63  }
.LBB2_13:
0x111: {  	_ =	swait.ge [sflag:s26], $0x1000  }
0x112: {  	[sflag:s26] =	ssyncset.done $0x0  }
0x113: {  	[sflag:s26] =	ssyncadd.s32 $0xFFFFF000  }
0x114: {  	_ =	swait.ge [sflag:s26], $0x900  }
0x115: {  	[sflag:s26] =	ssyncset.done $0x0  }
0x116: {  	s13 =	simm.s32 $0xC880;
	[sflag:s26] =	ssyncadd.s32 $0xFFFFF700  }
0x117: {  	v0 =	vld [tilespmem:s13+$0xFFFFFF80]  }
0x118: {  	v1 =	vld [tilespmem:s13+$0xFFFFFF90]  }
0x119: {  	v2 =	vld [tilespmem:s13+$0xFFFFFFA0]  }
0x11a: {  	v3 =	vld [tilespmem:s13+$0xFFFFFFB0]  }
0x11b: {  	v4 =	vld [tilespmem:s13+$0xFFFFFFC0]  }
0x11c: {  	v6 =	vimm.f32 $0.0e+00;
	v5 =	vld [tilespmem:s13+$0xFFFFFFD0]  }
0x11d: {  	v7 =	vld [tilespmem:s13+$0xFFFFFFE0];
	v0 =	vadd.f32 v0, v6;
	v1 =	vadd.f32 v1, v6  }
0x11e: {  	v6 =	vld [tilespmem:s13+$0xFFFFFFF0]  }
0x11f: {  	v8 =	vld [tilespmem:s13+$0x0];
	v2 =	vadd.f32 v2, v0;
	v1 =	vadd.f32 v3, v1  }
0x120: {  	v9 =	vld [tilespmem:s13+$0x10]  }
0x121: {  	v0 =	vld [tilespmem:s13+$0x20];
	v2 =	vadd.f32 v4, v2;
	v4 =	vadd.f32 v5, v1  }
0x122: {  	v3 =	vld [tilespmem:s13+$0x30]  }
0x123: {  	v1 =	vld [tilespmem:s13+$0x40];
	v5 =	vadd.f32 v7, v2;
	v7 =	vadd.f32 v6, v4  }
0x124: {  	v4 =	vld [tilespmem:s13+$0x50]  }
0x125: {  	v2 =	vld [tilespmem:s13+$0x60];
	v6 =	vadd.f32 v8, v5;
	v7 =	vadd.f32 v9, v7  }
0x126: {  	s11 =	simm.s32 $0x0;
	v5 =	vld [tilespmem:s13+$0x70];
	s13 =	simm.s32 $0xC980  }
.LBB2_14:
0x127: {  	v8 =	vld [tilespmem:s13+$0xFFFFFF80];
	v0 =	vadd.f32 v0, v6;
	v3 =	vadd.f32 v3, v7  }
0x128: {  	s11 =	sadd.s32 $0x8, s11;
	v6 =	vld [tilespmem:s13+$0xFFFFFF90]  }
0x129: {  	p0 =	slt.u32 s11, $0xC0;
	v7 =	vld [tilespmem:s13+$0xFFFFFFA0];
	v0 =	vadd.f32 v1, v0;
	v1 =	vadd.f32 v4, v3  }
0x12a: {  	v3 =	vld [tilespmem:s13+$0xFFFFFFB0]  }
0x12b: {  	v4 =	vld [tilespmem:s13+$0xFFFFFFC0];
	v0 =	vadd.f32 v2, v0;
	v1 =	vadd.f32 v5, v1  }
0x12c: {  	v2 =	vld [tilespmem:s13+$0xFFFFFFD0]  }
0x12d: {  	v0 =	vadd.f32 v8, v0;
	v1 =	vadd.f32 v6, v1;
	v5 =	vld [tilespmem:s13+$0xFFFFFFE0]  }
0x12e: {  	v6 =	vld [tilespmem:s13+$0xFFFFFFF0]  }
0x12f: {  	v0 =	vadd.f32 v7, v0;
	v1 =	vadd.f32 v3, v1;
	v7 =	vld [tilespmem:s13+$0x0]  }
0x130: {  	v8 =	vld [tilespmem:s13+$0x10]  }
0x131: {  	v4 =	vadd.f32 v4, v0;
	v1 =	vadd.f32 v2, v1;
	v0 =	vld [tilespmem:s13+$0x20]  }
.Ltmp8:
0x132: {  	v3 =	vld [tilespmem:s13+$0x30];
	(pc) =	sbr.rel @p0 .LBB2_14-.Ltmp8, $4  }
0x133: {  	v2 =	vadd.f32 v5, v4;
	v5 =	vadd.f32 v6, v1;
	v1 =	vld [tilespmem:s13+$0x40]  }
0x134: {  	v4 =	vld [tilespmem:s13+$0x50]  }
0x135: {  	v6 =	vadd.f32 v7, v2;
	v7 =	vadd.f32 v8, v5;
	v2 =	vld [tilespmem:s13+$0x60]  }
0x136: {  	v5 =	vld [tilespmem:s13+$0x70];
	s13 =	sadd.s32 $0x100, s13  }
0x137: {  	v0 =	vadd.f32 v0, v6  }
0x138: {  	v3 =	vadd.f32 v3, v7  }
0x139: {  	v0 =	vadd.f32 v1, v0  }
0x13a: {  	v1 =	vadd.f32 v4, v3  }
0x13b: {  	v0 =	vadd.f32 v2, v0  }
0x13c: {  	p0 =	seq.s32 s1, $0x3F;
	v1 =	vadd.f32 v5, v1  }
0x13d: {  	s11 =	sshll.u32 s1, $0x7;
	s13 =	smul.u32 @!p0 $0xC80, s1;
	v0 =	vmul.f32 $4.999999890e-03, v0  }
0x13e: {  	s11 =	sand.u32 $0x3FFFFF80, s11;
	v1 =	vmul.f32 $4.999999890e-03, v1  }
0x13f: {  	s13 =	sshra.s32 @!p0 s13, $0x2;
	[tilespmem:s11+$0x12C00] =	vst v0  }
0x140: {  	s15 =	simm.s32 @!p0 $0x80;
	s16 =	simm.s32 @!p0 $0xC800;
	s14 =	sadd.s32 @!p0 $0x320, s13;
	[tilespmem:s11+$0x12C10] =	vst v1  }
0x141: {  	[tilespmem:s16], [sflag:$0x1] =	stream.indirect.gather @!p0 [hbm4b:s3+s15], $0x20, s14, s15, $0xb8;
	[tilespmem:$0x14C00] =	vst v63  }
0x142: {  	s14 =	sadd.s32 @!p0 $0x3A0, s13;
	s15 =	simm.s32 @!p0 $0x48;
	s16 =	simm.s32 @!p0 $0xD800  }
0x143: {  	[tilespmem:s16], [sflag:$0x1] =	stream.indirect.gather @!p0 [hbm4b:s3+s15], $0x20, s14, s15, $0xb8;
	[tilespmem:$0x14C00] =	vst v63  }
0x144: {  	_ =	swait.ge [sflag:s28], $0x1000  }
0x145: {  	[sflag:s28] =	ssyncset.done $0x0  }
0x146: {  	[sflag:s28] =	ssyncadd.s32 $0xFFFFF000  }
0x147: {  	_ =	swait.ge [sflag:s28], $0x900  }
0x148: {  	[sflag:s28] =	ssyncset.done $0x0  }
0x149: {  	s16 =	simm.s32 $0xE1F0;
	[sflag:s28] =	ssyncadd.s32 $0xFFFFF700  }
0x14a: {  	v0 =	vld [tilespmem:s16+$0xFFFFFF10]  }
0x14b: {  	v1 =	vld [tilespmem:s16+$0xFFFFFF20]  }
0x14c: {  	v2 =	vld [tilespmem:s16+$0xFFFFFF30]  }
0x14d: {  	v3 =	vld [tilespmem:s16+$0xFFFFFF40]  }
0x14e: {  	v4 =	vld [tilespmem:s16+$0xFFFFFF50]  }
0x14f: {  	v6 =	vimm.f32 $0.0e+00;
	v5 =	vld [tilespmem:s16+$0xFFFFFF60]  }
0x150: {  	v7 =	vld [tilespmem:s16+$0xFFFFFF70];
	v0 =	vadd.f32 v0, v6;
	v1 =	vadd.f32 v1, v6  }
0x151: {  	v6 =	vld [tilespmem:s16+$0xFFFFFF80]  }
0x152: {  	v8 =	vld [tilespmem:s16+$0xFFFFFF90];
	v2 =	vadd.f32 v2, v0;
	v1 =	vadd.f32 v3, v1  }
0x153: {  	v9 =	vld [tilespmem:s16+$0xFFFFFFA0]  }
0x154: {  	v0 =	vld [tilespmem:s16+$0xFFFFFFB0];
	v2 =	vadd.f32 v4, v2;
	v4 =	vadd.f32 v5, v1  }
0x155: {  	v3 =	vld [tilespmem:s16+$0xFFFFFFC0]  }
0x156: {  	v1 =	vld [tilespmem:s16+$0xFFFFFFD0];
	v5 =	vadd.f32 v7, v2;
	v7 =	vadd.f32 v6, v4  }
0x157: {  	v4 =	vld [tilespmem:s16+$0xFFFFFFE0]  }
0x158: {  	v2 =	vld [tilespmem:s16+$0xFFFFFFF0];
	v6 =	vadd.f32 v8, v5;
	v7 =	vadd.f32 v9, v7  }
0x159: {  	s14 =	simm.s32 $0x0;
	s15 =	simm.s32 $0xE2F0;
	v5 =	vld [tilespmem:s16+$0x0]  }
.LBB2_16:
0x15a: {  	v8 =	vld [tilespmem:s15+$0xFFFFFF10];
	v0 =	vadd.f32 v0, v6;
	v3 =	vadd.f32 v3, v7  }
0x15b: {  	s14 =	sadd.s32 $0x8, s14;
	v6 =	vld [tilespmem:s15+$0xFFFFFF20]  }
0x15c: {  	p1 =	slt.u32 s14, $0xC0;
	v7 =	vld [tilespmem:s15+$0xFFFFFF30];
	v0 =	vadd.f32 v1, v0;
	v1 =	vadd.f32 v4, v3  }
0x15d: {  	v3 =	vld [tilespmem:s15+$0xFFFFFF40]  }
0x15e: {  	v4 =	vld [tilespmem:s15+$0xFFFFFF50];
	v0 =	vadd.f32 v2, v0;
	v1 =	vadd.f32 v5, v1  }
0x15f: {  	v2 =	vld [tilespmem:s15+$0xFFFFFF60]  }
0x160: {  	v0 =	vadd.f32 v8, v0;
	v1 =	vadd.f32 v6, v1;
	v5 =	vld [tilespmem:s15+$0xFFFFFF70]  }
0x161: {  	v6 =	vld [tilespmem:s15+$0xFFFFFF80]  }
0x162: {  	v0 =	vadd.f32 v7, v0;
	v1 =	vadd.f32 v3, v1;
	v7 =	vld [tilespmem:s15+$0xFFFFFF90]  }
0x163: {  	v8 =	vld [tilespmem:s15+$0xFFFFFFA0]  }
0x164: {  	v4 =	vadd.f32 v4, v0;
	v1 =	vadd.f32 v2, v1;
	v0 =	vld [tilespmem:s15+$0xFFFFFFB0]  }
.Ltmp9:
0x165: {  	v3 =	vld [tilespmem:s15+$0xFFFFFFC0];
	(pc) =	sbr.rel @p1 .LBB2_16-.Ltmp9, $4  }
0x166: {  	v2 =	vadd.f32 v5, v4;
	v5 =	vadd.f32 v6, v1;
	v1 =	vld [tilespmem:s15+$0xFFFFFFD0]  }
0x167: {  	v4 =	vld [tilespmem:s15+$0xFFFFFFE0]  }
0x168: {  	v6 =	vadd.f32 v7, v2;
	v7 =	vadd.f32 v8, v5;
	v2 =	vld [tilespmem:s15+$0xFFFFFFF0]  }
0x169: {  	v5 =	vld [tilespmem:s15+$0x0];
	s15 =	sadd.s32 $0x100, s15  }
0x16a: {  	v0 =	vadd.f32 v0, v6  }
0x16b: {  	v3 =	vadd.f32 v3, v7  }
0x16c: {  	v0 =	vadd.f32 v1, v0  }
0x16d: {  	v1 =	vadd.f32 v4, v3  }
0x16e: {  	v0 =	vadd.f32 v2, v0  }
0x16f: {  	v1 =	vadd.f32 v5, v1  }
0x170: {  	v0 =	vmul.f32 $4.999999890e-03, v0  }
0x171: {  	v1 =	vmul.f32 $4.999999890e-03, v1  }
0x172: {  	[tilespmem:s11+$0x12C20] =	vst v0  }
0x173: {  	s14 =	sadd.s32 @!p0 $0x3E8, s13;
	s15 =	simm.s32 @!p0 $0x80;
	s16 =	simm.s32 @!p0 $0xE100;
	[tilespmem:s11+$0x12C30] =	vst v1  }
0x174: {  	[tilespmem:s16], [sflag:$0x2] =	stream.indirect.gather @!p0 [hbm4b:s3+s15], $0x20, s14, s15, $0xb8;
	[tilespmem:$0x14C00] =	vst v63  }
0x175: {  	s14 =	sadd.s32 @!p0 $0x468, s13;
	s15 =	simm.s32 @!p0 $0x48;
	s16 =	simm.s32 @!p0 $0xF100  }
0x176: {  	[tilespmem:s16], [sflag:$0x2] =	stream.indirect.gather @!p0 [hbm4b:s3+s15], $0x20, s14, s15, $0xb8;
	[tilespmem:$0x14C00] =	vst v63  }
0x177: {  	_ =	swait.ge [sflag:s29], $0x1000  }
0x178: {  	[sflag:s29] =	ssyncset.done $0x0  }
0x179: {  	[sflag:s29] =	ssyncadd.s32 $0xFFFFF000  }
0x17a: {  	_ =	swait.ge [sflag:s29], $0x900  }
0x17b: {  	[sflag:s29] =	ssyncset.done $0x0  }
0x17c: {  	s16 =	simm.s32 $0xFAF0;
	[sflag:s29] =	ssyncadd.s32 $0xFFFFF700  }
0x17d: {  	v0 =	vld [tilespmem:s16+$0xFFFFFF10]  }
0x17e: {  	v1 =	vld [tilespmem:s16+$0xFFFFFF20]  }
0x17f: {  	v2 =	vld [tilespmem:s16+$0xFFFFFF30]  }
0x180: {  	v3 =	vld [tilespmem:s16+$0xFFFFFF40]  }
0x181: {  	v4 =	vld [tilespmem:s16+$0xFFFFFF50]  }
0x182: {  	v6 =	vimm.f32 $0.0e+00;
	v5 =	vld [tilespmem:s16+$0xFFFFFF60]  }
0x183: {  	v7 =	vld [tilespmem:s16+$0xFFFFFF70];
	v0 =	vadd.f32 v0, v6;
	v1 =	vadd.f32 v1, v6  }
0x184: {  	v6 =	vld [tilespmem:s16+$0xFFFFFF80]  }
0x185: {  	v8 =	vld [tilespmem:s16+$0xFFFFFF90];
	v2 =	vadd.f32 v2, v0;
	v1 =	vadd.f32 v3, v1  }
0x186: {  	v9 =	vld [tilespmem:s16+$0xFFFFFFA0]  }
0x187: {  	v0 =	vld [tilespmem:s16+$0xFFFFFFB0];
	v2 =	vadd.f32 v4, v2;
	v4 =	vadd.f32 v5, v1  }
0x188: {  	v3 =	vld [tilespmem:s16+$0xFFFFFFC0]  }
0x189: {  	v1 =	vld [tilespmem:s16+$0xFFFFFFD0];
	v5 =	vadd.f32 v7, v2;
	v7 =	vadd.f32 v6, v4  }
0x18a: {  	v4 =	vld [tilespmem:s16+$0xFFFFFFE0]  }
0x18b: {  	v2 =	vld [tilespmem:s16+$0xFFFFFFF0];
	v6 =	vadd.f32 v8, v5;
	v7 =	vadd.f32 v9, v7  }
0x18c: {  	s14 =	simm.s32 $0x0;
	s15 =	simm.s32 $0xFBF0;
	v5 =	vld [tilespmem:s16+$0x0]  }
.LBB2_18:
0x18d: {  	v8 =	vld [tilespmem:s15+$0xFFFFFF10];
	v0 =	vadd.f32 v0, v6;
	v3 =	vadd.f32 v3, v7  }
0x18e: {  	s14 =	sadd.s32 $0x8, s14;
	v6 =	vld [tilespmem:s15+$0xFFFFFF20]  }
0x18f: {  	p1 =	slt.u32 s14, $0xC0;
	v7 =	vld [tilespmem:s15+$0xFFFFFF30];
	v0 =	vadd.f32 v1, v0;
	v1 =	vadd.f32 v4, v3  }
0x190: {  	v3 =	vld [tilespmem:s15+$0xFFFFFF40]  }
0x191: {  	v4 =	vld [tilespmem:s15+$0xFFFFFF50];
	v0 =	vadd.f32 v2, v0;
	v1 =	vadd.f32 v5, v1  }
0x192: {  	v2 =	vld [tilespmem:s15+$0xFFFFFF60]  }
0x193: {  	v0 =	vadd.f32 v8, v0;
	v1 =	vadd.f32 v6, v1;
	v5 =	vld [tilespmem:s15+$0xFFFFFF70]  }
0x194: {  	v6 =	vld [tilespmem:s15+$0xFFFFFF80]  }
0x195: {  	v0 =	vadd.f32 v7, v0;
	v1 =	vadd.f32 v3, v1;
	v7 =	vld [tilespmem:s15+$0xFFFFFF90]  }
0x196: {  	v8 =	vld [tilespmem:s15+$0xFFFFFFA0]  }
0x197: {  	v4 =	vadd.f32 v4, v0;
	v1 =	vadd.f32 v2, v1;
	v0 =	vld [tilespmem:s15+$0xFFFFFFB0]  }
.Ltmp10:
0x198: {  	v3 =	vld [tilespmem:s15+$0xFFFFFFC0];
	(pc) =	sbr.rel @p1 .LBB2_18-.Ltmp10, $4  }
0x199: {  	v2 =	vadd.f32 v5, v4;
	v5 =	vadd.f32 v6, v1;
	v1 =	vld [tilespmem:s15+$0xFFFFFFD0]  }
0x19a: {  	v4 =	vld [tilespmem:s15+$0xFFFFFFE0]  }
0x19b: {  	v6 =	vadd.f32 v7, v2;
	v7 =	vadd.f32 v8, v5;
	v2 =	vld [tilespmem:s15+$0xFFFFFFF0]  }
0x19c: {  	v5 =	vld [tilespmem:s15+$0x0];
	s15 =	sadd.s32 $0x100, s15  }
0x19d: {  	v0 =	vadd.f32 v0, v6  }
0x19e: {  	v3 =	vadd.f32 v3, v7  }
0x19f: {  	v0 =	vadd.f32 v1, v0  }
0x1a0: {  	v1 =	vadd.f32 v4, v3  }
0x1a1: {  	v0 =	vadd.f32 v2, v0  }
0x1a2: {  	v1 =	vadd.f32 v5, v1  }
0x1a3: {  	v0 =	vmul.f32 $4.999999890e-03, v0  }
0x1a4: {  	v1 =	vmul.f32 $4.999999890e-03, v1  }
0x1a5: {  	[tilespmem:s11+$0x12C40] =	vst v0  }
0x1a6: {  	s14 =	sadd.s32 @!p0 $0x4B0, s13;
	s15 =	simm.s32 @!p0 $0x80;
	s16 =	simm.s32 @!p0 $0xFA00;
	[tilespmem:s11+$0x12C50] =	vst v1  }
0x1a7: {  	[tilespmem:s16], [sflag:$0x3] =	stream.indirect.gather @!p0 [hbm4b:s3+s15], $0x20, s14, s15, $0xb8;
	[tilespmem:$0x14C00] =	vst v63  }
0x1a8: {  	s13 =	sadd.s32 @!p0 $0x530, s13;
	s14 =	simm.s32 @!p0 $0x48;
	s15 =	simm.s32 @!p0 $0x10A00  }
0x1a9: {  	[tilespmem:s15], [sflag:$0x3] =	stream.indirect.gather @!p0 [hbm4b:s3+s14], $0x20, s13, s14, $0xb8;
	[tilespmem:$0x14C00] =	vst v63  }
0x1aa: {  	_ =	swait.ge [sflag:s30], $0x1000  }
0x1ab: {  	[sflag:s30] =	ssyncset.done $0x0  }
0x1ac: {  	[sflag:s30] =	ssyncadd.s32 $0xFFFFF000  }
0x1ad: {  	_ =	swait.ge [sflag:s30], $0x900  }
0x1ae: {  	[sflag:s30] =	ssyncset.done $0x0  }
0x1af: {  	s16 =	simm.s32 $0x11300;
	[sflag:s30] =	ssyncadd.s32 $0xFFFFF700  }
0x1b0: {  	v0 =	vld [tilespmem:s16+$0x0]  }
0x1b1: {  	v1 =	vld [tilespmem:s16+$0x10]  }
0x1b2: {  	v2 =	vld [tilespmem:s16+$0x20]  }
0x1b3: {  	v3 =	vld [tilespmem:s16+$0x30]  }
0x1b4: {  	v4 =	vld [tilespmem:s16+$0x40]  }
0x1b5: {  	v6 =	vimm.f32 $0.0e+00;
	v5 =	vld [tilespmem:s16+$0x50]  }
0x1b6: {  	v7 =	vld [tilespmem:s16+$0x60];
	v0 =	vadd.f32 v0, v6;
	v1 =	vadd.f32 v1, v6  }
0x1b7: {  	v6 =	vld [tilespmem:s16+$0x70]  }
0x1b8: {  	v8 =	vld [tilespmem:s16+$0x80];
	v2 =	vadd.f32 v2, v0;
	v1 =	vadd.f32 v3, v1  }
0x1b9: {  	v9 =	vld [tilespmem:s16+$0x90]  }
0x1ba: {  	v0 =	vld [tilespmem:s16+$0xA0];
	v2 =	vadd.f32 v4, v2;
	v4 =	vadd.f32 v5, v1  }
0x1bb: {  	v3 =	vld [tilespmem:s16+$0xB0]  }
0x1bc: {  	v1 =	vld [tilespmem:s16+$0xC0];
	v5 =	vadd.f32 v7, v2;
	v7 =	vadd.f32 v6, v4  }
0x1bd: {  	v4 =	vld [tilespmem:s16+$0xD0]  }
0x1be: {  	v2 =	vld [tilespmem:s16+$0xE0];
	v6 =	vadd.f32 v8, v5;
	v7 =	vadd.f32 v9, v7  }
0x1bf: {  	s13 =	simm.s32 $0x0;
	s14 =	simm.s32 $0x11400;
	v5 =	vld [tilespmem:s16+$0xF0]  }
.LBB2_20:
0x1c0: {  	v8 =	vld [tilespmem:s14+$0x0];
	v0 =	vadd.f32 v0, v6;
	v3 =	vadd.f32 v3, v7  }
0x1c1: {  	s13 =	sadd.s32 $0x8, s13;
	v6 =	vld [tilespmem:s14+$0x10]  }
0x1c2: {  	p1 =	slt.u32 s13, $0xC0;
	v7 =	vld [tilespmem:s14+$0x20];
	v0 =	vadd.f32 v1, v0;
	v1 =	vadd.f32 v4, v3  }
0x1c3: {  	v3 =	vld [tilespmem:s14+$0x30]  }
0x1c4: {  	v4 =	vld [tilespmem:s14+$0x40];
	v0 =	vadd.f32 v2, v0;
	v1 =	vadd.f32 v5, v1  }
0x1c5: {  	v2 =	vld [tilespmem:s14+$0x50]  }
0x1c6: {  	v0 =	vadd.f32 v8, v0;
	v1 =	vadd.f32 v6, v1;
	v5 =	vld [tilespmem:s14+$0x60]  }
0x1c7: {  	v6 =	vld [tilespmem:s14+$0x70]  }
0x1c8: {  	v0 =	vadd.f32 v7, v0;
	v1 =	vadd.f32 v3, v1;
	v7 =	vld [tilespmem:s14+$0x80]  }
0x1c9: {  	v8 =	vld [tilespmem:s14+$0x90]  }
0x1ca: {  	v4 =	vadd.f32 v4, v0;
	v1 =	vadd.f32 v2, v1;
	v0 =	vld [tilespmem:s14+$0xA0]  }
.Ltmp11:
0x1cb: {  	v3 =	vld [tilespmem:s14+$0xB0];
	(pc) =	sbr.rel @p1 .LBB2_20-.Ltmp11, $4  }
0x1cc: {  	v2 =	vadd.f32 v5, v4;
	v5 =	vadd.f32 v6, v1;
	v1 =	vld [tilespmem:s14+$0xC0]  }
0x1cd: {  	v4 =	vld [tilespmem:s14+$0xD0]  }
0x1ce: {  	v6 =	vadd.f32 v7, v2;
	v7 =	vadd.f32 v8, v5;
	v2 =	vld [tilespmem:s14+$0xE0]  }
0x1cf: {  	v5 =	vld [tilespmem:s14+$0xF0];
	s14 =	sadd.s32 $0x100, s14  }
0x1d0: {  	v0 =	vadd.f32 v0, v6  }
0x1d1: {  	v3 =	vadd.f32 v3, v7  }
0x1d2: {  	v0 =	vadd.f32 v1, v0  }
0x1d3: {  	v63 =	vadd.f32 v4, v3  }
0x1d4: {  	v0 =	vadd.f32 v2, v0  }
.Ltmp12:
0x1d5: {  	v1 =	vadd.f32 v5, v63;
	(pc) =	sbr.rel @p0 .LBB2_23-.Ltmp12, $4  }
0x1d6: {  	v0 =	vmul.f32 $4.999999890e-03, v0  }
0x1d7: {  	v1 =	vmul.f32 $4.999999890e-03, v1  }
0x1d8: {  	[tilespmem:s11+$0x12C60] =	vst v0  }
0x1d9: {  	[tilespmem:s11+$0x12C70] =	vst v1  }
0x1da: {  	s11 =	smul.u32 $0xC80, s1;
	_ =	sdelay $0x1  }
.Ltmp13:
0x1db: {  	s11 =	sshra.s32 s11, $0x2;
	(pc) =	sbr.rel .LBB2_13-.Ltmp13, $4  }
0x1dc: {  	s13 =	sadd.s32 $0x578, s11  }
0x1dd: {  	[tilespmem:s23], [sflag:$0x4] =	stream.indirect.gather [hbm4b:s3+s10], $0x20, s13, s10, $0xb8;
	[tilespmem:$0x14C00] =	vst v63  }
0x1de: {  	s1 =	sadd.s32 $0x1, s1;
	s11 =	sadd.s32 $0x5F8, s11  }
0x1df: {  	[tilespmem:s25], [sflag:$0x4] =	stream.indirect.gather [hbm4b:s3+s12], $0x20, s11, s12, $0xb8;
	[tilespmem:$0x14C00] =	vst v63  }
.LBB2_24:
0x1e0: {  	_ =	sfence.sel $0x180000  }
0x1e1: {  	[bflag:$0x0] =	sbarrier.arrive $0xFFFF  }
0x1e2: {  	_ =	strace $0x90000047  }
0x1e3: {  	s0 =	stileid.u32;
	[bflag:$0x2] =	sbarrier.arrive $0xFFFF  }
0x1e4: {  	p0 =	sne.s32 s0, $0x0;
	s0 =	rddreg [dreg:$0x1]  }
0x1e5: {  	s0 =	sadd.s32 @!p0 $0x100000, s0  }
0x1e6: {  	[sflag:s0] =	ssyncadd.tile.s32 @!p0 $0x1;
	_ =	shalt  }
.Lfunc_end2:
_tile_overlayer_lowered:
.L_overlay_start_2:
0x1e7: {  	(tag) =	ssettag $0x2  }
0x1e8: {  	s0 =	rddreg [dreg:$0x0];
	s2 =	stileid.u32  }
0x1e9: {  	s1 =	rddreg [dreg:$0x1];
	p0 =	sne.s32 s2, $0x0  }
0x1ea: {  	s3 =	rddreg [dreg:$0x2];
	[bflag:$0x3] =	sbarrier.arrive $0xFFFF;
	s2 =	simm.s32 @!p0 $0x1C05  }
0x1eb: {  	[timem:s3], [sflag:s2] =	dma.local @!p0 [hbm:s0], s1  }
0x1ec: {  	s0 =	simm.s32 @!p0 $0x5  }
0x1ed: {  	_ =	swait.ge @!p0 [sflag:s0], s1  }
0x1ee: {  	s1 =	ssub.s32 @!p0 $0x0, s1;
	[sflag:s0] =	ssyncset.done @!p0 $0x0  }
0x1ef: {  	[sflag:s0] =	ssyncadd.s32 @!p0 s1  }
0x1f0: {  	[bflag:$0x3] =	sbarrier.arrive $0xFFFF  }
0x1f1: {  	_ =	shalt  }

</sc_bundles>
